<compile_context>
chip_gen: v7x
topology: tpu7x:2x2x1
jax: 0.10.2.dev20260603
libtpu: 0.0.44.dev20260713+nightly
codegen_flags: <defaults>
</compile_context>

<pallas_src>
import functools

import jax
import jax.numpy as jnp
from jax import lax
from jax.experimental import pallas as pl
from jax.experimental.pallas import tpu as pltpu
from jax.experimental.pallas import tpu_sc as plsc

_KNOTS = 64
_LANES = 16
_NC = 2
_NS = 16
_NW = _NC * _NS

_H = 1.0 / 63.0
_INV_H = 1.0 / (_H + 1e-6)
_CLIP_HI = 1.0 - 2.0**-24


@functools.lru_cache(maxsize=None)
def _make_interp(rows: int, cols: int, chunk_rows: int):
    rows_per_w = rows // _NW
    n_chunks = rows_per_w // chunk_rows
    n_pairs = n_chunks // 2
    mesh = plsc.VectorSubcoreMesh(core_axis_name="c", subcore_axis_name="s")

    @functools.partial(
        pl.kernel,
        mesh=mesh,
        compiler_params=pltpu.CompilerParams(needs_layout_passes=False),
        out_type=jax.ShapeDtypeStruct((rows, cols), jnp.float32),
        scratch_types=[
            pltpu.VMEM((5 * _LANES,), jnp.float32),
            pltpu.VMEM((_KNOTS + _LANES,), jnp.float32),
            pltpu.VMEM((_KNOTS,), jnp.float32),
            pltpu.VMEM((_KNOTS,), jnp.float32),
            pltpu.VMEM((chunk_rows, cols), jnp.float32),
            pltpu.VMEM((chunk_rows, cols), jnp.float32),
            pltpu.VMEM((chunk_rows, cols), jnp.float32),
            pltpu.VMEM((chunk_rows, cols), jnp.float32),
            pltpu.SemaphoreType.DMA,
            pltpu.SemaphoreType.DMA,
            pltpu.SemaphoreType.DMA,
            pltpu.SemaphoreType.DMA,
        ],
    )
    def interp(rho_hbm, pv_hbm, out_hbm,
               pv_v, kv_v, a_v, b_v,
               in0, in1, out0, out1, is0, is1, os0, os1):
        cid = lax.axis_index("c")
        sid = lax.axis_index("s")
        wid = sid * _NC + cid
        base = wid * rows_per_w
        ins = [in0, in1]
        outs = [out0, out1]
        isems = [is0, is1]
        osems = [os0, os1]
        for s in range(2):
            pltpu.async_copy(
                rho_hbm.at[pl.ds(base + s * chunk_rows, chunk_rows)],
                ins[s], isems[s])

        pltpu.sync_copy(pv_hbm, pv_v)
        nv = _KNOTS // _LANES
        sp = []
        sums = []
        for v in range(nv):
            x = pv_v[pl.ds(v * _LANES, _LANES)]
            z = jnp.exp(-jnp.abs(x))
            s_ = z / (2.0 + z)
            s2 = s_ * s_
            ln1p = 2.0 * s_ * (1.0 + s2 * (1.0 / 3.0 + s2 * (
                1.0 / 5.0 + s2 * (1.0 / 7.0 + s2 * (1.0 / 9.0)))))
            spv = jnp.maximum(x, 0.0) + ln1p
            sp.append(spv)
            sums.append(jnp.sum(spv))
        total = sums[0] + sums[1] + sums[2] + sums[3] + 1e-6
        vf = pv_v[pl.ds(_KNOTS, _LANES)][0]
        carry = jnp.float32(0.0)
        for v in range(nv):
            cs = plsc.cumsum(sp[v]) + carry
            carry = carry + sums[v]
            w = cs / total
            kv = vf * (1.0 - jnp.minimum(jnp.maximum(w, 0.0), 0.98))
            kv_v[pl.ds(v * _LANES, _LANES)] = kv
            if v == nv - 1:
                kv_v[pl.ds(_KNOTS, _LANES)] = kv
        for v in range(nv):
            kvv = kv_v[pl.ds(v * _LANES, _LANES)]
            kvn = kv_v[pl.ds(v * _LANES + 1, _LANES)]
            bv = (kvn - kvv) * _INV_H
            g = (lax.iota(jnp.int32, _LANES) + (v * _LANES)).astype(
                jnp.float32) * _H
            a_v[pl.ds(v * _LANES, _LANES)] = kvv - bv * g
            b_v[pl.ds(v * _LANES, _LANES)] = bv

        def pair_body(p, _):
            row0 = base + p * (2 * chunk_rows)
            for s in range(2):
                row = row0 + s * chunk_rows
                pltpu.make_async_copy(
                    rho_hbm.at[pl.ds(0, chunk_rows)], ins[s], isems[s]).wait()

                @pl.when(p > 0)
                def _():
                    pltpu.make_async_copy(
                        outs[s], out_hbm.at[pl.ds(0, chunk_rows)],
                        osems[s]).wait()

                src = ins[s]
                dst = outs[s]

                @plsc.parallel_loop(0, cols, step=_LANES, unroll=2)
                def body(c):
                    for r in range(chunk_rows):
                        v = src[r, pl.ds(c, _LANES)]
                        rc = jnp.minimum(jnp.maximum(v, 0.0), _CLIP_HI)
                        ix = (rc * 63.0).astype(jnp.int32)
                        av = plsc.load_gather(a_v, [ix])
                        bv = plsc.load_gather(b_v, [ix])
                        dst[r, pl.ds(c, _LANES)] = av + bv * rc

                pltpu.async_copy(
                    dst, out_hbm.at[pl.ds(row, chunk_rows)], osems[s])

                @pl.when(p < n_pairs - 1)
                def _():
                    pltpu.async_copy(
                        rho_hbm.at[pl.ds(row + 2 * chunk_rows, chunk_rows)],
                        ins[s], isems[s])
            return None

        lax.fori_loop(0, n_pairs, pair_body, None)
        for s in range(2):
            pltpu.make_async_copy(
                outs[s], out_hbm.at[pl.ds(0, chunk_rows)], osems[s]).wait()

    return interp


def kernel(rho_norm, v_free, raw_deltas):
    pv = jnp.concatenate([
        raw_deltas.astype(jnp.float32).reshape(_KNOTS),
        jnp.full((_LANES,), v_free, dtype=jnp.float32),
    ])
    rows, cols = rho_norm.shape
    rows_per_w = rows // _NW
    chunk_rows = 8
    while chunk_rows > 1 and rows_per_w % chunk_rows:
        chunk_rows //= 2
    return _make_interp(rows, cols, chunk_rows)(rho_norm, pv)

# --- scband reference (transcript-rebuilt; emitter-appended) ---
"""Pipeline reference for scband-monotone-ve-piecewise-29892972380748 (READ-ONLY COPY).

The authoritative reference and input builder live on the scoring server;
editing this copy changes nothing except your own understanding.
"""

import jax, jax.numpy as jnp
import numpy as np

KNOTS = 64

def setup_inputs(seed: int = 0) -> dict:
    key = jax.random.key(seed)
    k1, k2 = jax.random.split(key, 2)
    rho_norm = jax.random.uniform(k1, (4096, 2048), dtype=jnp.float32)
    v_free = jnp.asarray(30.0, dtype=jnp.float32)
    raw_deltas = jax.random.normal(k2, (KNOTS,), dtype=jnp.float32)
    return {"rho_norm": rho_norm, "v_free": v_free, "raw_deltas": raw_deltas}

def reference(rho_norm, v_free, raw_deltas):
    rho = jnp.clip(rho_norm, 0.0, 1.0)
    deltas = jax.nn.softplus(raw_deltas)
    total = jnp.sum(deltas) + 1e-06
    weights = deltas / total
    knot_vals = v_free * (1.0 - jnp.clip(jnp.cumsum(weights, axis=0), 0.0, 0.98))
    grid = jnp.linspace(0.0, 1.0, KNOTS, dtype=rho.dtype)
    idx = jnp.clip(jnp.searchsorted(grid, rho, side='right') - 1, 0, KNOTS - 2)
    x0 = grid[idx]
    x1 = grid[idx + 1]
    y0 = knot_vals[idx]
    y1 = knot_vals[idx + 1]
    t = jnp.clip((rho - x0) / (x1 - x0 + 1e-06), 0.0, 1.0)
    return y0 * (1.0 - t) + y1 * t

if __name__ == "__main__":
    import jax
    _d = setup_inputs()
    print(jax.jit(kernel)(*tuple(_d.values())))

</pallas_src>

<mosaic_0001>
#map = affine_map<(d0, d1) -> (0, 0)>
#map1 = affine_map<(d0, d1) -> (0)>
module attributes {stable_mosaic.version = 14 : i64} {
  func.func @interp(%arg0: i32, %arg1: i32, %arg2: memref<4096x2048xf32, #tpu.memory_space<hbm>>, %arg3: memref<80xf32, #tpu.memory_space<hbm>>, %arg4: memref<4096x2048xf32, #tpu.memory_space<hbm>>, %arg5: memref<80xf32, #tpu.memory_space<vmem>>, %arg6: memref<80xf32, #tpu.memory_space<vmem>>, %arg7: memref<64xf32, #tpu.memory_space<vmem>>, %arg8: memref<64xf32, #tpu.memory_space<vmem>>, %arg9: memref<8x2048xf32, #tpu.memory_space<vmem>>, %arg10: memref<8x2048xf32, #tpu.memory_space<vmem>>, %arg11: memref<8x2048xf32, #tpu.memory_space<vmem>>, %arg12: memref<8x2048xf32, #tpu.memory_space<vmem>>, %arg13: memref<!tpu.dma_semaphore, #tpu.memory_space<semaphore_mem>>, %arg14: memref<!tpu.dma_semaphore, #tpu.memory_space<semaphore_mem>>, %arg15: memref<!tpu.dma_semaphore, #tpu.memory_space<semaphore_mem>>, %arg16: memref<!tpu.dma_semaphore, #tpu.memory_space<semaphore_mem>>) attributes {dimension_semantics = [#tpu.dimension_semantics<core_parallel>, #tpu.dimension_semantics<subcore_parallel>], iteration_bounds = array<i64: 2, 16>, scalar_prefetch = 0 : i64, scratch_operands = 12 : i64, tpu.core_type = #tpu.core_type<sc_vector_subcore>, window_params = [{transform_indices = #map}, {transform_indices = #map1}, {transform_indices = #map}]} {
    %mul3A = arith.constant 2 : i32
    %mul3A_0 = arith.muli %arg1, %mul3A : i32
    %add3A = arith.addi %mul3A_0, %arg0 : i32
    %mul3A_1 = arith.constant 128 : i32
    %mul3A_2 = arith.muli %add3A, %mul3A_1 : i32
    %add3A_3 = arith.constant 0 : i32
    %add3A_4 = arith.addi %mul3A_2, %add3A_3 : i32
    %dma_start3A = arith.constant 0 : i32
    %dma_start3A_5 = tpu.memref_slice %arg2[%add3A_4, %dma_start3A] : memref<4096x2048xf32, #tpu.memory_space<hbm>> -> memref<8x2048xf32, #tpu.memory_space<hbm>>
    %dma_start3A_6 = arith.constant 0 : i32
    %dma_start3A_7 = tpu.memref_slice %arg2[%add3A_4, %dma_start3A_6] : memref<4096x2048xf32, #tpu.memory_space<hbm>> -> memref<8x2048xf32, #tpu.memory_space<hbm>>
    tpu.enqueue_dma source(%dma_start3A_7 : memref<8x2048xf32, #tpu.memory_space<hbm>>) target(%arg9 : memref<8x2048xf32, #tpu.memory_space<vmem>>) target_semaphore(%arg13 : memref<!tpu.dma_semaphore, #tpu.memory_space<semaphore_mem>>)
    %add3A_8 = arith.constant 8 : i32
    %add3A_9 = arith.addi %mul3A_2, %add3A_8 : i32
    %dma_start3A_10 = arith.constant 0 : i32
    %dma_start3A_11 = tpu.memref_slice %arg2[%add3A_9, %dma_start3A_10] : memref<4096x2048xf32, #tpu.memory_space<hbm>> -> memref<8x2048xf32, #tpu.memory_space<hbm>>
    %dma_start3A_12 = arith.constant 0 : i32
    %dma_start3A_13 = tpu.memref_slice %arg2[%add3A_9, %dma_start3A_12] : memref<4096x2048xf32, #tpu.memory_space<hbm>> -> memref<8x2048xf32, #tpu.memory_space<hbm>>
    tpu.enqueue_dma source(%dma_start3A_13 : memref<8x2048xf32, #tpu.memory_space<hbm>>) target(%arg10 : memref<8x2048xf32, #tpu.memory_space<vmem>>) target_semaphore(%arg14 : memref<!tpu.dma_semaphore, #tpu.memory_space<semaphore_mem>>)
    "tpu.region"() ({
      %run_scoped3A = tpu.sem_alloc : memref<!tpu.dma_semaphore, #tpu.memory_space<semaphore_mem>>
      tpu.enqueue_dma source(%arg3 : memref<80xf32, #tpu.memory_space<hbm>>) target(%arg5 : memref<80xf32, #tpu.memory_space<vmem>>) target_semaphore(%run_scoped3A : memref<!tpu.dma_semaphore, #tpu.memory_space<semaphore_mem>>)
      tpu.wait_dma2 semaphore(%run_scoped3A : memref<!tpu.dma_semaphore, #tpu.memory_space<semaphore_mem>>) src(%arg3 : memref<80xf32, #tpu.memory_space<hbm>>) dst(%arg5 : memref<80xf32, #tpu.memory_space<vmem>>)
      tpu.yield
    }) : () -> ()
    %get3A = arith.constant 0 : index
    %get3A_14 = tpu.vector_load %arg5[%get3A] {strides = array<i32>} : memref<80xf32, #tpu.memory_space<vmem>>, vector<16xf32>,
    %abs3A = math.absf %get3A_14 : vector<16xf32>
    %neg3A = arith.constant 0.000000e+00 : f32
    %neg3A_15 = vector.broadcast %neg3A : f32 to vector<16xf32>
    %neg3A_16 = arith.subf %neg3A_15, %abs3A : vector<16xf32>
    %exp3A = math.exp %neg3A_16 : vector<16xf32>
    %add3A_17 = arith.constant 2.000000e+00 : f32
    %add3A_18 = vector.broadcast %add3A_17 : f32 to vector<16xf32>
    %add3A_19 = arith.addf %add3A_18, %exp3A : vector<16xf32>
    %div3A = arith.divf %exp3A, %add3A_19 : vector<16xf32>
    %mul3A_20 = arith.mulf %div3A, %div3A : vector<16xf32>
    %mul3A_21 = arith.constant 2.000000e+00 : f32
    %mul3A_22 = vector.broadcast %mul3A_21 : f32 to vector<16xf32>
    %mul3A_23 = arith.mulf %mul3A_22, %div3A : vector<16xf32>
    %mul3A_24 = arith.constant 0.111111112 : f32
    %mul3A_25 = vector.broadcast %mul3A_24 : f32 to vector<16xf32>
    %mul3A_26 = arith.mulf %mul3A_20, %mul3A_25 : vector<16xf32>
    %add3A_27 = arith.constant 0.142857149 : f32
    %add3A_28 = vector.broadcast %add3A_27 : f32 to vector<16xf32>
    %add3A_29 = arith.addf %add3A_28, %mul3A_26 : vector<16xf32>
    %mul3A_30 = arith.mulf %mul3A_20, %add3A_29 : vector<16xf32>
    %add3A_31 = arith.constant 2.000000e-01 : f32
    %add3A_32 = vector.broadcast %add3A_31 : f32 to vector<16xf32>
    %add3A_33 = arith.addf %add3A_32, %mul3A_30 : vector<16xf32>
    %mul3A_34 = arith.mulf %mul3A_20, %add3A_33 : vector<16xf32>
    %add3A_35 = arith.constant 0.333333343 : f32
    %add3A_36 = vector.broadcast %add3A_35 : f32 to vector<16xf32>
    %add3A_37 = arith.addf %add3A_36, %mul3A_34 : vector<16xf32>
    %mul3A_38 = arith.mulf %mul3A_20, %add3A_37 : vector<16xf32>
    %add3A_39 = arith.constant 1.000000e+00 : f32
    %add3A_40 = vector.broadcast %add3A_39 : f32 to vector<16xf32>
    %add3A_41 = arith.addf %add3A_40, %mul3A_38 : vector<16xf32>
    %mul3A_42 = arith.mulf %mul3A_23, %add3A_41 : vector<16xf32>
    %max3A = arith.constant 0.000000e+00 : f32
    %max3A_43 = vector.broadcast %max3A : f32 to vector<16xf32>
    %max3A_44 = arith.maximumf %get3A_14, %max3A_43 : vector<16xf32>
    %add3A_45 = arith.addf %max3A_44, %mul3A_42 : vector<16xf32>
    %reduce_sum3A = arith.constant true
    %reduce_sum3A_46 = vector.broadcast %reduce_sum3A : i1 to vector<16xi1>
    %reduce_sum3A_47 = tpu.scan <sum>, %add3A_45 masked %reduce_sum3A_46 : vector<16xf32>, vector<16xi1> -> vector<16xf32>
    %reduce_sum3A_48 = vector.extract %reduce_sum3A_47[15] : f32 from vector<16xf32>
    %get3A_49 = arith.constant 16 : index
    %get3A_50 = tpu.vector_load %arg5[%get3A_49] {strides = array<i32>} : memref<80xf32, #tpu.memory_space<vmem>>, vector<16xf32>,
    %abs3A_51 = math.absf %get3A_50 : vector<16xf32>
    %neg3A_52 = arith.constant 0.000000e+00 : f32
    %neg3A_53 = vector.broadcast %neg3A_52 : f32 to vector<16xf32>
    %neg3A_54 = arith.subf %neg3A_53, %abs3A_51 : vector<16xf32>
    %exp3A_55 = math.exp %neg3A_54 : vector<16xf32>
    %add3A_56 = arith.constant 2.000000e+00 : f32
    %add3A_57 = vector.broadcast %add3A_56 : f32 to vector<16xf32>
    %add3A_58 = arith.addf %add3A_57, %exp3A_55 : vector<16xf32>
    %div3A_59 = arith.divf %exp3A_55, %add3A_58 : vector<16xf32>
    %mul3A_60 = arith.mulf %div3A_59, %div3A_59 : vector<16xf32>
    %mul3A_61 = arith.constant 2.000000e+00 : f32
    %mul3A_62 = vector.broadcast %mul3A_61 : f32 to vector<16xf32>
    %mul3A_63 = arith.mulf %mul3A_62, %div3A_59 : vector<16xf32>
    %mul3A_64 = arith.constant 0.111111112 : f32
    %mul3A_65 = vector.broadcast %mul3A_64 : f32 to vector<16xf32>
    %mul3A_66 = arith.mulf %mul3A_60, %mul3A_65 : vector<16xf32>
    %add3A_67 = arith.constant 0.142857149 : f32
    %add3A_68 = vector.broadcast %add3A_67 : f32 to vector<16xf32>
    %add3A_69 = arith.addf %add3A_68, %mul3A_66 : vector<16xf32>
    %mul3A_70 = arith.mulf %mul3A_60, %add3A_69 : vector<16xf32>
    %add3A_71 = arith.constant 2.000000e-01 : f32
    %add3A_72 = vector.broadcast %add3A_71 : f32 to vector<16xf32>
    %add3A_73 = arith.addf %add3A_72, %mul3A_70 : vector<16xf32>
    %mul3A_74 = arith.mulf %mul3A_60, %add3A_73 : vector<16xf32>
    %add3A_75 = arith.constant 0.333333343 : f32
    %add3A_76 = vector.broadcast %add3A_75 : f32 to vector<16xf32>
    %add3A_77 = arith.addf %add3A_76, %mul3A_74 : vector<16xf32>
    %mul3A_78 = arith.mulf %mul3A_60, %add3A_77 : vector<16xf32>
    %add3A_79 = arith.constant 1.000000e+00 : f32
    %add3A_80 = vector.broadcast %add3A_79 : f32 to vector<16xf32>
    %add3A_81 = arith.addf %add3A_80, %mul3A_78 : vector<16xf32>
    %mul3A_82 = arith.mulf %mul3A_63, %add3A_81 : vector<16xf32>
    %max3A_83 = arith.constant 0.000000e+00 : f32
    %max3A_84 = vector.broadcast %max3A_83 : f32 to vector<16xf32>
    %max3A_85 = arith.maximumf %get3A_50, %max3A_84 : vector<16xf32>
    %add3A_86 = arith.addf %max3A_85, %mul3A_82 : vector<16xf32>
    %reduce_sum3A_87 = arith.constant true
    %reduce_sum3A_88 = vector.broadcast %reduce_sum3A_87 : i1 to vector<16xi1>
    %reduce_sum3A_89 = tpu.scan <sum>, %add3A_86 masked %reduce_sum3A_88 : vector<16xf32>, vector<16xi1> -> vector<16xf32>
    %reduce_sum3A_90 = vector.extract %reduce_sum3A_89[15] : f32 from vector<16xf32>
    %get3A_91 = arith.constant 32 : index
    %get3A_92 = tpu.vector_load %arg5[%get3A_91] {strides = array<i32>} : memref<80xf32, #tpu.memory_space<vmem>>, vector<16xf32>,
    %abs3A_93 = math.absf %get3A_92 : vector<16xf32>
    %neg3A_94 = arith.constant 0.000000e+00 : f32
    %neg3A_95 = vector.broadcast %neg3A_94 : f32 to vector<16xf32>
    %neg3A_96 = arith.subf %neg3A_95, %abs3A_93 : vector<16xf32>
    %exp3A_97 = math.exp %neg3A_96 : vector<16xf32>
    %add3A_98 = arith.constant 2.000000e+00 : f32
    %add3A_99 = vector.broadcast %add3A_98 : f32 to vector<16xf32>
    %add3A_100 = arith.addf %add3A_99, %exp3A_97 : vector<16xf32>
    %div3A_101 = arith.divf %exp3A_97, %add3A_100 : vector<16xf32>
    %mul3A_102 = arith.mulf %div3A_101, %div3A_101 : vector<16xf32>
    %mul3A_103 = arith.constant 2.000000e+00 : f32
    %mul3A_104 = vector.broadcast %mul3A_103 : f32 to vector<16xf32>
    %mul3A_105 = arith.mulf %mul3A_104, %div3A_101 : vector<16xf32>
    %mul3A_106 = arith.constant 0.111111112 : f32
    %mul3A_107 = vector.broadcast %mul3A_106 : f32 to vector<16xf32>
    %mul3A_108 = arith.mulf %mul3A_102, %mul3A_107 : vector<16xf32>
    %add3A_109 = arith.constant 0.142857149 : f32
    %add3A_110 = vector.broadcast %add3A_109 : f32 to vector<16xf32>
    %add3A_111 = arith.addf %add3A_110, %mul3A_108 : vector<16xf32>
    %mul3A_112 = arith.mulf %mul3A_102, %add3A_111 : vector<16xf32>
    %add3A_113 = arith.constant 2.000000e-01 : f32
    %add3A_114 = vector.broadcast %add3A_113 : f32 to vector<16xf32>
    %add3A_115 = arith.addf %add3A_114, %mul3A_112 : vector<16xf32>
    %mul3A_116 = arith.mulf %mul3A_102, %add3A_115 : vector<16xf32>
    %add3A_117 = arith.constant 0.333333343 : f32
    %add3A_118 = vector.broadcast %add3A_117 : f32 to vector<16xf32>
    %add3A_119 = arith.addf %add3A_118, %mul3A_116 : vector<16xf32>
    %mul3A_120 = arith.mulf %mul3A_102, %add3A_119 : vector<16xf32>
    %add3A_121 = arith.constant 1.000000e+00 : f32
    %add3A_122 = vector.broadcast %add3A_121 : f32 to vector<16xf32>
    %add3A_123 = arith.addf %add3A_122, %mul3A_120 : vector<16xf32>
    %mul3A_124 = arith.mulf %mul3A_105, %add3A_123 : vector<16xf32>
    %max3A_125 = arith.constant 0.000000e+00 : f32
    %max3A_126 = vector.broadcast %max3A_125 : f32 to vector<16xf32>
    %max3A_127 = arith.maximumf %get3A_92, %max3A_126 : vector<16xf32>
    %add3A_128 = arith.addf %max3A_127, %mul3A_124 : vector<16xf32>
    %reduce_sum3A_129 = arith.constant true
    %reduce_sum3A_130 = vector.broadcast %reduce_sum3A_129 : i1 to vector<16xi1>
    %reduce_sum3A_131 = tpu.scan <sum>, %add3A_128 masked %reduce_sum3A_130 : vector<16xf32>, vector<16xi1> -> vector<16xf32>
    %reduce_sum3A_132 = vector.extract %reduce_sum3A_131[15] : f32 from vector<16xf32>
    %get3A_133 = arith.constant 48 : index
    %get3A_134 = tpu.vector_load %arg5[%get3A_133] {strides = array<i32>} : memref<80xf32, #tpu.memory_space<vmem>>, vector<16xf32>,
    %abs3A_135 = math.absf %get3A_134 : vector<16xf32>
    %neg3A_136 = arith.constant 0.000000e+00 : f32
    %neg3A_137 = vector.broadcast %neg3A_136 : f32 to vector<16xf32>
    %neg3A_138 = arith.subf %neg3A_137, %abs3A_135 : vector<16xf32>
    %exp3A_139 = math.exp %neg3A_138 : vector<16xf32>
    %add3A_140 = arith.constant 2.000000e+00 : f32
    %add3A_141 = vector.broadcast %add3A_140 : f32 to vector<16xf32>
    %add3A_142 = arith.addf %add3A_141, %exp3A_139 : vector<16xf32>
    %div3A_143 = arith.divf %exp3A_139, %add3A_142 : vector<16xf32>
    %mul3A_144 = arith.mulf %div3A_143, %div3A_143 : vector<16xf32>
    %mul3A_145 = arith.constant 2.000000e+00 : f32
    %mul3A_146 = vector.broadcast %mul3A_145 : f32 to vector<16xf32>
    %mul3A_147 = arith.mulf %mul3A_146, %div3A_143 : vector<16xf32>
    %mul3A_148 = arith.constant 0.111111112 : f32
    %mul3A_149 = vector.broadcast %mul3A_148 : f32 to vector<16xf32>
    %mul3A_150 = arith.mulf %mul3A_144, %mul3A_149 : vector<16xf32>
    %add3A_151 = arith.constant 0.142857149 : f32
    %add3A_152 = vector.broadcast %add3A_151 : f32 to vector<16xf32>
    %add3A_153 = arith.addf %add3A_152, %mul3A_150 : vector<16xf32>
    %mul3A_154 = arith.mulf %mul3A_144, %add3A_153 : vector<16xf32>
    %add3A_155 = arith.constant 2.000000e-01 : f32
    %add3A_156 = vector.broadcast %add3A_155 : f32 to vector<16xf32>
    %add3A_157 = arith.addf %add3A_156, %mul3A_154 : vector<16xf32>
    %mul3A_158 = arith.mulf %mul3A_144, %add3A_157 : vector<16xf32>
    %add3A_159 = arith.constant 0.333333343 : f32
    %add3A_160 = vector.broadcast %add3A_159 : f32 to vector<16xf32>
    %add3A_161 = arith.addf %add3A_160, %mul3A_158 : vector<16xf32>
    %mul3A_162 = arith.mulf %mul3A_144, %add3A_161 : vector<16xf32>
    %add3A_163 = arith.constant 1.000000e+00 : f32
    %add3A_164 = vector.broadcast %add3A_163 : f32 to vector<16xf32>
    %add3A_165 = arith.addf %add3A_164, %mul3A_162 : vector<16xf32>
    %mul3A_166 = arith.mulf %mul3A_147, %add3A_165 : vector<16xf32>
    %max3A_167 = arith.constant 0.000000e+00 : f32
    %max3A_168 = vector.broadcast %max3A_167 : f32 to vector<16xf32>
    %max3A_169 = arith.maximumf %get3A_134, %max3A_168 : vector<16xf32>
    %add3A_170 = arith.addf %max3A_169, %mul3A_166 : vector<16xf32>
    %reduce_sum3A_171 = arith.constant true
    %reduce_sum3A_172 = vector.broadcast %reduce_sum3A_171 : i1 to vector<16xi1>
    %reduce_sum3A_173 = tpu.scan <sum>, %add3A_170 masked %reduce_sum3A_172 : vector<16xf32>, vector<16xi1> -> vector<16xf32>
    %reduce_sum3A_174 = vector.extract %reduce_sum3A_173[15] : f32 from vector<16xf32>
    %add3A_175 = arith.addf %reduce_sum3A_48, %reduce_sum3A_90 : f32
    %add3A_176 = arith.addf %add3A_175, %reduce_sum3A_132 : f32
    %add3A_177 = arith.addf %add3A_176, %reduce_sum3A_174 : f32
    %add3A_178 = arith.constant 9.99999997E-7 : f32
    %add3A_179 = arith.addf %add3A_177, %add3A_178 : f32
    %get3A_180 = arith.constant 64 : index
    %get3A_181 = tpu.vector_load %arg5[%get3A_180] {strides = array<i32>} : memref<80xf32, #tpu.memory_space<vmem>>, vector<16xf32>,
    %slice3A = vector.extract_strided_slice %get3A_181 {offsets = [0], sizes = [1], strides = [1]} : vector<16xf32> to vector<1xf32>
    %squeeze3A = vector.extract %slice3A[0] : f32 from vector<1xf32>
    %broadcast_in_dim3A = arith.constant true
    %broadcast_in_dim3A_182 = vector.broadcast %broadcast_in_dim3A : i1 to vector<16xi1>
    %masked_cumsum3A = tpu.scan <sum>, %add3A_45 masked %broadcast_in_dim3A_182 : vector<16xf32>, vector<16xi1> -> vector<16xf32>
    %add3A_183 = arith.constant 0.000000e+00 : f32
    %add3A_184 = vector.broadcast %add3A_183 : f32 to vector<16xf32>
    %add3A_185 = arith.addf %masked_cumsum3A, %add3A_184 : vector<16xf32>
    %add3A_186 = arith.constant 0.000000e+00 : f32
    %add3A_187 = arith.addf %add3A_186, %reduce_sum3A_48 : f32
    %div3A_188 = vector.broadcast %add3A_179 : f32 to vector<16xf32>
    %div3A_189 = arith.divf %add3A_185, %div3A_188 : vector<16xf32>
    %max3A_190 = arith.constant 0.000000e+00 : f32
    %max3A_191 = vector.broadcast %max3A_190 : f32 to vector<16xf32>
    %max3A_192 = arith.maximumf %div3A_189, %max3A_191 : vector<16xf32>
    %min3A = arith.constant 9.800000e-01 : f32
    %min3A_193 = vector.broadcast %min3A : f32 to vector<16xf32>
    %min3A_194 = arith.minimumf %max3A_192, %min3A_193 : vector<16xf32>
    %sub3A = arith.constant 1.000000e+00 : f32
    %sub3A_195 = vector.broadcast %sub3A : f32 to vector<16xf32>
    %sub3A_196 = arith.subf %sub3A_195, %min3A_194 : vector<16xf32>
    %mul3A_197 = vector.broadcast %squeeze3A : f32 to vector<16xf32>
    %mul3A_198 = arith.mulf %mul3A_197, %sub3A_196 : vector<16xf32>
    %swap3A = arith.constant 0 : index
    %swap3A_199 = tpu.vector_load %arg6[%swap3A] {strides = array<i32>} : memref<80xf32, #tpu.memory_space<vmem>>, vector<16xf32>,
    tpu.vector_store %arg6[%swap3A], %mul3A_198 {strides = array<i32>} : memref<80xf32, #tpu.memory_space<vmem>>, vector<16xf32>,
    %broadcast_in_dim3A_200 = arith.constant true
    %broadcast_in_dim3A_201 = vector.broadcast %broadcast_in_dim3A_200 : i1 to vector<16xi1>
    %masked_cumsum3A_202 = tpu.scan <sum>, %add3A_86 masked %broadcast_in_dim3A_201 : vector<16xf32>, vector<16xi1> -> vector<16xf32>
    %add3A_203 = vector.broadcast %add3A_187 : f32 to vector<16xf32>
    %add3A_204 = arith.addf %masked_cumsum3A_202, %add3A_203 : vector<16xf32>
    %add3A_205 = arith.addf %add3A_187, %reduce_sum3A_90 : f32
    %div3A_206 = vector.broadcast %add3A_179 : f32 to vector<16xf32>
    %div3A_207 = arith.divf %add3A_204, %div3A_206 : vector<16xf32>
    %max3A_208 = arith.constant 0.000000e+00 : f32
    %max3A_209 = vector.broadcast %max3A_208 : f32 to vector<16xf32>
    %max3A_210 = arith.maximumf %div3A_207, %max3A_209 : vector<16xf32>
    %min3A_211 = arith.constant 9.800000e-01 : f32
    %min3A_212 = vector.broadcast %min3A_211 : f32 to vector<16xf32>
    %min3A_213 = arith.minimumf %max3A_210, %min3A_212 : vector<16xf32>
    %sub3A_214 = arith.constant 1.000000e+00 : f32
    %sub3A_215 = vector.broadcast %sub3A_214 : f32 to vector<16xf32>
    %sub3A_216 = arith.subf %sub3A_215, %min3A_213 : vector<16xf32>
    %mul3A_217 = vector.broadcast %squeeze3A : f32 to vector<16xf32>
    %mul3A_218 = arith.mulf %mul3A_217, %sub3A_216 : vector<16xf32>
    %swap3A_219 = arith.constant 16 : index
    %swap3A_220 = tpu.vector_load %arg6[%swap3A_219] {strides = array<i32>} : memref<80xf32, #tpu.memory_space<vmem>>, vector<16xf32>,
    tpu.vector_store %arg6[%swap3A_219], %mul3A_218 {strides = array<i32>} : memref<80xf32, #tpu.memory_space<vmem>>, vector<16xf32>,
    %broadcast_in_dim3A_221 = arith.constant true
    %broadcast_in_dim3A_222 = vector.broadcast %broadcast_in_dim3A_221 : i1 to vector<16xi1>
    %masked_cumsum3A_223 = tpu.scan <sum>, %add3A_128 masked %broadcast_in_dim3A_222 : vector<16xf32>, vector<16xi1> -> vector<16xf32>
    %add3A_224 = vector.broadcast %add3A_205 : f32 to vector<16xf32>
    %add3A_225 = arith.addf %masked_cumsum3A_223, %add3A_224 : vector<16xf32>
    %add3A_226 = arith.addf %add3A_205, %reduce_sum3A_132 : f32
    %div3A_227 = vector.broadcast %add3A_179 : f32 to vector<16xf32>
    %div3A_228 = arith.divf %add3A_225, %div3A_227 : vector<16xf32>
    %max3A_229 = arith.constant 0.000000e+00 : f32
    %max3A_230 = vector.broadcast %max3A_229 : f32 to vector<16xf32>
    %max3A_231 = arith.maximumf %div3A_228, %max3A_230 : vector<16xf32>
    %min3A_232 = arith.constant 9.800000e-01 : f32
    %min3A_233 = vector.broadcast %min3A_232 : f32 to vector<16xf32>
    %min3A_234 = arith.minimumf %max3A_231, %min3A_233 : vector<16xf32>
    %sub3A_235 = arith.constant 1.000000e+00 : f32
    %sub3A_236 = vector.broadcast %sub3A_235 : f32 to vector<16xf32>
    %sub3A_237 = arith.subf %sub3A_236, %min3A_234 : vector<16xf32>
    %mul3A_238 = vector.broadcast %squeeze3A : f32 to vector<16xf32>
    %mul3A_239 = arith.mulf %mul3A_238, %sub3A_237 : vector<16xf32>
    %swap3A_240 = arith.constant 32 : index
    %swap3A_241 = tpu.vector_load %arg6[%swap3A_240] {strides = array<i32>} : memref<80xf32, #tpu.memory_space<vmem>>, vector<16xf32>,
    tpu.vector_store %arg6[%swap3A_240], %mul3A_239 {strides = array<i32>} : memref<80xf32, #tpu.memory_space<vmem>>, vector<16xf32>,
    %broadcast_in_dim3A_242 = arith.constant true
    %broadcast_in_dim3A_243 = vector.broadcast %broadcast_in_dim3A_242 : i1 to vector<16xi1>
    %masked_cumsum3A_244 = tpu.scan <sum>, %add3A_170 masked %broadcast_in_dim3A_243 : vector<16xf32>, vector<16xi1> -> vector<16xf32>
    %add3A_245 = vector.broadcast %add3A_226 : f32 to vector<16xf32>
    %add3A_246 = arith.addf %masked_cumsum3A_244, %add3A_245 : vector<16xf32>
    %add3A_247 = arith.addf %add3A_226, %reduce_sum3A_174 : f32
    %div3A_248 = vector.broadcast %add3A_179 : f32 to vector<16xf32>
    %div3A_249 = arith.divf %add3A_246, %div3A_248 : vector<16xf32>
    %max3A_250 = arith.constant 0.000000e+00 : f32
    %max3A_251 = vector.broadcast %max3A_250 : f32 to vector<16xf32>
    %max3A_252 = arith.maximumf %div3A_249, %max3A_251 : vector<16xf32>
    %min3A_253 = arith.constant 9.800000e-01 : f32
    %min3A_254 = vector.broadcast %min3A_253 : f32 to vector<16xf32>
    %min3A_255 = arith.minimumf %max3A_252, %min3A_254 : vector<16xf32>
    %sub3A_256 = arith.constant 1.000000e+00 : f32
    %sub3A_257 = vector.broadcast %sub3A_256 : f32 to vector<16xf32>
    %sub3A_258 = arith.subf %sub3A_257, %min3A_255 : vector<16xf32>
    %mul3A_259 = vector.broadcast %squeeze3A : f32 to vector<16xf32>
    %mul3A_260 = arith.mulf %mul3A_259, %sub3A_258 : vector<16xf32>
    %swap3A_261 = arith.constant 48 : index
    %swap3A_262 = tpu.vector_load %arg6[%swap3A_261] {strides = array<i32>} : memref<80xf32, #tpu.memory_space<vmem>>, vector<16xf32>,
    tpu.vector_store %arg6[%swap3A_261], %mul3A_260 {strides = array<i32>} : memref<80xf32, #tpu.memory_space<vmem>>, vector<16xf32>,
    %swap3A_263 = arith.constant 64 : index
    %swap3A_264 = tpu.vector_load %arg6[%swap3A_263] {strides = array<i32>} : memref<80xf32, #tpu.memory_space<vmem>>, vector<16xf32>,
    tpu.vector_store %arg6[%swap3A_263], %mul3A_260 {strides = array<i32>} : memref<80xf32, #tpu.memory_space<vmem>>, vector<16xf32>,
    %get3A_265 = arith.constant 0 : index
    %get3A_266 = tpu.vector_load %arg6[%get3A_265] {strides = array<i32>} : memref<80xf32, #tpu.memory_space<vmem>>, vector<16xf32>,
    %get3A_267 = arith.constant 1 : index
    %get3A_268 = tpu.vector_load %arg6[%get3A_267] {strides = array<i32>} : memref<80xf32, #tpu.memory_space<vmem>>, vector<16xf32>,
    %sub3A_269 = arith.subf %get3A_268, %get3A_266 : vector<16xf32>
    %mul3A_270 = arith.constant 62.9960327 : f32
    %mul3A_271 = vector.broadcast %mul3A_270 : f32 to vector<16xf32>
    %mul3A_272 = arith.mulf %sub3A_269, %mul3A_271 : vector<16xf32>
    %iota3A = tpu.iota {dimensions = array<i32: 0>} : vector<16xi32>
    %add3A_273 = arith.constant 0 : i32
    %add3A_274 = vector.broadcast %add3A_273 : i32 to vector<16xi32>
    %add3A_275 = arith.addi %iota3A, %add3A_274 : vector<16xi32>
    %convert_element_type3A = arith.sitofp %add3A_275 : vector<16xi32> to vector<16xf32>
    %mul3A_276 = arith.constant 0.0158730168 : f32
    %mul3A_277 = vector.broadcast %mul3A_276 : f32 to vector<16xf32>
    %mul3A_278 = arith.mulf %convert_element_type3A, %mul3A_277 : vector<16xf32>
    %mul3A_279 = arith.mulf %mul3A_272, %mul3A_278 : vector<16xf32>
    %sub3A_280 = arith.subf %get3A_266, %mul3A_279 : vector<16xf32>
    %swap3A_281 = arith.constant 0 : index
    %swap3A_282 = tpu.vector_load %arg7[%swap3A_281] {strides = array<i32>} : memref<64xf32, #tpu.memory_space<vmem>>, vector<16xf32>,
    tpu.vector_store %arg7[%swap3A_281], %sub3A_280 {strides = array<i32>} : memref<64xf32, #tpu.memory_space<vmem>>, vector<16xf32>,
    %swap3A_283 = arith.constant 0 : index
    %swap3A_284 = tpu.vector_load %arg8[%swap3A_283] {strides = array<i32>} : memref<64xf32, #tpu.memory_space<vmem>>, vector<16xf32>,
    tpu.vector_store %arg8[%swap3A_283], %mul3A_272 {strides = array<i32>} : memref<64xf32, #tpu.memory_space<vmem>>, vector<16xf32>,
    %get3A_285 = arith.constant 16 : index
    %get3A_286 = tpu.vector_load %arg6[%get3A_285] {strides = array<i32>} : memref<80xf32, #tpu.memory_space<vmem>>, vector<16xf32>,
    %get3A_287 = arith.constant 17 : index
    %get3A_288 = tpu.vector_load %arg6[%get3A_287] {strides = array<i32>} : memref<80xf32, #tpu.memory_space<vmem>>, vector<16xf32>,
    %sub3A_289 = arith.subf %get3A_288, %get3A_286 : vector<16xf32>
    %mul3A_290 = arith.constant 62.9960327 : f32
    %mul3A_291 = vector.broadcast %mul3A_290 : f32 to vector<16xf32>
    %mul3A_292 = arith.mulf %sub3A_289, %mul3A_291 : vector<16xf32>
    %iota3A_293 = tpu.iota {dimensions = array<i32: 0>} : vector<16xi32>
    %add3A_294 = arith.constant 16 : i32
    %add3A_295 = vector.broadcast %add3A_294 : i32 to vector<16xi32>
    %add3A_296 = arith.addi %iota3A_293, %add3A_295 : vector<16xi32>
    %convert_element_type3A_297 = arith.sitofp %add3A_296 : vector<16xi32> to vector<16xf32>
    %mul3A_298 = arith.constant 0.0158730168 : f32
    %mul3A_299 = vector.broadcast %mul3A_298 : f32 to vector<16xf32>
    %mul3A_300 = arith.mulf %convert_element_type3A_297, %mul3A_299 : vector<16xf32>
    %mul3A_301 = arith.mulf %mul3A_292, %mul3A_300 : vector<16xf32>
    %sub3A_302 = arith.subf %get3A_286, %mul3A_301 : vector<16xf32>
    %swap3A_303 = arith.constant 16 : index
    %swap3A_304 = tpu.vector_load %arg7[%swap3A_303] {strides = array<i32>} : memref<64xf32, #tpu.memory_space<vmem>>, vector<16xf32>,
    tpu.vector_store %arg7[%swap3A_303], %sub3A_302 {strides = array<i32>} : memref<64xf32, #tpu.memory_space<vmem>>, vector<16xf32>,
    %swap3A_305 = arith.constant 16 : index
    %swap3A_306 = tpu.vector_load %arg8[%swap3A_305] {strides = array<i32>} : memref<64xf32, #tpu.memory_space<vmem>>, vector<16xf32>,
    tpu.vector_store %arg8[%swap3A_305], %mul3A_292 {strides = array<i32>} : memref<64xf32, #tpu.memory_space<vmem>>, vector<16xf32>,
    %get3A_307 = arith.constant 32 : index
    %get3A_308 = tpu.vector_load %arg6[%get3A_307] {strides = array<i32>} : memref<80xf32, #tpu.memory_space<vmem>>, vector<16xf32>,
    %get3A_309 = arith.constant 33 : index
    %get3A_310 = tpu.vector_load %arg6[%get3A_309] {strides = array<i32>} : memref<80xf32, #tpu.memory_space<vmem>>, vector<16xf32>,
    %sub3A_311 = arith.subf %get3A_310, %get3A_308 : vector<16xf32>
    %mul3A_312 = arith.constant 62.9960327 : f32
    %mul3A_313 = vector.broadcast %mul3A_312 : f32 to vector<16xf32>
    %mul3A_314 = arith.mulf %sub3A_311, %mul3A_313 : vector<16xf32>
    %iota3A_315 = tpu.iota {dimensions = array<i32: 0>} : vector<16xi32>
    %add3A_316 = arith.constant 32 : i32
    %add3A_317 = vector.broadcast %add3A_316 : i32 to vector<16xi32>
    %add3A_318 = arith.addi %iota3A_315, %add3A_317 : vector<16xi32>
    %convert_element_type3A_319 = arith.sitofp %add3A_318 : vector<16xi32> to vector<16xf32>
    %mul3A_320 = arith.constant 0.0158730168 : f32
    %mul3A_321 = vector.broadcast %mul3A_320 : f32 to vector<16xf32>
    %mul3A_322 = arith.mulf %convert_element_type3A_319, %mul3A_321 : vector<16xf32>
    %mul3A_323 = arith.mulf %mul3A_314, %mul3A_322 : vector<16xf32>
    %sub3A_324 = arith.subf %get3A_308, %mul3A_323 : vector<16xf32>
    %swap3A_325 = arith.constant 32 : index
    %swap3A_326 = tpu.vector_load %arg7[%swap3A_325] {strides = array<i32>} : memref<64xf32, #tpu.memory_space<vmem>>, vector<16xf32>,
    tpu.vector_store %arg7[%swap3A_325], %sub3A_324 {strides = array<i32>} : memref<64xf32, #tpu.memory_space<vmem>>, vector<16xf32>,
    %swap3A_327 = arith.constant 32 : index
    %swap3A_328 = tpu.vector_load %arg8[%swap3A_327] {strides = array<i32>} : memref<64xf32, #tpu.memory_space<vmem>>, vector<16xf32>,
    tpu.vector_store %arg8[%swap3A_327], %mul3A_314 {strides = array<i32>} : memref<64xf32, #tpu.memory_space<vmem>>, vector<16xf32>,
    %get3A_329 = arith.constant 48 : index
    %get3A_330 = tpu.vector_load %arg6[%get3A_329] {strides = array<i32>} : memref<80xf32, #tpu.memory_space<vmem>>, vector<16xf32>,
    %get3A_331 = arith.constant 49 : index
    %get3A_332 = tpu.vector_load %arg6[%get3A_331] {strides = array<i32>} : memref<80xf32, #tpu.memory_space<vmem>>, vector<16xf32>,
    %sub3A_333 = arith.subf %get3A_332, %get3A_330 : vector<16xf32>
    %mul3A_334 = arith.constant 62.9960327 : f32
    %mul3A_335 = vector.broadcast %mul3A_334 : f32 to vector<16xf32>
    %mul3A_336 = arith.mulf %sub3A_333, %mul3A_335 : vector<16xf32>
    %iota3A_337 = tpu.iota {dimensions = array<i32: 0>} : vector<16xi32>
    %add3A_338 = arith.constant 48 : i32
    %add3A_339 = vector.broadcast %add3A_338 : i32 to vector<16xi32>
    %add3A_340 = arith.addi %iota3A_337, %add3A_339 : vector<16xi32>
    %convert_element_type3A_341 = arith.sitofp %add3A_340 : vector<16xi32> to vector<16xf32>
    %mul3A_342 = arith.constant 0.0158730168 : f32
    %mul3A_343 = vector.broadcast %mul3A_342 : f32 to vector<16xf32>
    %mul3A_344 = arith.mulf %convert_element_type3A_341, %mul3A_343 : vector<16xf32>
    %mul3A_345 = arith.mulf %mul3A_336, %mul3A_344 : vector<16xf32>
    %sub3A_346 = arith.subf %get3A_330, %mul3A_345 : vector<16xf32>
    %swap3A_347 = arith.constant 48 : index
    %swap3A_348 = tpu.vector_load %arg7[%swap3A_347] {strides = array<i32>} : memref<64xf32, #tpu.memory_space<vmem>>, vector<16xf32>,
    tpu.vector_store %arg7[%swap3A_347], %sub3A_346 {strides = array<i32>} : memref<64xf32, #tpu.memory_space<vmem>>, vector<16xf32>,
    %swap3A_349 = arith.constant 48 : index
    %swap3A_350 = tpu.vector_load %arg8[%swap3A_349] {strides = array<i32>} : memref<64xf32, #tpu.memory_space<vmem>>, vector<16xf32>,
    tpu.vector_store %arg8[%swap3A_349], %mul3A_336 {strides = array<i32>} : memref<64xf32, #tpu.memory_space<vmem>>, vector<16xf32>,
    %scan3A = arith.constant 0 : i32
    %scan3A_351 = arith.constant 8 : i32
    %scan3A_352 = arith.addi %scan3A, %scan3A_351 : i32
    %scan3A_353 = arith.constant 1 : i32
    scf.for %scan3A_366 = %scan3A to %scan3A_352 step %scan3A_353  : i32 {
      %mul3A_367 = arith.constant 16 : i32
      %mul3A_368 = arith.muli %scan3A_366, %mul3A_367 : i32
      %add3A_369 = arith.addi %mul3A_2, %mul3A_368 : i32
      %add3A_370 = arith.constant 0 : i32
      %add3A_371 = arith.addi %add3A_369, %add3A_370 : i32
      %dma_wait3A_372 = arith.constant 0 : i32
      %dma_wait3A_373 = arith.constant 0 : i32
      %dma_wait3A_374 = tpu.memref_slice %arg2[%dma_wait3A_372, %dma_wait3A_373] : memref<4096x2048xf32, #tpu.memory_space<hbm>> -> memref<8x2048xf32, #tpu.memory_space<hbm>>
      %dma_wait3A_375 = arith.constant 0 : i32
      %dma_wait3A_376 = arith.constant 0 : i32
      %dma_wait3A_377 = tpu.memref_slice %arg2[%dma_wait3A_375, %dma_wait3A_376] : memref<4096x2048xf32, #tpu.memory_space<hbm>> -> memref<8x2048xf32, #tpu.memory_space<hbm>>
      tpu.wait_dma2 semaphore(%arg13 : memref<!tpu.dma_semaphore, #tpu.memory_space<semaphore_mem>>) src(%dma_wait3A_377 : memref<8x2048xf32, #tpu.memory_space<hbm>>) dst(%arg9 : memref<8x2048xf32, #tpu.memory_space<vmem>>)
      %gt3A = arith.constant 0 : i32
      %gt3A_378 = arith.cmpi sgt, %scan3A_366, %gt3A : i32
      %convert_element_type3A_379 = arith.extui %gt3A_378 : i1 to i32
      %cond3A = arith.constant 0 : i32
      %cond3A_380 = arith.cmpi ne, %convert_element_type3A_379, %cond3A : i32
      scf.if %cond3A_380 {
        %dma_wait3A_416 = arith.constant 0 : i32
        %dma_wait3A_417 = arith.constant 0 : i32
        %dma_wait3A_418 = tpu.memref_slice %arg4[%dma_wait3A_416, %dma_wait3A_417] : memref<4096x2048xf32, #tpu.memory_space<hbm>> -> memref<8x2048xf32, #tpu.memory_space<hbm>>
        %dma_wait3A_419 = arith.constant 0 : i32
        %dma_wait3A_420 = arith.constant 0 : i32
        %dma_wait3A_421 = tpu.memref_slice %arg4[%dma_wait3A_419, %dma_wait3A_420] : memref<4096x2048xf32, #tpu.memory_space<hbm>> -> memref<8x2048xf32, #tpu.memory_space<hbm>>
        tpu.wait_dma2 semaphore(%arg15 : memref<!tpu.dma_semaphore, #tpu.memory_space<semaphore_mem>>) src(%arg11 : memref<8x2048xf32, #tpu.memory_space<vmem>>) dst(%dma_wait3A_421 : memref<8x2048xf32, #tpu.memory_space<hbm>>)
      } else {
      }
      %parallel_loop3A = arith.constant 0 : i32
      %parallel_loop3A_381 = arith.constant 2048 : i32
      %parallel_loop3A_382 = arith.constant 16 : i32
      scf.for %parallel_loop3A_416 = %parallel_loop3A to %parallel_loop3A_381 step %parallel_loop3A_382  : i32 {
        %parallel_loop3A_417 = arith.constant 0 : i32
        %parallel_loop3A_418 = arith.index_cast %parallel_loop3A_417 : i32 to index
        %parallel_loop3A_419 = arith.index_cast %parallel_loop3A_416 : i32 to index
        %parallel_loop3A_420 = tpu.vector_load %arg9[%parallel_loop3A_418, %parallel_loop3A_419] {strides = array<i32>} : memref<8x2048xf32, #tpu.memory_space<vmem>>, vector<16xf32>,
        %parallel_loop3A_421 = arith.constant 0.000000e+00 : f32
        %parallel_loop3A_422 = vector.broadcast %parallel_loop3A_421 : f32 to vector<16xf32>
        %parallel_loop3A_423 = arith.maximumf %parallel_loop3A_420, %parallel_loop3A_422 : vector<16xf32>
        %parallel_loop3A_424 = arith.constant 0.99999994 : f32
        %parallel_loop3A_425 = vector.broadcast %parallel_loop3A_424 : f32 to vector<16xf32>
        %parallel_loop3A_426 = arith.minimumf %parallel_loop3A_423, %parallel_loop3A_425 : vector<16xf32>
        %parallel_loop3A_427 = arith.constant 6.300000e+01 : f32
        %parallel_loop3A_428 = vector.broadcast %parallel_loop3A_427 : f32 to vector<16xf32>
        %parallel_loop3A_429 = arith.mulf %parallel_loop3A_426, %parallel_loop3A_428 : vector<16xf32>
        %parallel_loop3A_430 = arith.fptosi %parallel_loop3A_429 : vector<16xf32> to vector<16xi32>
        %parallel_loop3A_431 = tpu.vector_load_idx %arg7[%parallel_loop3A_430] : memref<64xf32, #tpu.memory_space<vmem>>[vector<16xi32>], vector<16xf32>,
        %parallel_loop3A_432 = tpu.vector_load_idx %arg8[%parallel_loop3A_430] : memref<64xf32, #tpu.memory_space<vmem>>[vector<16xi32>], vector<16xf32>,
        %parallel_loop3A_433 = arith.mulf %parallel_loop3A_432, %parallel_loop3A_426 : vector<16xf32>
        %parallel_loop3A_434 = arith.addf %parallel_loop3A_431, %parallel_loop3A_433 : vector<16xf32>
        %parallel_loop3A_435 = arith.constant 0 : i32
        %parallel_loop3A_436 = arith.index_cast %parallel_loop3A_435 : i32 to index
        %parallel_loop3A_437 = arith.index_cast %parallel_loop3A_416 : i32 to index
        %parallel_loop3A_438 = tpu.vector_load %arg11[%parallel_loop3A_436, %parallel_loop3A_437] {strides = array<i32>} : memref<8x2048xf32, #tpu.memory_space<vmem>>, vector<16xf32>,
        tpu.vector_store %arg11[%parallel_loop3A_436, %parallel_loop3A_437], %parallel_loop3A_434 {strides = array<i32>} : memref<8x2048xf32, #tpu.memory_space<vmem>>, vector<16xf32>,
        %parallel_loop3A_439 = arith.constant 1 : i32
        %parallel_loop3A_440 = arith.index_cast %parallel_loop3A_439 : i32 to index
        %parallel_loop3A_441 = arith.index_cast %parallel_loop3A_416 : i32 to index
        %parallel_loop3A_442 = tpu.vector_load %arg9[%parallel_loop3A_440, %parallel_loop3A_441] {strides = array<i32>} : memref<8x2048xf32, #tpu.memory_space<vmem>>, vector<16xf32>,
        %parallel_loop3A_443 = arith.constant 0.000000e+00 : f32
        %parallel_loop3A_444 = vector.broadcast %parallel_loop3A_443 : f32 to vector<16xf32>
        %parallel_loop3A_445 = arith.maximumf %parallel_loop3A_442, %parallel_loop3A_444 : vector<16xf32>
        %parallel_loop3A_446 = arith.constant 0.99999994 : f32
        %parallel_loop3A_447 = vector.broadcast %parallel_loop3A_446 : f32 to vector<16xf32>
        %parallel_loop3A_448 = arith.minimumf %parallel_loop3A_445, %parallel_loop3A_447 : vector<16xf32>
        %parallel_loop3A_449 = arith.constant 6.300000e+01 : f32
        %parallel_loop3A_450 = vector.broadcast %parallel_loop3A_449 : f32 to vector<16xf32>
        %parallel_loop3A_451 = arith.mulf %parallel_loop3A_448, %parallel_loop3A_450 : vector<16xf32>
        %parallel_loop3A_452 = arith.fptosi %parallel_loop3A_451 : vector<16xf32> to vector<16xi32>
        %parallel_loop3A_453 = tpu.vector_load_idx %arg7[%parallel_loop3A_452] : memref<64xf32, #tpu.memory_space<vmem>>[vector<16xi32>], vector<16xf32>,
        %parallel_loop3A_454 = tpu.vector_load_idx %arg8[%parallel_loop3A_452] : memref<64xf32, #tpu.memory_space<vmem>>[vector<16xi32>], vector<16xf32>,
        %parallel_loop3A_455 = arith.mulf %parallel_loop3A_454, %parallel_loop3A_448 : vector<16xf32>
        %parallel_loop3A_456 = arith.addf %parallel_loop3A_453, %parallel_loop3A_455 : vector<16xf32>
        %parallel_loop3A_457 = arith.constant 1 : i32
        %parallel_loop3A_458 = arith.index_cast %parallel_loop3A_457 : i32 to index
        %parallel_loop3A_459 = arith.index_cast %parallel_loop3A_416 : i32 to index
        %parallel_loop3A_460 = tpu.vector_load %arg11[%parallel_loop3A_458, %parallel_loop3A_459] {strides = array<i32>} : memref<8x2048xf32, #tpu.memory_space<vmem>>, vector<16xf32>,
        tpu.vector_store %arg11[%parallel_loop3A_458, %parallel_loop3A_459], %parallel_loop3A_456 {strides = array<i32>} : memref<8x2048xf32, #tpu.memory_space<vmem>>, vector<16xf32>,
        %parallel_loop3A_461 = arith.constant 2 : i32
        %parallel_loop3A_462 = arith.index_cast %parallel_loop3A_461 : i32 to index
        %parallel_loop3A_463 = arith.index_cast %parallel_loop3A_416 : i32 to index
        %parallel_loop3A_464 = tpu.vector_load %arg9[%parallel_loop3A_462, %parallel_loop3A_463] {strides = array<i32>} : memref<8x2048xf32, #tpu.memory_space<vmem>>, vector<16xf32>,
        %parallel_loop3A_465 = arith.constant 0.000000e+00 : f32
        %parallel_loop3A_466 = vector.broadcast %parallel_loop3A_465 : f32 to vector<16xf32>
        %parallel_loop3A_467 = arith.maximumf %parallel_loop3A_464, %parallel_loop3A_466 : vector<16xf32>
        %parallel_loop3A_468 = arith.constant 0.99999994 : f32
        %parallel_loop3A_469 = vector.broadcast %parallel_loop3A_468 : f32 to vector<16xf32>
        %parallel_loop3A_470 = arith.minimumf %parallel_loop3A_467, %parallel_loop3A_469 : vector<16xf32>
        %parallel_loop3A_471 = arith.constant 6.300000e+01 : f32
        %parallel_loop3A_472 = vector.broadcast %parallel_loop3A_471 : f32 to vector<16xf32>
        %parallel_loop3A_473 = arith.mulf %parallel_loop3A_470, %parallel_loop3A_472 : vector<16xf32>
        %parallel_loop3A_474 = arith.fptosi %parallel_loop3A_473 : vector<16xf32> to vector<16xi32>
        %parallel_loop3A_475 = tpu.vector_load_idx %arg7[%parallel_loop3A_474] : memref<64xf32, #tpu.memory_space<vmem>>[vector<16xi32>], vector<16xf32>,
        %parallel_loop3A_476 = tpu.vector_load_idx %arg8[%parallel_loop3A_474] : memref<64xf32, #tpu.memory_space<vmem>>[vector<16xi32>], vector<16xf32>,
        %parallel_loop3A_477 = arith.mulf %parallel_loop3A_476, %parallel_loop3A_470 : vector<16xf32>
        %parallel_loop3A_478 = arith.addf %parallel_loop3A_475, %parallel_loop3A_477 : vector<16xf32>
        %parallel_loop3A_479 = arith.constant 2 : i32
        %parallel_loop3A_480 = arith.index_cast %parallel_loop3A_479 : i32 to index
        %parallel_loop3A_481 = arith.index_cast %parallel_loop3A_416 : i32 to index
        %parallel_loop3A_482 = tpu.vector_load %arg11[%parallel_loop3A_480, %parallel_loop3A_481] {strides = array<i32>} : memref<8x2048xf32, #tpu.memory_space<vmem>>, vector<16xf32>,
        tpu.vector_store %arg11[%parallel_loop3A_480, %parallel_loop3A_481], %parallel_loop3A_478 {strides = array<i32>} : memref<8x2048xf32, #tpu.memory_space<vmem>>, vector<16xf32>,
        %parallel_loop3A_483 = arith.constant 3 : i32
        %parallel_loop3A_484 = arith.index_cast %parallel_loop3A_483 : i32 to index
        %parallel_loop3A_485 = arith.index_cast %parallel_loop3A_416 : i32 to index
        %parallel_loop3A_486 = tpu.vector_load %arg9[%parallel_loop3A_484, %parallel_loop3A_485] {strides = array<i32>} : memref<8x2048xf32, #tpu.memory_space<vmem>>, vector<16xf32>,
        %parallel_loop3A_487 = arith.constant 0.000000e+00 : f32
        %parallel_loop3A_488 = vector.broadcast %parallel_loop3A_487 : f32 to vector<16xf32>
        %parallel_loop3A_489 = arith.maximumf %parallel_loop3A_486, %parallel_loop3A_488 : vector<16xf32>
        %parallel_loop3A_490 = arith.constant 0.99999994 : f32
        %parallel_loop3A_491 = vector.broadcast %parallel_loop3A_490 : f32 to vector<16xf32>
        %parallel_loop3A_492 = arith.minimumf %parallel_loop3A_489, %parallel_loop3A_491 : vector<16xf32>
        %parallel_loop3A_493 = arith.constant 6.300000e+01 : f32
        %parallel_loop3A_494 = vector.broadcast %parallel_loop3A_493 : f32 to vector<16xf32>
        %parallel_loop3A_495 = arith.mulf %parallel_loop3A_492, %parallel_loop3A_494 : vector<16xf32>
        %parallel_loop3A_496 = arith.fptosi %parallel_loop3A_495 : vector<16xf32> to vector<16xi32>
        %parallel_loop3A_497 = tpu.vector_load_idx %arg7[%parallel_loop3A_496] : memref<64xf32, #tpu.memory_space<vmem>>[vector<16xi32>], vector<16xf32>,
        %parallel_loop3A_498 = tpu.vector_load_idx %arg8[%parallel_loop3A_496] : memref<64xf32, #tpu.memory_space<vmem>>[vector<16xi32>], vector<16xf32>,
        %parallel_loop3A_499 = arith.mulf %parallel_loop3A_498, %parallel_loop3A_492 : vector<16xf32>
        %parallel_loop3A_500 = arith.addf %parallel_loop3A_497, %parallel_loop3A_499 : vector<16xf32>
        %parallel_loop3A_501 = arith.constant 3 : i32
        %parallel_loop3A_502 = arith.index_cast %parallel_loop3A_501 : i32 to index
        %parallel_loop3A_503 = arith.index_cast %parallel_loop3A_416 : i32 to index
        %parallel_loop3A_504 = tpu.vector_load %arg11[%parallel_loop3A_502, %parallel_loop3A_503] {strides = array<i32>} : memref<8x2048xf32, #tpu.memory_space<vmem>>, vector<16xf32>,
        tpu.vector_store %arg11[%parallel_loop3A_502, %parallel_loop3A_503], %parallel_loop3A_500 {strides = array<i32>} : memref<8x2048xf32, #tpu.memory_space<vmem>>, vector<16xf32>,
        %parallel_loop3A_505 = arith.constant 4 : i32
        %parallel_loop3A_506 = arith.index_cast %parallel_loop3A_505 : i32 to index
        %parallel_loop3A_507 = arith.index_cast %parallel_loop3A_416 : i32 to index
        %parallel_loop3A_508 = tpu.vector_load %arg9[%parallel_loop3A_506, %parallel_loop3A_507] {strides = array<i32>} : memref<8x2048xf32, #tpu.memory_space<vmem>>, vector<16xf32>,
        %parallel_loop3A_509 = arith.constant 0.000000e+00 : f32
        %parallel_loop3A_510 = vector.broadcast %parallel_loop3A_509 : f32 to vector<16xf32>
        %parallel_loop3A_511 = arith.maximumf %parallel_loop3A_508, %parallel_loop3A_510 : vector<16xf32>
        %parallel_loop3A_512 = arith.constant 0.99999994 : f32
        %parallel_loop3A_513 = vector.broadcast %parallel_loop3A_512 : f32 to vector<16xf32>
        %parallel_loop3A_514 = arith.minimumf %parallel_loop3A_511, %parallel_loop3A_513 : vector<16xf32>
        %parallel_loop3A_515 = arith.constant 6.300000e+01 : f32
        %parallel_loop3A_516 = vector.broadcast %parallel_loop3A_515 : f32 to vector<16xf32>
        %parallel_loop3A_517 = arith.mulf %parallel_loop3A_514, %parallel_loop3A_516 : vector<16xf32>
        %parallel_loop3A_518 = arith.fptosi %parallel_loop3A_517 : vector<16xf32> to vector<16xi32>
        %parallel_loop3A_519 = tpu.vector_load_idx %arg7[%parallel_loop3A_518] : memref<64xf32, #tpu.memory_space<vmem>>[vector<16xi32>], vector<16xf32>,
        %parallel_loop3A_520 = tpu.vector_load_idx %arg8[%parallel_loop3A_518] : memref<64xf32, #tpu.memory_space<vmem>>[vector<16xi32>], vector<16xf32>,
        %parallel_loop3A_521 = arith.mulf %parallel_loop3A_520, %parallel_loop3A_514 : vector<16xf32>
        %parallel_loop3A_522 = arith.addf %parallel_loop3A_519, %parallel_loop3A_521 : vector<16xf32>
        %parallel_loop3A_523 = arith.constant 4 : i32
        %parallel_loop3A_524 = arith.index_cast %parallel_loop3A_523 : i32 to index
        %parallel_loop3A_525 = arith.index_cast %parallel_loop3A_416 : i32 to index
        %parallel_loop3A_526 = tpu.vector_load %arg11[%parallel_loop3A_524, %parallel_loop3A_525] {strides = array<i32>} : memref<8x2048xf32, #tpu.memory_space<vmem>>, vector<16xf32>,
        tpu.vector_store %arg11[%parallel_loop3A_524, %parallel_loop3A_525], %parallel_loop3A_522 {strides = array<i32>} : memref<8x2048xf32, #tpu.memory_space<vmem>>, vector<16xf32>,
        %parallel_loop3A_527 = arith.constant 5 : i32
        %parallel_loop3A_528 = arith.index_cast %parallel_loop3A_527 : i32 to index
        %parallel_loop3A_529 = arith.index_cast %parallel_loop3A_416 : i32 to index
        %parallel_loop3A_530 = tpu.vector_load %arg9[%parallel_loop3A_528, %parallel_loop3A_529] {strides = array<i32>} : memref<8x2048xf32, #tpu.memory_space<vmem>>, vector<16xf32>,
        %parallel_loop3A_531 = arith.constant 0.000000e+00 : f32
        %parallel_loop3A_532 = vector.broadcast %parallel_loop3A_531 : f32 to vector<16xf32>
        %parallel_loop3A_533 = arith.maximumf %parallel_loop3A_530, %parallel_loop3A_532 : vector<16xf32>
        %parallel_loop3A_534 = arith.constant 0.99999994 : f32
        %parallel_loop3A_535 = vector.broadcast %parallel_loop3A_534 : f32 to vector<16xf32>
        %parallel_loop3A_536 = arith.minimumf %parallel_loop3A_533, %parallel_loop3A_535 : vector<16xf32>
        %parallel_loop3A_537 = arith.constant 6.300000e+01 : f32
        %parallel_loop3A_538 = vector.broadcast %parallel_loop3A_537 : f32 to vector<16xf32>
        %parallel_loop3A_539 = arith.mulf %parallel_loop3A_536, %parallel_loop3A_538 : vector<16xf32>
        %parallel_loop3A_540 = arith.fptosi %parallel_loop3A_539 : vector<16xf32> to vector<16xi32>
        %parallel_loop3A_541 = tpu.vector_load_idx %arg7[%parallel_loop3A_540] : memref<64xf32, #tpu.memory_space<vmem>>[vector<16xi32>], vector<16xf32>,
        %parallel_loop3A_542 = tpu.vector_load_idx %arg8[%parallel_loop3A_540] : memref<64xf32, #tpu.memory_space<vmem>>[vector<16xi32>], vector<16xf32>,
        %parallel_loop3A_543 = arith.mulf %parallel_loop3A_542, %parallel_loop3A_536 : vector<16xf32>
        %parallel_loop3A_544 = arith.addf %parallel_loop3A_541, %parallel_loop3A_543 : vector<16xf32>
        %parallel_loop3A_545 = arith.constant 5 : i32
        %parallel_loop3A_546 = arith.index_cast %parallel_loop3A_545 : i32 to index
        %parallel_loop3A_547 = arith.index_cast %parallel_loop3A_416 : i32 to index
        %parallel_loop3A_548 = tpu.vector_load %arg11[%parallel_loop3A_546, %parallel_loop3A_547] {strides = array<i32>} : memref<8x2048xf32, #tpu.memory_space<vmem>>, vector<16xf32>,
        tpu.vector_store %arg11[%parallel_loop3A_546, %parallel_loop3A_547], %parallel_loop3A_544 {strides = array<i32>} : memref<8x2048xf32, #tpu.memory_space<vmem>>, vector<16xf32>,
        %parallel_loop3A_549 = arith.constant 6 : i32
        %parallel_loop3A_550 = arith.index_cast %parallel_loop3A_549 : i32 to index
        %parallel_loop3A_551 = arith.index_cast %parallel_loop3A_416 : i32 to index
        %parallel_loop3A_552 = tpu.vector_load %arg9[%parallel_loop3A_550, %parallel_loop3A_551] {strides = array<i32>} : memref<8x2048xf32, #tpu.memory_space<vmem>>, vector<16xf32>,
        %parallel_loop3A_553 = arith.constant 0.000000e+00 : f32
        %parallel_loop3A_554 = vector.broadcast %parallel_loop3A_553 : f32 to vector<16xf32>
        %parallel_loop3A_555 = arith.maximumf %parallel_loop3A_552, %parallel_loop3A_554 : vector<16xf32>
        %parallel_loop3A_556 = arith.constant 0.99999994 : f32
        %parallel_loop3A_557 = vector.broadcast %parallel_loop3A_556 : f32 to vector<16xf32>
        %parallel_loop3A_558 = arith.minimumf %parallel_loop3A_555, %parallel_loop3A_557 : vector<16xf32>
        %parallel_loop3A_559 = arith.constant 6.300000e+01 : f32
        %parallel_loop3A_560 = vector.broadcast %parallel_loop3A_559 : f32 to vector<16xf32>
        %parallel_loop3A_561 = arith.mulf %parallel_loop3A_558, %parallel_loop3A_560 : vector<16xf32>
        %parallel_loop3A_562 = arith.fptosi %parallel_loop3A_561 : vector<16xf32> to vector<16xi32>
        %parallel_loop3A_563 = tpu.vector_load_idx %arg7[%parallel_loop3A_562] : memref<64xf32, #tpu.memory_space<vmem>>[vector<16xi32>], vector<16xf32>,
        %parallel_loop3A_564 = tpu.vector_load_idx %arg8[%parallel_loop3A_562] : memref<64xf32, #tpu.memory_space<vmem>>[vector<16xi32>], vector<16xf32>,
        %parallel_loop3A_565 = arith.mulf %parallel_loop3A_564, %parallel_loop3A_558 : vector<16xf32>
        %parallel_loop3A_566 = arith.addf %parallel_loop3A_563, %parallel_loop3A_565 : vector<16xf32>
        %parallel_loop3A_567 = arith.constant 6 : i32
        %parallel_loop3A_568 = arith.index_cast %parallel_loop3A_567 : i32 to index
        %parallel_loop3A_569 = arith.index_cast %parallel_loop3A_416 : i32 to index
        %parallel_loop3A_570 = tpu.vector_load %arg11[%parallel_loop3A_568, %parallel_loop3A_569] {strides = array<i32>} : memref<8x2048xf32, #tpu.memory_space<vmem>>, vector<16xf32>,
        tpu.vector_store %arg11[%parallel_loop3A_568, %parallel_loop3A_569], %parallel_loop3A_566 {strides = array<i32>} : memref<8x2048xf32, #tpu.memory_space<vmem>>, vector<16xf32>,
        %parallel_loop3A_571 = arith.constant 7 : i32
        %parallel_loop3A_572 = arith.index_cast %parallel_loop3A_571 : i32 to index
        %parallel_loop3A_573 = arith.index_cast %parallel_loop3A_416 : i32 to index
        %parallel_loop3A_574 = tpu.vector_load %arg9[%parallel_loop3A_572, %parallel_loop3A_573] {strides = array<i32>} : memref<8x2048xf32, #tpu.memory_space<vmem>>, vector<16xf32>,
        %parallel_loop3A_575 = arith.constant 0.000000e+00 : f32
        %parallel_loop3A_576 = vector.broadcast %parallel_loop3A_575 : f32 to vector<16xf32>
        %parallel_loop3A_577 = arith.maximumf %parallel_loop3A_574, %parallel_loop3A_576 : vector<16xf32>
        %parallel_loop3A_578 = arith.constant 0.99999994 : f32
        %parallel_loop3A_579 = vector.broadcast %parallel_loop3A_578 : f32 to vector<16xf32>
        %parallel_loop3A_580 = arith.minimumf %parallel_loop3A_577, %parallel_loop3A_579 : vector<16xf32>
        %parallel_loop3A_581 = arith.constant 6.300000e+01 : f32
        %parallel_loop3A_582 = vector.broadcast %parallel_loop3A_581 : f32 to vector<16xf32>
        %parallel_loop3A_583 = arith.mulf %parallel_loop3A_580, %parallel_loop3A_582 : vector<16xf32>
        %parallel_loop3A_584 = arith.fptosi %parallel_loop3A_583 : vector<16xf32> to vector<16xi32>
        %parallel_loop3A_585 = tpu.vector_load_idx %arg7[%parallel_loop3A_584] : memref<64xf32, #tpu.memory_space<vmem>>[vector<16xi32>], vector<16xf32>,
        %parallel_loop3A_586 = tpu.vector_load_idx %arg8[%parallel_loop3A_584] : memref<64xf32, #tpu.memory_space<vmem>>[vector<16xi32>], vector<16xf32>,
        %parallel_loop3A_587 = arith.mulf %parallel_loop3A_586, %parallel_loop3A_580 : vector<16xf32>
        %parallel_loop3A_588 = arith.addf %parallel_loop3A_585, %parallel_loop3A_587 : vector<16xf32>
        %parallel_loop3A_589 = arith.constant 7 : i32
        %parallel_loop3A_590 = arith.index_cast %parallel_loop3A_589 : i32 to index
        %parallel_loop3A_591 = arith.index_cast %parallel_loop3A_416 : i32 to index
        %parallel_loop3A_592 = tpu.vector_load %arg11[%parallel_loop3A_590, %parallel_loop3A_591] {strides = array<i32>} : memref<8x2048xf32, #tpu.memory_space<vmem>>, vector<16xf32>,
        tpu.vector_store %arg11[%parallel_loop3A_590, %parallel_loop3A_591], %parallel_loop3A_588 {strides = array<i32>} : memref<8x2048xf32, #tpu.memory_space<vmem>>, vector<16xf32>,
      } {sc.loop_unroll_factor = 2 : i64, sc.parallel_access}
      %dma_start3A_383 = arith.constant 0 : i32
      %dma_start3A_384 = tpu.memref_slice %arg4[%add3A_371, %dma_start3A_383] : memref<4096x2048xf32, #tpu.memory_space<hbm>> -> memref<8x2048xf32, #tpu.memory_space<hbm>>
      %dma_start3A_385 = arith.constant 0 : i32
      %dma_start3A_386 = tpu.memref_slice %arg4[%add3A_371, %dma_start3A_385] : memref<4096x2048xf32, #tpu.memory_space<hbm>> -> memref<8x2048xf32, #tpu.memory_space<hbm>>
      tpu.enqueue_dma source(%arg11 : memref<8x2048xf32, #tpu.memory_space<vmem>>) target(%dma_start3A_386 : memref<8x2048xf32, #tpu.memory_space<hbm>>) target_semaphore(%arg15 : memref<!tpu.dma_semaphore, #tpu.memory_space<semaphore_mem>>)
      %lt3A = arith.constant 7 : i32
      %lt3A_387 = arith.cmpi slt, %scan3A_366, %lt3A : i32
      %convert_element_type3A_388 = arith.extui %lt3A_387 : i1 to i32
      %cond3A_389 = arith.constant 0 : i32
      %cond3A_390 = arith.cmpi ne, %convert_element_type3A_388, %cond3A_389 : i32
      scf.if %cond3A_390 {
        %add3A_416 = arith.constant 16 : i32
        %add3A_417 = arith.addi %add3A_371, %add3A_416 : i32
        %dma_start3A_418 = arith.constant 0 : i32
        %dma_start3A_419 = tpu.memref_slice %arg2[%add3A_417, %dma_start3A_418] : memref<4096x2048xf32, #tpu.memory_space<hbm>> -> memref<8x2048xf32, #tpu.memory_space<hbm>>
        %dma_start3A_420 = arith.constant 0 : i32
        %dma_start3A_421 = tpu.memref_slice %arg2[%add3A_417, %dma_start3A_420] : memref<4096x2048xf32, #tpu.memory_space<hbm>> -> memref<8x2048xf32, #tpu.memory_space<hbm>>
        tpu.enqueue_dma source(%dma_start3A_421 : memref<8x2048xf32, #tpu.memory_space<hbm>>) target(%arg9 : memref<8x2048xf32, #tpu.memory_space<vmem>>) target_semaphore(%arg13 : memref<!tpu.dma_semaphore, #tpu.memory_space<semaphore_mem>>)
      } else {
      }
      %add3A_391 = arith.constant 8 : i32
      %add3A_392 = arith.addi %add3A_369, %add3A_391 : i32
      %dma_wait3A_393 = arith.constant 0 : i32
      %dma_wait3A_394 = arith.constant 0 : i32
      %dma_wait3A_395 = tpu.memref_slice %arg2[%dma_wait3A_393, %dma_wait3A_394] : memref<4096x2048xf32, #tpu.memory_space<hbm>> -> memref<8x2048xf32, #tpu.memory_space<hbm>>
      %dma_wait3A_396 = arith.constant 0 : i32
      %dma_wait3A_397 = arith.constant 0 : i32
      %dma_wait3A_398 = tpu.memref_slice %arg2[%dma_wait3A_396, %dma_wait3A_397] : memref<4096x2048xf32, #tpu.memory_space<hbm>> -> memref<8x2048xf32, #tpu.memory_space<hbm>>
      tpu.wait_dma2 semaphore(%arg14 : memref<!tpu.dma_semaphore, #tpu.memory_space<semaphore_mem>>) src(%dma_wait3A_398 : memref<8x2048xf32, #tpu.memory_space<hbm>>) dst(%arg10 : memref<8x2048xf32, #tpu.memory_space<vmem>>)
      %gt3A_399 = arith.constant 0 : i32
      %gt3A_400 = arith.cmpi sgt, %scan3A_366, %gt3A_399 : i32
      %convert_element_type3A_401 = arith.extui %gt3A_400 : i1 to i32
      %cond3A_402 = arith.constant 0 : i32
      %cond3A_403 = arith.cmpi ne, %convert_element_type3A_401, %cond3A_402 : i32
      scf.if %cond3A_403 {
        %dma_wait3A_416 = arith.constant 0 : i32
        %dma_wait3A_417 = arith.constant 0 : i32
        %dma_wait3A_418 = tpu.memref_slice %arg4[%dma_wait3A_416, %dma_wait3A_417] : memref<4096x2048xf32, #tpu.memory_space<hbm>> -> memref<8x2048xf32, #tpu.memory_space<hbm>>
        %dma_wait3A_419 = arith.constant 0 : i32
        %dma_wait3A_420 = arith.constant 0 : i32
        %dma_wait3A_421 = tpu.memref_slice %arg4[%dma_wait3A_419, %dma_wait3A_420] : memref<4096x2048xf32, #tpu.memory_space<hbm>> -> memref<8x2048xf32, #tpu.memory_space<hbm>>
        tpu.wait_dma2 semaphore(%arg16 : memref<!tpu.dma_semaphore, #tpu.memory_space<semaphore_mem>>) src(%arg12 : memref<8x2048xf32, #tpu.memory_space<vmem>>) dst(%dma_wait3A_421 : memref<8x2048xf32, #tpu.memory_space<hbm>>)
      } else {
      }
      %parallel_loop3A_404 = arith.constant 0 : i32
      %parallel_loop3A_405 = arith.constant 2048 : i32
      %parallel_loop3A_406 = arith.constant 16 : i32
      scf.for %parallel_loop3A_416 = %parallel_loop3A_404 to %parallel_loop3A_405 step %parallel_loop3A_406  : i32 {
        %parallel_loop3A_417 = arith.constant 0 : i32
        %parallel_loop3A_418 = arith.index_cast %parallel_loop3A_417 : i32 to index
        %parallel_loop3A_419 = arith.index_cast %parallel_loop3A_416 : i32 to index
        %parallel_loop3A_420 = tpu.vector_load %arg10[%parallel_loop3A_418, %parallel_loop3A_419] {strides = array<i32>} : memref<8x2048xf32, #tpu.memory_space<vmem>>, vector<16xf32>,
        %parallel_loop3A_421 = arith.constant 0.000000e+00 : f32
        %parallel_loop3A_422 = vector.broadcast %parallel_loop3A_421 : f32 to vector<16xf32>
        %parallel_loop3A_423 = arith.maximumf %parallel_loop3A_420, %parallel_loop3A_422 : vector<16xf32>
        %parallel_loop3A_424 = arith.constant 0.99999994 : f32
        %parallel_loop3A_425 = vector.broadcast %parallel_loop3A_424 : f32 to vector<16xf32>
        %parallel_loop3A_426 = arith.minimumf %parallel_loop3A_423, %parallel_loop3A_425 : vector<16xf32>
        %parallel_loop3A_427 = arith.constant 6.300000e+01 : f32
        %parallel_loop3A_428 = vector.broadcast %parallel_loop3A_427 : f32 to vector<16xf32>
        %parallel_loop3A_429 = arith.mulf %parallel_loop3A_426, %parallel_loop3A_428 : vector<16xf32>
        %parallel_loop3A_430 = arith.fptosi %parallel_loop3A_429 : vector<16xf32> to vector<16xi32>
        %parallel_loop3A_431 = tpu.vector_load_idx %arg7[%parallel_loop3A_430] : memref<64xf32, #tpu.memory_space<vmem>>[vector<16xi32>], vector<16xf32>,
        %parallel_loop3A_432 = tpu.vector_load_idx %arg8[%parallel_loop3A_430] : memref<64xf32, #tpu.memory_space<vmem>>[vector<16xi32>], vector<16xf32>,
        %parallel_loop3A_433 = arith.mulf %parallel_loop3A_432, %parallel_loop3A_426 : vector<16xf32>
        %parallel_loop3A_434 = arith.addf %parallel_loop3A_431, %parallel_loop3A_433 : vector<16xf32>
        %parallel_loop3A_435 = arith.constant 0 : i32
        %parallel_loop3A_436 = arith.index_cast %parallel_loop3A_435 : i32 to index
        %parallel_loop3A_437 = arith.index_cast %parallel_loop3A_416 : i32 to index
        %parallel_loop3A_438 = tpu.vector_load %arg12[%parallel_loop3A_436, %parallel_loop3A_437] {strides = array<i32>} : memref<8x2048xf32, #tpu.memory_space<vmem>>, vector<16xf32>,
        tpu.vector_store %arg12[%parallel_loop3A_436, %parallel_loop3A_437], %parallel_loop3A_434 {strides = array<i32>} : memref<8x2048xf32, #tpu.memory_space<vmem>>, vector<16xf32>,
        %parallel_loop3A_439 = arith.constant 1 : i32
        %parallel_loop3A_440 = arith.index_cast %parallel_loop3A_439 : i32 to index
        %parallel_loop3A_441 = arith.index_cast %parallel_loop3A_416 : i32 to index
        %parallel_loop3A_442 = tpu.vector_load %arg10[%parallel_loop3A_440, %parallel_loop3A_441] {strides = array<i32>} : memref<8x2048xf32, #tpu.memory_space<vmem>>, vector<16xf32>,
        %parallel_loop3A_443 = arith.constant 0.000000e+00 : f32
        %parallel_loop3A_444 = vector.broadcast %parallel_loop3A_443 : f32 to vector<16xf32>
        %parallel_loop3A_445 = arith.maximumf %parallel_loop3A_442, %parallel_loop3A_444 : vector<16xf32>
        %parallel_loop3A_446 = arith.constant 0.99999994 : f32
        %parallel_loop3A_447 = vector.broadcast %parallel_loop3A_446 : f32 to vector<16xf32>
        %parallel_loop3A_448 = arith.minimumf %parallel_loop3A_445, %parallel_loop3A_447 : vector<16xf32>
        %parallel_loop3A_449 = arith.constant 6.300000e+01 : f32
        %parallel_loop3A_450 = vector.broadcast %parallel_loop3A_449 : f32 to vector<16xf32>
        %parallel_loop3A_451 = arith.mulf %parallel_loop3A_448, %parallel_loop3A_450 : vector<16xf32>
        %parallel_loop3A_452 = arith.fptosi %parallel_loop3A_451 : vector<16xf32> to vector<16xi32>
        %parallel_loop3A_453 = tpu.vector_load_idx %arg7[%parallel_loop3A_452] : memref<64xf32, #tpu.memory_space<vmem>>[vector<16xi32>], vector<16xf32>,
        %parallel_loop3A_454 = tpu.vector_load_idx %arg8[%parallel_loop3A_452] : memref<64xf32, #tpu.memory_space<vmem>>[vector<16xi32>], vector<16xf32>,
        %parallel_loop3A_455 = arith.mulf %parallel_loop3A_454, %parallel_loop3A_448 : vector<16xf32>
        %parallel_loop3A_456 = arith.addf %parallel_loop3A_453, %parallel_loop3A_455 : vector<16xf32>
        %parallel_loop3A_457 = arith.constant 1 : i32
        %parallel_loop3A_458 = arith.index_cast %parallel_loop3A_457 : i32 to index
        %parallel_loop3A_459 = arith.index_cast %parallel_loop3A_416 : i32 to index
        %parallel_loop3A_460 = tpu.vector_load %arg12[%parallel_loop3A_458, %parallel_loop3A_459] {strides = array<i32>} : memref<8x2048xf32, #tpu.memory_space<vmem>>, vector<16xf32>,
        tpu.vector_store %arg12[%parallel_loop3A_458, %parallel_loop3A_459], %parallel_loop3A_456 {strides = array<i32>} : memref<8x2048xf32, #tpu.memory_space<vmem>>, vector<16xf32>,
        %parallel_loop3A_461 = arith.constant 2 : i32
        %parallel_loop3A_462 = arith.index_cast %parallel_loop3A_461 : i32 to index
        %parallel_loop3A_463 = arith.index_cast %parallel_loop3A_416 : i32 to index
        %parallel_loop3A_464 = tpu.vector_load %arg10[%parallel_loop3A_462, %parallel_loop3A_463] {strides = array<i32>} : memref<8x2048xf32, #tpu.memory_space<vmem>>, vector<16xf32>,
        %parallel_loop3A_465 = arith.constant 0.000000e+00 : f32
        %parallel_loop3A_466 = vector.broadcast %parallel_loop3A_465 : f32 to vector<16xf32>
        %parallel_loop3A_467 = arith.maximumf %parallel_loop3A_464, %parallel_loop3A_466 : vector<16xf32>
        %parallel_loop3A_468 = arith.constant 0.99999994 : f32
        %parallel_loop3A_469 = vector.broadcast %parallel_loop3A_468 : f32 to vector<16xf32>
        %parallel_loop3A_470 = arith.minimumf %parallel_loop3A_467, %parallel_loop3A_469 : vector<16xf32>
        %parallel_loop3A_471 = arith.constant 6.300000e+01 : f32
        %parallel_loop3A_472 = vector.broadcast %parallel_loop3A_471 : f32 to vector<16xf32>
        %parallel_loop3A_473 = arith.mulf %parallel_loop3A_470, %parallel_loop3A_472 : vector<16xf32>
        %parallel_loop3A_474 = arith.fptosi %parallel_loop3A_473 : vector<16xf32> to vector<16xi32>
        %parallel_loop3A_475 = tpu.vector_load_idx %arg7[%parallel_loop3A_474] : memref<64xf32, #tpu.memory_space<vmem>>[vector<16xi32>], vector<16xf32>,
        %parallel_loop3A_476 = tpu.vector_load_idx %arg8[%parallel_loop3A_474] : memref<64xf32, #tpu.memory_space<vmem>>[vector<16xi32>], vector<16xf32>,
        %parallel_loop3A_477 = arith.mulf %parallel_loop3A_476, %parallel_loop3A_470 : vector<16xf32>
        %parallel_loop3A_478 = arith.addf %parallel_loop3A_475, %parallel_loop3A_477 : vector<16xf32>
        %parallel_loop3A_479 = arith.constant 2 : i32
        %parallel_loop3A_480 = arith.index_cast %parallel_loop3A_479 : i32 to index
        %parallel_loop3A_481 = arith.index_cast %parallel_loop3A_416 : i32 to index
        %parallel_loop3A_482 = tpu.vector_load %arg12[%parallel_loop3A_480, %parallel_loop3A_481] {strides = array<i32>} : memref<8x2048xf32, #tpu.memory_space<vmem>>, vector<16xf32>,
        tpu.vector_store %arg12[%parallel_loop3A_480, %parallel_loop3A_481], %parallel_loop3A_478 {strides = array<i32>} : memref<8x2048xf32, #tpu.memory_space<vmem>>, vector<16xf32>,
        %parallel_loop3A_483 = arith.constant 3 : i32
        %parallel_loop3A_484 = arith.index_cast %parallel_loop3A_483 : i32 to index
        %parallel_loop3A_485 = arith.index_cast %parallel_loop3A_416 : i32 to index
        %parallel_loop3A_486 = tpu.vector_load %arg10[%parallel_loop3A_484, %parallel_loop3A_485] {strides = array<i32>} : memref<8x2048xf32, #tpu.memory_space<vmem>>, vector<16xf32>,
        %parallel_loop3A_487 = arith.constant 0.000000e+00 : f32
        %parallel_loop3A_488 = vector.broadcast %parallel_loop3A_487 : f32 to vector<16xf32>
        %parallel_loop3A_489 = arith.maximumf %parallel_loop3A_486, %parallel_loop3A_488 : vector<16xf32>
        %parallel_loop3A_490 = arith.constant 0.99999994 : f32
        %parallel_loop3A_491 = vector.broadcast %parallel_loop3A_490 : f32 to vector<16xf32>
        %parallel_loop3A_492 = arith.minimumf %parallel_loop3A_489, %parallel_loop3A_491 : vector<16xf32>
        %parallel_loop3A_493 = arith.constant 6.300000e+01 : f32
        %parallel_loop3A_494 = vector.broadcast %parallel_loop3A_493 : f32 to vector<16xf32>
        %parallel_loop3A_495 = arith.mulf %parallel_loop3A_492, %parallel_loop3A_494 : vector<16xf32>
        %parallel_loop3A_496 = arith.fptosi %parallel_loop3A_495 : vector<16xf32> to vector<16xi32>
        %parallel_loop3A_497 = tpu.vector_load_idx %arg7[%parallel_loop3A_496] : memref<64xf32, #tpu.memory_space<vmem>>[vector<16xi32>], vector<16xf32>,
        %parallel_loop3A_498 = tpu.vector_load_idx %arg8[%parallel_loop3A_496] : memref<64xf32, #tpu.memory_space<vmem>>[vector<16xi32>], vector<16xf32>,
        %parallel_loop3A_499 = arith.mulf %parallel_loop3A_498, %parallel_loop3A_492 : vector<16xf32>
        %parallel_loop3A_500 = arith.addf %parallel_loop3A_497, %parallel_loop3A_499 : vector<16xf32>
        %parallel_loop3A_501 = arith.constant 3 : i32
        %parallel_loop3A_502 = arith.index_cast %parallel_loop3A_501 : i32 to index
        %parallel_loop3A_503 = arith.index_cast %parallel_loop3A_416 : i32 to index
        %parallel_loop3A_504 = tpu.vector_load %arg12[%parallel_loop3A_502, %parallel_loop3A_503] {strides = array<i32>} : memref<8x2048xf32, #tpu.memory_space<vmem>>, vector<16xf32>,
        tpu.vector_store %arg12[%parallel_loop3A_502, %parallel_loop3A_503], %parallel_loop3A_500 {strides = array<i32>} : memref<8x2048xf32, #tpu.memory_space<vmem>>, vector<16xf32>,
        %parallel_loop3A_505 = arith.constant 4 : i32
        %parallel_loop3A_506 = arith.index_cast %parallel_loop3A_505 : i32 to index
        %parallel_loop3A_507 = arith.index_cast %parallel_loop3A_416 : i32 to index
        %parallel_loop3A_508 = tpu.vector_load %arg10[%parallel_loop3A_506, %parallel_loop3A_507] {strides = array<i32>} : memref<8x2048xf32, #tpu.memory_space<vmem>>, vector<16xf32>,
        %parallel_loop3A_509 = arith.constant 0.000000e+00 : f32
        %parallel_loop3A_510 = vector.broadcast %parallel_loop3A_509 : f32 to vector<16xf32>
        %parallel_loop3A_511 = arith.maximumf %parallel_loop3A_508, %parallel_loop3A_510 : vector<16xf32>
        %parallel_loop3A_512 = arith.constant 0.99999994 : f32
        %parallel_loop3A_513 = vector.broadcast %parallel_loop3A_512 : f32 to vector<16xf32>
        %parallel_loop3A_514 = arith.minimumf %parallel_loop3A_511, %parallel_loop3A_513 : vector<16xf32>
        %parallel_loop3A_515 = arith.constant 6.300000e+01 : f32
        %parallel_loop3A_516 = vector.broadcast %parallel_loop3A_515 : f32 to vector<16xf32>
        %parallel_loop3A_517 = arith.mulf %parallel_loop3A_514, %parallel_loop3A_516 : vector<16xf32>
        %parallel_loop3A_518 = arith.fptosi %parallel_loop3A_517 : vector<16xf32> to vector<16xi32>
        %parallel_loop3A_519 = tpu.vector_load_idx %arg7[%parallel_loop3A_518] : memref<64xf32, #tpu.memory_space<vmem>>[vector<16xi32>], vector<16xf32>,
        %parallel_loop3A_520 = tpu.vector_load_idx %arg8[%parallel_loop3A_518] : memref<64xf32, #tpu.memory_space<vmem>>[vector<16xi32>], vector<16xf32>,
        %parallel_loop3A_521 = arith.mulf %parallel_loop3A_520, %parallel_loop3A_514 : vector<16xf32>
        %parallel_loop3A_522 = arith.addf %parallel_loop3A_519, %parallel_loop3A_521 : vector<16xf32>
        %parallel_loop3A_523 = arith.constant 4 : i32
        %parallel_loop3A_524 = arith.index_cast %parallel_loop3A_523 : i32 to index
        %parallel_loop3A_525 = arith.index_cast %parallel_loop3A_416 : i32 to index
        %parallel_loop3A_526 = tpu.vector_load %arg12[%parallel_loop3A_524, %parallel_loop3A_525] {strides = array<i32>} : memref<8x2048xf32, #tpu.memory_space<vmem>>, vector<16xf32>,
        tpu.vector_store %arg12[%parallel_loop3A_524, %parallel_loop3A_525], %parallel_loop3A_522 {strides = array<i32>} : memref<8x2048xf32, #tpu.memory_space<vmem>>, vector<16xf32>,
        %parallel_loop3A_527 = arith.constant 5 : i32
        %parallel_loop3A_528 = arith.index_cast %parallel_loop3A_527 : i32 to index
        %parallel_loop3A_529 = arith.index_cast %parallel_loop3A_416 : i32 to index
        %parallel_loop3A_530 = tpu.vector_load %arg10[%parallel_loop3A_528, %parallel_loop3A_529] {strides = array<i32>} : memref<8x2048xf32, #tpu.memory_space<vmem>>, vector<16xf32>,
        %parallel_loop3A_531 = arith.constant 0.000000e+00 : f32
        %parallel_loop3A_532 = vector.broadcast %parallel_loop3A_531 : f32 to vector<16xf32>
        %parallel_loop3A_533 = arith.maximumf %parallel_loop3A_530, %parallel_loop3A_532 : vector<16xf32>
        %parallel_loop3A_534 = arith.constant 0.99999994 : f32
        %parallel_loop3A_535 = vector.broadcast %parallel_loop3A_534 : f32 to vector<16xf32>
        %parallel_loop3A_536 = arith.minimumf %parallel_loop3A_533, %parallel_loop3A_535 : vector<16xf32>
        %parallel_loop3A_537 = arith.constant 6.300000e+01 : f32
        %parallel_loop3A_538 = vector.broadcast %parallel_loop3A_537 : f32 to vector<16xf32>
        %parallel_loop3A_539 = arith.mulf %parallel_loop3A_536, %parallel_loop3A_538 : vector<16xf32>
        %parallel_loop3A_540 = arith.fptosi %parallel_loop3A_539 : vector<16xf32> to vector<16xi32>
        %parallel_loop3A_541 = tpu.vector_load_idx %arg7[%parallel_loop3A_540] : memref<64xf32, #tpu.memory_space<vmem>>[vector<16xi32>], vector<16xf32>,
        %parallel_loop3A_542 = tpu.vector_load_idx %arg8[%parallel_loop3A_540] : memref<64xf32, #tpu.memory_space<vmem>>[vector<16xi32>], vector<16xf32>,
        %parallel_loop3A_543 = arith.mulf %parallel_loop3A_542, %parallel_loop3A_536 : vector<16xf32>
        %parallel_loop3A_544 = arith.addf %parallel_loop3A_541, %parallel_loop3A_543 : vector<16xf32>
        %parallel_loop3A_545 = arith.constant 5 : i32
        %parallel_loop3A_546 = arith.index_cast %parallel_loop3A_545 : i32 to index
        %parallel_loop3A_547 = arith.index_cast %parallel_loop3A_416 : i32 to index
        %parallel_loop3A_548 = tpu.vector_load %arg12[%parallel_loop3A_546, %parallel_loop3A_547] {strides = array<i32>} : memref<8x2048xf32, #tpu.memory_space<vmem>>, vector<16xf32>,
        tpu.vector_store %arg12[%parallel_loop3A_546, %parallel_loop3A_547], %parallel_loop3A_544 {strides = array<i32>} : memref<8x2048xf32, #tpu.memory_space<vmem>>, vector<16xf32>,
        %parallel_loop3A_549 = arith.constant 6 : i32
        %parallel_loop3A_550 = arith.index_cast %parallel_loop3A_549 : i32 to index
        %parallel_loop3A_551 = arith.index_cast %parallel_loop3A_416 : i32 to index
        %parallel_loop3A_552 = tpu.vector_load %arg10[%parallel_loop3A_550, %parallel_loop3A_551] {strides = array<i32>} : memref<8x2048xf32, #tpu.memory_space<vmem>>, vector<16xf32>,
        %parallel_loop3A_553 = arith.constant 0.000000e+00 : f32
        %parallel_loop3A_554 = vector.broadcast %parallel_loop3A_553 : f32 to vector<16xf32>
        %parallel_loop3A_555 = arith.maximumf %parallel_loop3A_552, %parallel_loop3A_554 : vector<16xf32>
        %parallel_loop3A_556 = arith.constant 0.99999994 : f32
        %parallel_loop3A_557 = vector.broadcast %parallel_loop3A_556 : f32 to vector<16xf32>
        %parallel_loop3A_558 = arith.minimumf %parallel_loop3A_555, %parallel_loop3A_557 : vector<16xf32>
        %parallel_loop3A_559 = arith.constant 6.300000e+01 : f32
        %parallel_loop3A_560 = vector.broadcast %parallel_loop3A_559 : f32 to vector<16xf32>
        %parallel_loop3A_561 = arith.mulf %parallel_loop3A_558, %parallel_loop3A_560 : vector<16xf32>
        %parallel_loop3A_562 = arith.fptosi %parallel_loop3A_561 : vector<16xf32> to vector<16xi32>
        %parallel_loop3A_563 = tpu.vector_load_idx %arg7[%parallel_loop3A_562] : memref<64xf32, #tpu.memory_space<vmem>>[vector<16xi32>], vector<16xf32>,
        %parallel_loop3A_564 = tpu.vector_load_idx %arg8[%parallel_loop3A_562] : memref<64xf32, #tpu.memory_space<vmem>>[vector<16xi32>], vector<16xf32>,
        %parallel_loop3A_565 = arith.mulf %parallel_loop3A_564, %parallel_loop3A_558 : vector<16xf32>
        %parallel_loop3A_566 = arith.addf %parallel_loop3A_563, %parallel_loop3A_565 : vector<16xf32>
        %parallel_loop3A_567 = arith.constant 6 : i32
        %parallel_loop3A_568 = arith.index_cast %parallel_loop3A_567 : i32 to index
        %parallel_loop3A_569 = arith.index_cast %parallel_loop3A_416 : i32 to index
        %parallel_loop3A_570 = tpu.vector_load %arg12[%parallel_loop3A_568, %parallel_loop3A_569] {strides = array<i32>} : memref<8x2048xf32, #tpu.memory_space<vmem>>, vector<16xf32>,
        tpu.vector_store %arg12[%parallel_loop3A_568, %parallel_loop3A_569], %parallel_loop3A_566 {strides = array<i32>} : memref<8x2048xf32, #tpu.memory_space<vmem>>, vector<16xf32>,
        %parallel_loop3A_571 = arith.constant 7 : i32
        %parallel_loop3A_572 = arith.index_cast %parallel_loop3A_571 : i32 to index
        %parallel_loop3A_573 = arith.index_cast %parallel_loop3A_416 : i32 to index
        %parallel_loop3A_574 = tpu.vector_load %arg10[%parallel_loop3A_572, %parallel_loop3A_573] {strides = array<i32>} : memref<8x2048xf32, #tpu.memory_space<vmem>>, vector<16xf32>,
        %parallel_loop3A_575 = arith.constant 0.000000e+00 : f32
        %parallel_loop3A_576 = vector.broadcast %parallel_loop3A_575 : f32 to vector<16xf32>
        %parallel_loop3A_577 = arith.maximumf %parallel_loop3A_574, %parallel_loop3A_576 : vector<16xf32>
        %parallel_loop3A_578 = arith.constant 0.99999994 : f32
        %parallel_loop3A_579 = vector.broadcast %parallel_loop3A_578 : f32 to vector<16xf32>
        %parallel_loop3A_580 = arith.minimumf %parallel_loop3A_577, %parallel_loop3A_579 : vector<16xf32>
        %parallel_loop3A_581 = arith.constant 6.300000e+01 : f32
        %parallel_loop3A_582 = vector.broadcast %parallel_loop3A_581 : f32 to vector<16xf32>
        %parallel_loop3A_583 = arith.mulf %parallel_loop3A_580, %parallel_loop3A_582 : vector<16xf32>
        %parallel_loop3A_584 = arith.fptosi %parallel_loop3A_583 : vector<16xf32> to vector<16xi32>
        %parallel_loop3A_585 = tpu.vector_load_idx %arg7[%parallel_loop3A_584] : memref<64xf32, #tpu.memory_space<vmem>>[vector<16xi32>], vector<16xf32>,
        %parallel_loop3A_586 = tpu.vector_load_idx %arg8[%parallel_loop3A_584] : memref<64xf32, #tpu.memory_space<vmem>>[vector<16xi32>], vector<16xf32>,
        %parallel_loop3A_587 = arith.mulf %parallel_loop3A_586, %parallel_loop3A_580 : vector<16xf32>
        %parallel_loop3A_588 = arith.addf %parallel_loop3A_585, %parallel_loop3A_587 : vector<16xf32>
        %parallel_loop3A_589 = arith.constant 7 : i32
        %parallel_loop3A_590 = arith.index_cast %parallel_loop3A_589 : i32 to index
        %parallel_loop3A_591 = arith.index_cast %parallel_loop3A_416 : i32 to index
        %parallel_loop3A_592 = tpu.vector_load %arg12[%parallel_loop3A_590, %parallel_loop3A_591] {strides = array<i32>} : memref<8x2048xf32, #tpu.memory_space<vmem>>, vector<16xf32>,
        tpu.vector_store %arg12[%parallel_loop3A_590, %parallel_loop3A_591], %parallel_loop3A_588 {strides = array<i32>} : memref<8x2048xf32, #tpu.memory_space<vmem>>, vector<16xf32>,
      } {sc.loop_unroll_factor = 2 : i64, sc.parallel_access}
      %dma_start3A_407 = arith.constant 0 : i32
      %dma_start3A_408 = tpu.memref_slice %arg4[%add3A_392, %dma_start3A_407] : memref<4096x2048xf32, #tpu.memory_space<hbm>> -> memref<8x2048xf32, #tpu.memory_space<hbm>>
      %dma_start3A_409 = arith.constant 0 : i32
      %dma_start3A_410 = tpu.memref_slice %arg4[%add3A_392, %dma_start3A_409] : memref<4096x2048xf32, #tpu.memory_space<hbm>> -> memref<8x2048xf32, #tpu.memory_space<hbm>>
      tpu.enqueue_dma source(%arg12 : memref<8x2048xf32, #tpu.memory_space<vmem>>) target(%dma_start3A_410 : memref<8x2048xf32, #tpu.memory_space<hbm>>) target_semaphore(%arg16 : memref<!tpu.dma_semaphore, #tpu.memory_space<semaphore_mem>>)
      %lt3A_411 = arith.constant 7 : i32
      %lt3A_412 = arith.cmpi slt, %scan3A_366, %lt3A_411 : i32
      %convert_element_type3A_413 = arith.extui %lt3A_412 : i1 to i32
      %cond3A_414 = arith.constant 0 : i32
      %cond3A_415 = arith.cmpi ne, %convert_element_type3A_413, %cond3A_414 : i32
      scf.if %cond3A_415 {
        %add3A_416 = arith.constant 16 : i32
        %add3A_417 = arith.addi %add3A_392, %add3A_416 : i32
        %dma_start3A_418 = arith.constant 0 : i32
        %dma_start3A_419 = tpu.memref_slice %arg2[%add3A_417, %dma_start3A_418] : memref<4096x2048xf32, #tpu.memory_space<hbm>> -> memref<8x2048xf32, #tpu.memory_space<hbm>>
        %dma_start3A_420 = arith.constant 0 : i32
        %dma_start3A_421 = tpu.memref_slice %arg2[%add3A_417, %dma_start3A_420] : memref<4096x2048xf32, #tpu.memory_space<hbm>> -> memref<8x2048xf32, #tpu.memory_space<hbm>>
        tpu.enqueue_dma source(%dma_start3A_421 : memref<8x2048xf32, #tpu.memory_space<hbm>>) target(%arg10 : memref<8x2048xf32, #tpu.memory_space<vmem>>) target_semaphore(%arg14 : memref<!tpu.dma_semaphore, #tpu.memory_space<semaphore_mem>>)
      } else {
      }
    }
    %scan3A_354 = arith.constant 8 : i32
    %dma_wait3A = arith.constant 0 : i32
    %dma_wait3A_355 = arith.constant 0 : i32
    %dma_wait3A_356 = tpu.memref_slice %arg4[%dma_wait3A, %dma_wait3A_355] : memref<4096x2048xf32, #tpu.memory_space<hbm>> -> memref<8x2048xf32, #tpu.memory_space<hbm>>
    %dma_wait3A_357 = arith.constant 0 : i32
    %dma_wait3A_358 = arith.constant 0 : i32
    %dma_wait3A_359 = tpu.memref_slice %arg4[%dma_wait3A_357, %dma_wait3A_358] : memref<4096x2048xf32, #tpu.memory_space<hbm>> -> memref<8x2048xf32, #tpu.memory_space<hbm>>
    tpu.wait_dma2 semaphore(%arg15 : memref<!tpu.dma_semaphore, #tpu.memory_space<semaphore_mem>>) src(%arg11 : memref<8x2048xf32, #tpu.memory_space<vmem>>) dst(%dma_wait3A_359 : memref<8x2048xf32, #tpu.memory_space<hbm>>)
    %dma_wait3A_360 = arith.constant 0 : i32
    %dma_wait3A_361 = arith.constant 0 : i32
    %dma_wait3A_362 = tpu.memref_slice %arg4[%dma_wait3A_360, %dma_wait3A_361] : memref<4096x2048xf32, #tpu.memory_space<hbm>> -> memref<8x2048xf32, #tpu.memory_space<hbm>>
    %dma_wait3A_363 = arith.constant 0 : i32
    %dma_wait3A_364 = arith.constant 0 : i32
    %dma_wait3A_365 = tpu.memref_slice %arg4[%dma_wait3A_363, %dma_wait3A_364] : memref<4096x2048xf32, #tpu.memory_space<hbm>> -> memref<8x2048xf32, #tpu.memory_space<hbm>>
    tpu.wait_dma2 semaphore(%arg16 : memref<!tpu.dma_semaphore, #tpu.memory_space<semaphore_mem>>) src(%arg12 : memref<8x2048xf32, #tpu.memory_space<vmem>>) dst(%dma_wait3A_365 : memref<8x2048xf32, #tpu.memory_space<hbm>>)
    return
  }
}

</mosaic_0001>

<sc_bundles>
// kernel: kernel.3.cloned.1.call-start
scs
__scs_entry_jumppad:
0x0: {  	(pc) =	sbr.rel $0x88, $3  }
0x1: {  	(tag) =	ssettag $0x0;
	lr =	simm.s32 $0x1  }
0x2: {  	[smem:$0x3F9E] =	sst lr;
	_ =	strace $0xD0000000  }
0x3: {  	_ = 	snop  }
0x4: {  	_ = 	snop  }
0x5: {  	_ = 	snop  }
0x6: {  	_ = 	snop  }
0x7: {  	_ = 	snop  }
__scs_overlays_trampoline_lowered:
0x8: {  	[smem:$0x3FAD] =	sst s0  }
0x9: {  	[smem:$0x3FAE] =	sst s1  }
0xa: {  	[smem:$0x3FAF] =	sst s2  }
0xb: {  	[smem:$0x3FB0] =	sst s3  }
0xc: {  	[smem:$0x3FB1] =	sst s4  }
0xd: {  	[smem:$0x3FB2] =	sst s5  }
0xe: {  	[smem:$0x3FB3] =	sst s6  }
0xf: {  	[smem:$0x3FB4] =	sst s7  }
0x10: {  	[smem:$0x3FB5] =	sst s8  }
0x11: {  	[smem:$0x3FB6] =	sst s9;
	s0 =	simm.s32 @!p0 $0x0  }
0x12: {  	s1 =	sld [smem:$0x3F9C];
	s0 =	simm.s32 @p0 $0x1  }
0x13: {  	[smem:$0x3FB7] =	sst s0;
	s0 =	simm.s32 @!p1 $0x0  }
0x14: {  	s2 =	sld [smem:$0x3F9B];
	s0 =	simm.s32 @p1 $0x1  }
0x15: {  	[smem:$0x3FB8] =	sst s0;
	s0 =	simm.s32 @!p2 $0x0  }
0x16: {  	s3 =	sld [smem:$0x3FDB];
	s0 =	simm.s32 @p2 $0x1  }
0x17: {  	s4 =	simm.s32 $0x1BF5;
	[smem:$0x3FBA] =	sst s0  }
0x18: {  	s0 =	sld [smem:$0x3F9D];
	_ =	swait.ge [sflag:s4], $0x0  }
0x19: {  	s7 =	sld [smem:$0x3F9E]  }
0x1a: {  	s8 =	sadd.s32 $0xFFFFE003, lr  }
0x1b: {  	s9 =	sadd.s32 $0xFFFFFEF7, lr;
	s5 =	simm.s32 $0xFFFFFFFF;
	p2 =	slt.u32 s8, $0xFFFFF086  }
0x1c: {  	p1 =	slt.u32 s9, $0xF7A;
	s5 =	simm.s32 @!p2 $0x0  }
0x1d: {  	s5 =	simm.s32 @p1 $0x1;
	p0 =	seq.s32 s7, s2  }
0x1e: {  	s7 =	smul.u32 @!p0 $0xF7A, s2;
	p2 =	seq.s32 @!p0 s5, $0x0  }
0x1f: {  	s9 =	smul.u32 $0xF7A, s1;
	s8 =	simm.s32 @!p0 $0x1BF5;
	p2 =	por !p2, p0  }
0x20: {  	[sflag:s8] =	ssyncset.s32 @!p0 $0xFFFFF086;
	s6 =	sadd.s32 @!p0 s3, s7;
	s7 =	simm.s32 @!p0 $0x108  }
0x21: {  	s3 =	sadd.s32 s3, s9;
	s6 =	sadd.s32 @!p0 $0x88, s6;
	s7 =	simm.s32 @p2 $0x1082  }
0x22: {  	[simem:s7], [sflag:s8] =	dma.local @!p0 [hbm:s6], $0xF7A  }
0x23: {  	s9 =	sor.u32 $0xD0000000, s2;
	s6 =	simm.s32 $0x108;
	_ =	swait.ge @!p0 [sflag:s8], $0x0  }
0x24: {  	s3 =	sadd.s32 $0x88, s3;
	s6 =	simm.s32 @!p1 $0x1082;
	[sflag:s4] =	ssyncset.s32 $0xFFFFF086  }
0x25: {  	[simem:s6], [sflag:s4] =	dma.local [hbm:s3], $0xF7A  }
0x26: {  	[smem:$0x3F9E] =	sst s1;
	(tag) =	ssettag s2;
	_ =	strace s9  }
0x27: {  	s1 =	sld [smem:$0x3FAE]  }
0x28: {  	s2 =	sld [smem:$0x3FAF]  }
0x29: {  	s4 =	sld [smem:$0x3FB1]  }
0x2a: {  	p0 =	seq.s32 s5, $0x0;
	s5 =	sld [smem:$0x3FB2]  }
0x2b: {  	s6 =	sld [smem:$0x3FB3]  }
0x2c: {  	s7 =	sld [smem:$0x3FB4]  }
0x2d: {  	s3 =	simm.s32 $0x108;
	s8 =	sld [smem:$0x3FB5]  }
0x2e: {  	s3 =	simm.s32 @!p0 $0x1082;
	s9 =	sld [smem:$0x3FB6]  }
0x2f: {  	lr =	sadd.s32 s0, s3;
	s0 =	sld [smem:$0x3FAD]  }
0x30: {  	s3 =	sld [smem:$0x3FB0]  }
0x31: {  	[smem:$0x3FB9] =	sst s10  }
0x32: {  	s10 =	sld [smem:$0x3FB7];
	_ =	sdelay $0x3  }
0x33: {  	p0 =	seq.s32 s10, $0x1;
	s10 =	sld [smem:$0x3FB9];
	_ =	sdelay $0x3  }
0x34: {  	[smem:$0x3FB9] =	sst s10  }
0x35: {  	s10 =	sld [smem:$0x3FB8];
	_ =	sdelay $0x3  }
0x36: {  	p1 =	seq.s32 s10, $0x1;
	s10 =	sld [smem:$0x3FB9];
	_ =	sdelay $0x3  }
0x37: {  	[smem:$0x3FB9] =	sst s10  }
0x38: {  	s10 =	sld [smem:$0x3FBA]  }
0x39: {  	_ = 	snop;
	(pc) =	sbr.ind lr, $3  }
0x3a: {  	_ = 	snop  }
0x3b: {  	_ = 	snop  }
0x3c: {  	p2 =	seq.s32 s10, $0x1;
	s10 =	sld [smem:$0x3FB9]  }
0x3d: {  	_ =	shalt  }
0x3e: {  	_ =	shalt  }
0x3f: {  	_ =	shalt  }
0x40: {  	_ =	shalt  }
0x41: {  	_ =	shalt  }
0x42: {  	_ =	shalt  }
0x43: {  	_ =	shalt  }
0x44: {  	_ =	shalt  }
0x45: {  	_ =	shalt  }
0x46: {  	_ =	shalt  }
0x47: {  	_ =	shalt  }
0x48: {  	_ =	shalt  }
0x49: {  	_ =	shalt  }
0x4a: {  	_ =	shalt  }
0x4b: {  	_ =	shalt  }
0x4c: {  	_ =	shalt  }
0x4d: {  	_ =	shalt  }
0x4e: {  	_ =	shalt  }
0x4f: {  	_ =	shalt  }
0x50: {  	_ =	shalt  }
0x51: {  	_ =	shalt  }
0x52: {  	_ =	shalt  }
0x53: {  	_ =	shalt  }
0x54: {  	_ =	shalt  }
0x55: {  	_ =	shalt  }
0x56: {  	_ =	shalt  }
0x57: {  	_ =	shalt  }
0x58: {  	_ =	shalt  }
0x59: {  	_ =	shalt  }
0x5a: {  	_ =	shalt  }
0x5b: {  	_ =	shalt  }
0x5c: {  	_ =	shalt  }
0x5d: {  	_ =	shalt  }
0x5e: {  	_ =	shalt  }
0x5f: {  	_ =	shalt  }
0x60: {  	_ =	shalt  }
0x61: {  	_ =	shalt  }
0x62: {  	_ =	shalt  }
0x63: {  	_ =	shalt  }
0x64: {  	_ =	shalt  }
0x65: {  	_ =	shalt  }
0x66: {  	_ =	shalt  }
0x67: {  	_ =	shalt  }
0x68: {  	_ =	shalt  }
0x69: {  	_ =	shalt  }
0x6a: {  	_ =	shalt  }
0x6b: {  	_ =	shalt  }
0x6c: {  	_ =	shalt  }
0x6d: {  	_ =	shalt  }
0x6e: {  	_ =	shalt  }
0x6f: {  	_ =	shalt  }
0x70: {  	_ =	shalt  }
0x71: {  	_ =	shalt  }
0x72: {  	_ =	shalt  }
0x73: {  	_ =	shalt  }
0x74: {  	_ =	shalt  }
0x75: {  	_ =	shalt  }
0x76: {  	_ =	shalt  }
0x77: {  	_ =	shalt  }
0x78: {  	_ =	shalt  }
0x79: {  	_ =	shalt  }
0x7a: {  	_ =	shalt  }
0x7b: {  	_ =	shalt  }
0x7c: {  	_ =	shalt  }
0x7d: {  	_ =	shalt  }
0x7e: {  	_ =	shalt  }
0x7f: {  	_ =	shalt  }
0x80: {  	_ =	shalt  }
0x81: {  	_ =	shalt  }
0x82: {  	_ =	shalt  }
0x83: {  	_ =	shalt  }
0x84: {  	_ =	shalt  }
0x85: {  	_ =	shalt  }
0x86: {  	_ =	shalt  }
0x87: {  	_ =	shalt  }
.Lfunc_end0:
.L_simem_size_0:
called_computation_lowered:
.L_overlay_start_0:
0x88: {  	s2 =	sld [smem:$0x3FD9]  }
0x89: {  	s3 =	sld [smem:$0x3FFE];
	_ =	sdelay $0x1  }
0x8a: {  	s1 =	srdreg.scid  }
0x8b: {  	s0 =	sand.u32 $0x1, s1  }
0x8c: {  	s17 =	sshll.u32 s0, $0xA;
	s2 =	sadd.s32 s3, s2  }
0x8d: {  	s2 =	sadd.s32 s2, s17  }
0x8e: {  	[smem:$0x3FC5] =	sst s2  }
0x8f: {  	_ = 	snop  }
0x90: {  	s2 =	sld [smem:$0x3FC9]  }
0x91: {  	s18 =	sld [smem:$0x3FD0];
	(tm) =	ssettm $0x1  }
0x92: {  	s4 =	sld [smem:$0x3FFB];
	_ =	sdelay $0x3  }
0x93: {  	_ =	strace s4  }
0x94: {  	s4 =	sld [smem:$0x3FFC];
	_ =	sdelay $0x3  }
0x95: {  	_ =	strace s4  }
0x96: {  	s4 =	sld [smem:$0x3FFD];
	_ =	sdelay $0x3  }
0x97: {  	_ =	strace s4  }
0x98: {  	_ =	strace $0x8FFFFFFF  }
0x99: {  	s19 =	sld [smem:$0x3FDB];
	_ =	sdelay $0x1  }
0x9a: {  	s5 =	simm.s32 $_scs_section_size  }
0x9b: {  	s6 =	simm.s32 $_size__tile_overlayer_lowered;
	s7 =	simm.s32 $_tile_overlayer_lowered  }
0x9c: {  	s22 =	simm.s32 $0x1BFF;
	s21 =	sshll.u32 s7, $0x1;
	s4 =	sadd.s32 s5, s19  }
0x9d: {  	s8 =	simm.s32 $0x0;
	s20 =	sshll.u32 s6, $0x1;
	s6 =	sadd.s32 s21, s4  }
0x9e: {  	[timem:s8], [sflag:s22] =	dma.local [hbm:s6], s20  }
0x9f: {  	_ =	swait.ge [sflag:s22], s20  }
0xa0: {  	s5 =	ssub.s32 $0x0, s20;
	[sflag:s22] =	ssyncset.done $0x0  }
0xa1: {  	[sflag:s22] =	ssyncadd.s32 s5;
	_ =	sdelay $0x1  }
0xa2: {  	s23 =	simm.s32 $0x1B8B  }
0xa3: {  	_ =	swait.ge [sflag:s23], $0x1  }
0xa4: {  	[sflag:s23] =	ssyncset.done $0x0  }
0xa5: {  	s25 =	simm.s32 $0x1B8E;
	s24 =	sld [smem:$0x3FFE];
	[sflag:s23] =	ssyncadd.s32 $0xFFFFFFFF  }
0xa6: {  	s26 =	simm.s32 $execute0_lowered;
	[smem:$0x3FD2] =	sst s25  }
0xa7: {  	s6 =	sshll.u32 s26, $0x1;
	_ =	strace $0x80000046;
	[dreg:$0x1] =	wrdreg $0xFFFFFFFF  }
0xa8: {  	s28 =	simm.s32 $_size_execute0_lowered;
	s4 =	sadd.s32 s4, s6;
	[dreg:$0x0] =	wrdreg $0x0  }
0xa9: {  	s6 =	sshll.u32 s28, $0x1;
	[dreg:$0x2] =	wrdreg s4  }
0xaa: {  	[dreg:$0x3] =	wrdreg s6  }
0xab: {  	[dreg:$0x4] =	wrdreg $0xC0  }
0xac: {  	_ =	task [dreg:s8], $0x5FFFF  }
0xad: {  	[dreg:$0x1] =	wrdreg $0xFFFFFFFF  }
0xae: {  	[dreg:$0x0] =	wrdreg $0x60  }
0xaf: {  	[dreg:$0x2] =	wrdreg s2  }
0xb0: {  	[dreg:$0x3] =	wrdreg s24  }
0xb1: {  	[dreg:$0x4] =	wrdreg s18  }
0xb2: {  	[dreg:$0x5] =	wrdreg $0x9  }
0xb3: {  	_ =	task.clear_ibuf [dreg:s8], $0x6FFFF;
	_ =	strace $0x90000046  }
0xb4: {  	s29 =	simm.s32 $0x9;
	_ =	strace $0x80000048  }
0xb5: {  	_ =	swait.ge [sflag:s29], $0x1  }
0xb6: {  	[sflag:s29] =	ssyncadd.s32 $0xFFFFFFFF  }
0xb7: {  	_ =	strace $0x90000048  }
0xb8: {  	_ =	sfence  }
0xb9: {  	s30 =	sld [smem:$0x0];
	_ =	sdelay $0x2  }
0xba: {  	s31 =	sshll.u32 s1, $0xD;
	s1 =	sshrl.u32 s1, $0x2  }
0xbb: {  	s3 =	sand.u32 $0x4000, s31;
	s1 =	sadd.s32 s1, s30  }
0xbc: {  	s0 =	sor.u32 s3, s0;
	s1 =	sshll.u32 s1, $0x11  }
0xbd: {  	s0 =	sor.u32 s1, s0  }
0xbe: {  	s0 =	sadd.s32 $0x8F2B, s0  }
0xbf: {  	[sflag:s0] =	ssyncadd.remote.s32 $0x1  }
0xc0: {  	_ =	sfence.sel $0xFFFF  }
0xc1: {  	[dreg:$0x0] =	wrdreg $0xFFFFFFFF;
	(pc) =	sbr.abs _section_cstart, $3  }
0xc2: {  	[dreg:$0x1] =	wrdreg $0xFFFFFFFF  }
0xc3: {  	_ =	task.clear_ibuf [dreg:s8], $0x2FFFF;
	_ =	strace $0x9FFFFFFF  }
0xc4: {  	(tm) =	ssettm $0x7FFFFFFF  }
0xc5: {  	_ =	shalt  }
tec
execute0_lowered:
.L_overlay_start_1:
0x0: {  	(tag) =	ssettag $0x1  }
0x1: {  	v0 =	vimm.f32 $-2.380952540e-01;
	vm14 =	vcmask $0x300  }
0x2: {  	vm13 =	vcmask $0x704;
	vm12 =	vcmask $0xB08;
	vm11 =	vcmask $0xF0C  }
0x3: {  	vm9 =	vcmask $0x1310;
	vm4 =	vcmask $0x1714;
	s0 =	rddreg [dreg:$0x0];
	vm5 =	vcmask $0x1B18  }
0x4: {  	s3 =	rddreg [dreg:$0x1];
	vm6 =	vcmask $0x1F1C;
	vm0 =	vcmask $0x2320;
	vm1 =	vcmask $0x2724  }
0x5: {  	s1 =	rddreg [dreg:$0x2];
	s2 =	simm.s32 $0x0;
	vm2 =	vcmask $0x2B28;
	vm3 =	vcmask $0x2F2C;
	v1 =	vimm.f32 $-4.920635220e-01  }
0x6: {  	vm10 =	vcmask $0x3330;
	s12 =	simm.s32 $0x4200;
	v2 =	vimm.f32 $-7.460317610e-01;
	s17 =	simm.s32 $0x180;
	s18 =	simm.s32 $0x8200  }
0x7: {  	vm7 =	vcmask $0x3734;
	vm8 =	vcmask $0x3B38;
	s21 =	simm.s32 $0xC200;
	v0 =	vsel vm14, $0x80000000, v0;
	[smem:$0x7FF] =	sst s2;
	s3 =	sadd.s32 $0x400, s3  }
0x8: {  	s4 =	srdreg.scid;
	v3 =	vimm.f32 $-1.000000000e+00;
	s29 =	sadd.s32 $0x1000, s0;
	v1 =	vsel vm14, $0xBE820821, v1;
	s9 =	sadd.s32 $0x800, s1;
	v2 =	vsel vm14, $0xBF020821, v2  }
0x9: {  	s4 =	sand.u32 $0x1, s4;
	v3 =	vsel vm14, $0xBF430C32, v3;
	v0 =	vsel vm13, $0xBC820821, v0;
	_ =	strace $0x80000047  }
0xa: {  	s10 =	sadd.s32 $0x1800, s0;
	s6 =	sshll.u32 s4, $0xF;
	v1 =	vsel vm13, $0xBE8A28A3, v1;
	v2 =	vsel vm13, $0xBF061862, v2  }
0xb: {  	v3 =	vsel vm13, $0xBF471C73, v3;
	v0 =	vsel vm12, $0xBD020821, v0;
	v1 =	vsel vm12, $0xBE924925, v1  }
0xc: {  	v2 =	vsel vm12, $0xBF0A28A3, v2;
	v3 =	vsel vm12, $0xBF4B2CB4, v3;
	v0 =	vsel vm11, $0xBD430C32, v0  }
0xd: {  	v1 =	vsel vm11, $0xBE9A69A7, v1;
	v2 =	vsel vm11, $0xBF0E38E4, v2;
	v3 =	vsel vm11, $0xBF4F3CF5, v3  }
0xe: {  	v0 =	vsel vm9, $0xBD820821, v0;
	v1 =	vsel vm9, $0xBEA28A29, v1;
	v2 =	vsel vm9, $0xBF124925, v2  }
0xf: {  	v3 =	vsel vm9, $0xBF534D36, v3;
	v0 =	vsel vm4, $0xBDA28A29, v0;
	v1 =	vsel vm4, $0xBEAAAAAB, v1  }
0x10: {  	v2 =	vsel vm4, $0xBF165966, v2;
	v3 =	vsel vm4, $0xBF575D77, v3;
	v0 =	vsel vm5, $0xBDC30C32, v0  }
0x11: {  	v1 =	vsel vm5, $0xBEB2CB2D, v1;
	v2 =	vsel vm5, $0xBF1A69A7, v2;
	v3 =	vsel vm5, $0xBF5B6DB8, v3  }
0x12: {  	v0 =	vsel vm6, $0xBDE38E3A, v0;
	v1 =	vsel vm6, $0xBEBAEBAF, v1;
	v2 =	vsel vm6, $0xBF1E79E8, v2  }
0x13: {  	v3 =	vsel vm6, $0xBF5F7DF9, v3;
	v0 =	vsel vm0, $0xBE020821, v0;
	v1 =	vsel vm0, $0xBEC30C32, v1  }
0x14: {  	s5 =	stileid.u32;
	v2 =	vsel vm0, $0xBF228A29, v2;
	v3 =	vsel vm0, $0xBF638E3A, v3;
	v0 =	vsel vm1, $0xBE124925, v0  }
0x15: {  	s5 =	sshll.u32 s5, $0x10;
	v1 =	vsel vm1, $0xBECB2CB4, v1;
	v2 =	vsel vm1, $0xBF269A6A, v2;
	v3 =	vsel vm1, $0xBF679E7B, v3  }
0x16: {  	s5 =	sor.u32 s6, s5;
	v0 =	vsel vm2, $0xBE228A29, v0;
	v1 =	vsel vm2, $0xBED34D36, v1;
	v2 =	vsel vm2, $0xBF2AAAAB, v2  }
0x17: {  	s15 =	simm.s32 $0x1;
	[dreg:$0x4] =	wrdreg s3;
	s28 =	sadd.s32 s0, s5;
	v3 =	vsel vm2, $0xBF6BAEBC, v3;
	v0 =	vsel vm3, $0xBE32CB2D, v0;
	v1 =	vsel vm3, $0xBEDB6DB8, v1  }
.Ltmp0:
0x18: {  	s30 =	ssub.s32 $0x2, s4;
	s3 =	sadd.s32 $0x800, s28;
	v2 =	vsel vm3, $0xBF2EBAEC, v2;
	v3 =	vsel vm3, $0xBF6FBEFD, v3;
	(pc) =	sbr.rel .LBB2_1-.Ltmp0, $4  }
0x19: {  	s16 =	simm.s32 $0x100;
	[dreg:$0x6] =	wrdreg s29;
	s31 =	sshrl.u32 s30, $0x1;
	v0 =	vsel vm10, $0xBE430C32, v0;
	v1 =	vsel vm10, $0xBEE38E3A, v1;
	v2 =	vsel vm10, $0xBF32CB2D, v2  }
0x1a: {  	s19 =	simm.s32 $0x2;
	s0 =	ssub.s32 s30, s31;
	[dreg:$0x5] =	wrdreg s28;
	v3 =	vsel vm10, $0xBF73CF3E, v3;
	v0 =	vsel vm7, $0xBE534D36, v0;
	v1 =	vsel vm7, $0xBEEBAEBC, v1  }
0x1b: {  	s20 =	simm.s32 $0x4;
	s0 =	smax.u32 s0, $0x1;
	[dreg:$0x7] =	wrdreg s3;
	v2 =	vsel vm7, $0xBF36DB6E, v2;
	v3 =	vsel vm7, $0xBF77DF7F, v3;
	v0 =	vsel vm8, $0xBE638E3A, v0  }
0x1c: {  	s7 =	smov.u32 s1;
	s1 =	simm.s32 $0x0;
	[dreg:$0x8] =	wrdreg s0;
	v1 =	vsel vm8, $0xBEF3CF3E, v1;
	v2 =	vsel vm8, $0xBF3AEBAF, v2;
	v3 =	vsel vm8, $0xBF7BEFC0, v3  }
.LBB2_12:
0x1d: {  	s0 =	simm.s32 $0x3  }
0x1e: {  	_ =	swait.ge [sflag:s0], $0x4000  }
0x1f: {  	[sflag:s0] =	ssyncset.done $0x0  }
0x20: {  	[sflag:s0] =	ssyncadd.s32 $0xFFFFC000  }
0x21: {  	_ =	swait.ge [sflag:s20], $0x4000  }
0x22: {  	s1 =	rddreg [dreg:$0x9]  }
0x23: {  	s31 =	rddreg [dreg:$0x8];
	s1 =	sadd.s32 $0x1, s1  }
0x24: {  	p0 =	sne.s32 s1, s31  }
.Ltmp1:
0x25: {  	_ = 	snop;
	(pc) =	sbr.rel @!p0 .LBB2_13-.Ltmp1, $3  }
0x26: {  	_ =	sdelay $0x1  }
0x27: {  	[sflag:s20] =	ssyncset.done $0x0  }
0x28: {  	[sflag:s20] =	ssyncadd.s32 $0xFFFFC000  }
.LBB2_1:
0x29: {  	[dreg:$0x9] =	wrdreg s1  }
0x2a: {  	s0 =	rddreg [dreg:$0x5];
	s26 =	simm.s32 $0x200  }
0x2b: {  	[tilespmem:s26], [sflag:$0x1] =	stream.linear.gather [hbm4b:s0+s2], $0x4000, $0x38;
	[tilespmem:$0x10200] =	vst v63  }
0x2c: {  	s28 =	rddreg [dreg:$0x7]  }
0x2d: {  	[tilespmem:s12], [sflag:$0x2] =	stream.linear.gather [hbm4b:s28+s2], $0x4000, $0x38;
	[tilespmem:$0x10200] =	vst v63  }
0x2e: {  	s29 =	rddreg [dreg:$0x4];
	s30 =	simm.s32 $0x5  }
0x2f: {  	[tilespmem:s2], [sflag:$0x5] =	stream.linear.gather [hbm4b:s29+s2], $0x80, $0x38;
	[tilespmem:$0x10200] =	vst v63  }
0x30: {  	_ =	swait.ge [sflag:s30], $0x80  }
0x31: {  	[sflag:s30] =	ssyncset.done $0x0  }
0x32: {  	[sflag:s30] =	ssyncadd.s32 $0xFFFFFF80  }
0x33: {  	v4 =	vld [tilespmem:$0x0];
	_ =	sdelay $0x4  }
0x34: {  	v5 =	vand.u32 $0x7FFFFFFF, v4  }
0x35: {  	v5 =	vsub.f32 $0.0e+00, v5;
	_ =	sdelay $0x1  }
0x36: {  	v5 =	vmul.f32 $1.442695020e+00, v5;
	_ =	sdelay $0x1  }
0x37: {  	(erf) = vpow2.f32 v5;
	_ =	sdelay $0x2  }
0x38: {  	v5 =	vld [tilespmem:$0x10];
	_ =	sdelay $0x4  }
0x39: {  	v6 =	vand.u32 $0x7FFFFFFF, v5  }
0x3a: {  	v6 =	vsub.f32 $0.0e+00, v6;
	v7 =	vpop (erf)  }
0x3b: {  	v8 =	vadd.f32 $2.000000000e+00, v7  }
0x3c: {  	v6 =	vmul.f32 $1.442695020e+00, v6  }
0x3d: {  	(erf) = vrcp.f32 v8  }
0x3e: {  	(erf) = vpow2.f32 v6;
	_ =	sdelay $0x2  }
0x3f: {  	v32 =	vld [tilespmem:$0x20];
	_ =	sdelay $0x4  }
0x40: {  	v9 =	vand.u32 $0x7FFFFFFF, v32;
	v8 =	vpop (erf)  }
0x41: {  	v9 =	vsub.f32 $0.0e+00, v9;
	v10 =	vpop (erf)  }
0x42: {  	v11 =	vadd.f32 $2.000000000e+00, v10  }
0x43: {  	v9 =	vmul.f32 $1.442695020e+00, v9  }
0x44: {  	(erf) = vrcp.f32 v11  }
0x45: {  	(erf) = vpow2.f32 v9;
	_ =	sdelay $0x2  }
0x46: {  	v33 =	vld [tilespmem:$0x30];
	_ =	sdelay $0x4  }
0x47: {  	v12 =	vand.u32 $0x7FFFFFFF, v33;
	v11 =	vpop (erf)  }
0x48: {  	v12 =	vsub.f32 $0.0e+00, v12;
	v13 =	vpop (erf)  }
0x49: {  	v14 =	vadd.f32 $2.000000000e+00, v13  }
0x4a: {  	v12 =	vmul.f32 $1.442695020e+00, v12  }
0x4b: {  	(erf) = vrcp.f32 v14  }
0x4c: {  	(erf) = vpow2.f32 v12;
	_ =	sdelay $0x7  }
0x4d: {  	v34 =	vpop (erf)  }
0x4e: {  	v35 =	vpop (erf)  }
0x4f: {  	v15 =	vadd.f32 $2.000000000e+00, v35;
	_ =	sdelay $0x1  }
0x50: {  	(erf) = vrcp.f32 v15;
	_ =	sdelay $0x4  }
0x51: {  	v7 =	vmul.f32 v8, v7;
	v36 =	vmul.f32 v11, v10;
	_ =	sdelay $0x1  }
0x52: {  	v37 =	vmul.f32 v7, v7;
	v11 =	vmul.f32 v36, v36  }
0x53: {  	v12 =	vmul.f32 v34, v13  }
0x54: {  	v38 =	vmul.f32 $1.111111120e-01, v37;
	v16 =	vmul.f32 $1.111111120e-01, v11;
	v39 =	vpop (erf)  }
0x55: {  	v41 =	vmul.f32 v12, v12;
	v13 =	vmul.f32 v39, v35  }
0x56: {  	v40 =	vadd.f32 $1.428571490e-01, v16;
	v15 =	vadd.f32 $1.428571490e-01, v38  }
0x57: {  	v18 =	vmul.f32 $1.111111120e-01, v41;
	v17 =	vmul.f32 v13, v13  }
0x58: {  	v14 =	vmul.f32 v40, v11;
	v15 =	vmul.f32 v15, v37  }
0x59: {  	v18 =	vadd.f32 $1.428571490e-01, v18;
	v19 =	vmul.f32 $1.111111120e-01, v17  }
0x5a: {  	v14 =	vadd.f32 $2.000000030e-01, v14;
	v15 =	vadd.f32 $2.000000030e-01, v15  }
0x5b: {  	v18 =	vmul.f32 v18, v41;
	v19 =	vadd.f32 $1.428571490e-01, v19  }
0x5c: {  	v14 =	vmul.f32 v14, v11;
	v15 =	vmul.f32 v15, v37  }
0x5d: {  	v18 =	vadd.f32 $2.000000030e-01, v18;
	v19 =	vmul.f32 v19, v17  }
0x5e: {  	v14 =	vadd.f32 $3.333333430e-01, v14;
	v15 =	vadd.f32 $3.333333430e-01, v15  }
0x5f: {  	v43 =	vmul.f32 v18, v41;
	v42 =	vadd.f32 $2.000000030e-01, v19  }
0x60: {  	v7 =	vadd.f32 v7, v7;
	v11 =	vmul.f32 v14, v11;
	v10 =	vmul.f32 v15, v37  }
0x61: {  	v8 =	vadd.f32 v36, v36;
	v14 =	vadd.f32 $3.333333430e-01, v43;
	v15 =	vmul.f32 v42, v17  }
0x62: {  	v11 =	vadd.f32 $1.000000000e+00, v11;
	v10 =	vadd.f32 $1.000000000e+00, v10  }
0x63: {  	v4 =	vmax.f32 v4, $0.0e+00;
	v44 =	vmul.f32 v14, v41;
	v15 =	vadd.f32 $3.333333430e-01, v15  }
0x64: {  	v5 =	vmax.f32 v5, $0.0e+00;
	v8 =	vmul.f32 v11, v8;
	v7 =	vmul.f32 v10, v7  }
0x65: {  	v12 =	vadd.f32 v12, v12;
	v10 =	vadd.f32 $1.000000000e+00, v44;
	v45 =	vmul.f32 v15, v17  }
0x66: {  	v5 =	vadd.f32 v8, v5;
	v4 =	vadd.f32 v7, v4  }
0x67: {  	v47 =	vadd.f32 v13, v13;
	v46 =	vmul.f32 v10, v12;
	v48 =	vadd.f32 $1.000000000e+00, v45  }
0x68: {  	(xrf2) =	vadd.scan.msk.f32 $0xffff, v4;
	v4 =	vmax.f32 v32, $0.0e+00  }
0x69: {  	(xrf2) =	vadd.scan.msk.f32 $0xffff, v5;
	v4 =	vadd.f32 v46, v4;
	v5 =	vmul.f32 v48, v47  }
0x6a: {  	v49 =	vmax.f32 v33, $0.0e+00  }
0x6b: {  	(xrf2) =	vadd.scan.msk.f32 $0xffff, v4;
	v4 =	vadd.f32 v5, v49;
	_ =	sdelay $0x1  }
0x6c: {  	(xrf2) =	vadd.scan.msk.f32 $0xffff, v4;
	_ =	sdelay $0x4  }
0x6d: {  	v4, _, _ =	vpop (xrf2)  }
0x6e: {  	v5, _, _ =	vpop (xrf2);
	(v2sf) =	vpush v4, $0xF  }
0x6f: {  	(v2sf) =	vpush v5, $0xF  }
0x70: {  	v50, _, _ =	vpop (xrf2)  }
0x71: {  	(v2sf) =	vpush v50, $0xF  }
0x72: {  	v51, _, _ =	vpop (xrf2)  }
0x73: {  	(v2sf) =	vpush v51, $0xF;
	_ =	sdelay $0x9  }
0x74: {  	s31 =	spop (v2sf)  }
0x75: {  	s3 =	spop (v2sf)  }
0x76: {  	s4 =	sadd.f32 s3, s31  }
0x77: {  	s6 =	spop (v2sf)  }
0x78: {  	s4 =	sadd.f32 s6, s4  }
0x79: {  	s8 =	spop (v2sf)  }
0x7a: {  	s4 =	sadd.f32 s8, s4;
	_ =	sdelay $0x1  }
0x7b: {  	s4 =	sadd.f32 $9.999999970e-07, s4;
	_ =	sdelay $0x1  }
0x7c: {  	v52 =	vmov s4  }
0x7d: {  	(erf) = vrcp.f32 v52;
	_ =	sdelay $0x6  }
0x7e: {  	s0 =	sadd.f32 $0.0e+00, s31  }
0x7f: {  	v4 =	vadd.f32 $0.0e+00, v4  }
0x80: {  	v5 =	vadd.f32 s0, v5;
	s0 =	sadd.f32 s3, s0;
	v8 =	vpop (erf)  }
0x81: {  	v4 =	vmul.f32 v8, v4  }
0x82: {  	v53 =	vld.msk [tilespmem:$0x40 ss:$0x0], $0xffff;
	v6 =	vadd.f32 s0, v50;
	v5 =	vmul.f32 v8, v5  }
0x83: {  	s0 =	sadd.f32 s6, s0;
	v4 =	vmax.f32 v4, $0.0e+00  }
0x84: {  	v6 =	vmul.f32 v8, v6;
	v5 =	vmax.f32 v5, $0.0e+00;
	v4 =	vmin.f32 v4, $9.800000190e-01  }
0x85: {  	v7 =	vadd.f32 s0, v51;
	v5 =	vmin.f32 v5, $9.800000190e-01;
	v4 =	vsub.f32 $1.000000000e+00, v4  }
0x86: {  	v6 =	vmax.f32 v6, $0.0e+00;
	v5 =	vsub.f32 $1.000000000e+00, v5  }
0x87: {  	v7 =	vmul.f32 v8, v7;
	v6 =	vmin.f32 v6, $9.800000190e-01;
	v4 =	vmul.f32 v4, v53  }
0x88: {  	v6 =	vsub.f32 $1.000000000e+00, v6;
	v5 =	vmul.f32 v5, v53  }
0x89: {  	v7 =	vmax.f32 v7, $0.0e+00;
	[tilespmem:$0x80] =	vst v4  }
0x8a: {  	v6 =	vmul.f32 v6, v53;
	[tilespmem:$0x90] =	vst v5;
	v5 =	vmin.f32 v7, $9.800000190e-01  }
0x8b: {  	v5 =	vsub.f32 $1.000000000e+00, v5;
	v54 =	vld [tilespmem:$0x81]  }
0x8c: {  	[tilespmem:$0xA0] =	vst v6;
	v55 =	vld [tilespmem:$0x90]  }
0x8d: {  	v56 =	vld [tilespmem:$0x91];
	v5 =	vmul.f32 v5, v53;
	_ =	sdelay $0x1  }
0x8e: {  	v57 =	vld [tilespmem:$0xA0];
	[tilespmem:$0xB0] =	vst v5  }
0x8f: {  	v58 =	vld [tilespmem:$0xA1]  }
0x90: {  	[tilespmem:$0xC0] =	vst v5;
	v7 =	vsub.f32 v54, v4;
	v5 =	vld [tilespmem:$0xB0]  }
0x91: {  	v59 =	vld [tilespmem:$0xB1];
	v8 =	vsub.f32 v56, v55  }
0x92: {  	v7 =	vmul.f32 $6.299603270e+01, v7  }
0x93: {  	v8 =	vmul.f32 $6.299603270e+01, v8  }
0x94: {  	v60 =	vmul.f32 v0, v7;
	v10 =	vsub.f32 v58, v57  }
0x95: {  	v61 =	vmul.f32 v1, v8  }
0x96: {  	v11 =	vsub.f32 v59, v5;
	v4 =	vadd.f32 v60, v4;
	v10 =	vmul.f32 $6.299603270e+01, v10  }
0x97: {  	[tilespmem:$0x180] =	vst v7  }
0x98: {  	v11 =	vmul.f32 $6.299603270e+01, v11;
	[tilespmem:$0x100] =	vst v4;
	v4 =	vadd.f32 v61, v55;
	v62 =	vmul.f32 v2, v10  }
0x99: {  	[tilespmem:$0x190] =	vst v8  }
0x9a: {  	v63 =	vmul.f32 v3, v11;
	[tilespmem:$0x110] =	vst v4;
	v4 =	vadd.f32 v62, v57  }
0x9b: {  	[tilespmem:$0x1A0] =	vst v10  }
0x9c: {  	[tilespmem:$0x120] =	vst v4;
	v4 =	vadd.f32 v63, v5  }
0x9d: {  	[tilespmem:$0x1B0] =	vst v11  }
0x9e: {  	s24 =	simm.s32 $0x0;
	[tilespmem:$0x130] =	vst v4  }
.LBB2_2:
0x9f: {  	_ =	swait.ge [sflag:s15], $0x4000  }
0xa0: {  	p0 =	seq.s32 s24, $0x0;
	[sflag:s15] =	ssyncset.done $0x0  }
0xa1: {  	s0 =	simm.s32 @!p0 $0x3;
	[sflag:s15] =	ssyncadd.s32 $0xFFFFC000  }
0xa2: {  	s3 =	simm.s32 $0x0;
	s4 =	simm.s32 $0x0;
	_ =	swait.ge @!p0 [sflag:s0], $0x4000  }
0xa3: {  	s4 =	sand.u32 $0x60, s4;
	s6 =	sand.u32 $0x3C00, s3;
	[sflag:s0] =	ssyncset.done @!p0 $0x0  }
0xa4: {  	s8 =	sor.u32 s4, s6;
	[sflag:s0] =	ssyncadd.s32 @!p0 $0xFFFFC000  }
0xa5: {  	v4 =	vld [tilespmem:s8+$0x210];
	_ =	sdelay $0x4  }
0xa6: {  	v4 =	vmax.f32 v4, $0.0e+00  }
0xa7: {  	v4 =	vmin.f32 v4, $9.999999400e-01  }
0xa8: {  	v5 =	vmul.f32 $6.300000000e+01, v4;
	_ =	sdelay $0x1  }
0xa9: {  	v5 =	vtrunc.f32 v5  }
0xaa: {  	v6 =	vld [tilespmem:s8+$0x290];
	v5 =	vcvt.f32.s32 v5;
	_ =	sdelay $0x4  }
0xab: {  	v7 =	vld [tilespmem:s8+$0x200];
	v6 =	vmax.f32 v6, $0.0e+00  }
0xac: {  	v6 =	vmin.f32 v6, $9.999999400e-01;
	v8 =	vld.idx.msk [tilespmem:v5+s17+$0x0], $0xffff  }
0xad: {  	v9 =	vmul.f32 $6.300000000e+01, v6  }
0xae: {  	v5 =	vld.idx.msk [tilespmem:v5+s16+$0x0], $0xffff  }
0xaf: {  	v9 =	vtrunc.f32 v9  }
0xb0: {  	v10 =	vld [tilespmem:s8+$0x310];
	v9 =	vcvt.f32.s32 v9  }
0xb1: {  	v7 =	vmax.f32 v7, $0.0e+00;
	v4 =	vmul.f32 v4, v8  }
0xb2: {  	v7 =	vmin.f32 v7, $9.999999400e-01  }
0xb3: {  	v8 =	vmul.f32 $6.300000000e+01, v7;
	v4 =	vadd.f32 v4, v5;
	_ =	sdelay $0x1  }
0xb4: {  	v5 =	vld [tilespmem:s8+$0x280];
	v8 =	vtrunc.f32 v8;
	[tilespmem:s8+$0x8210] =	vst v4;
	v4 =	vmax.f32 v10, $0.0e+00  }
0xb5: {  	v8 =	vcvt.f32.s32 v8;
	v10 =	vld.idx.msk [tilespmem:v9+s17+$0x0], $0xffff;
	v4 =	vmin.f32 v4, $9.999999400e-01  }
0xb6: {  	v11 =	vmul.f32 $6.300000000e+01, v4  }
0xb7: {  	v9 =	vld.idx.msk [tilespmem:v9+s16+$0x0], $0xffff  }
0xb8: {  	v11 =	vtrunc.f32 v11  }
0xb9: {  	v12 =	vld [tilespmem:s8+$0x390];
	v11 =	vcvt.f32.s32 v11  }
0xba: {  	v5 =	vmax.f32 v5, $0.0e+00;
	v6 =	vmul.f32 v6, v10  }
0xbb: {  	v5 =	vmin.f32 v5, $9.999999400e-01;
	v10 =	vld.idx.msk [tilespmem:v8+s17+$0x0], $0xffff  }
0xbc: {  	v13 =	vmul.f32 $6.300000000e+01, v5;
	v6 =	vadd.f32 v6, v9  }
0xbd: {  	v8 =	vld.idx.msk [tilespmem:v8+s16+$0x0], $0xffff  }
0xbe: {  	v13 =	vtrunc.f32 v13;
	v9 =	vld [tilespmem:s8+$0x300];
	[tilespmem:s8+$0x8290] =	vst v6;
	v6 =	vmax.f32 v12, $0.0e+00  }
0xbf: {  	v12 =	vcvt.f32.s32 v13;
	v13 =	vld.idx.msk [tilespmem:v11+s17+$0x0], $0xffff;
	v6 =	vmin.f32 v6, $9.999999400e-01  }
0xc0: {  	v7 =	vmul.f32 v7, v10;
	v10 =	vmul.f32 $6.300000000e+01, v6  }
0xc1: {  	v11 =	vld.idx.msk [tilespmem:v11+s16+$0x0], $0xffff  }
0xc2: {  	v7 =	vadd.f32 v7, v8;
	v8 =	vtrunc.f32 v10  }
0xc3: {  	v10 =	vld [tilespmem:s8+$0x410];
	v8 =	vcvt.f32.s32 v8  }
0xc4: {  	v9 =	vmax.f32 v9, $0.0e+00;
	[tilespmem:s8+$0x8200] =	vst v7;
	v4 =	vmul.f32 v4, v13  }
0xc5: {  	s11 =	simm.s32 $0x20;
	s13 =	simm.s32 $0x100;
	v7 =	vmin.f32 v9, $9.999999400e-01;
	v9 =	vld.idx.msk [tilespmem:v12+s17+$0x0], $0xffff  }
0xc6: {  	s4 =	sand.u32 $0x3C00, s13;
	s0 =	sand.u32 $0x60, s11;
	v13 =	vld [tilespmem:s8+$0x380];
	v14 =	vmul.f32 $6.300000000e+01, v7;
	v4 =	vadd.f32 v4, v11  }
0xc7: {  	s0 =	sor.u32 s0, s4;
	v11 =	vld.idx.msk [tilespmem:v12+s16+$0x0], $0xffff  }
0xc8: {  	v12 =	vtrunc.f32 v14;
	v14 =	vld [tilespmem:s0+$0x210];
	[tilespmem:s8+$0x8310] =	vst v4;
	v4 =	vmax.f32 v10, $0.0e+00  }
0xc9: {  	v10 =	vcvt.f32.s32 v12;
	v12 =	vld.idx.msk [tilespmem:v8+s17+$0x0], $0xffff;
	v4 =	vmin.f32 v4, $9.999999400e-01  }
0xca: {  	v5 =	vmul.f32 v5, v9;
	v9 =	vmul.f32 $6.300000000e+01, v4  }
0xcb: {  	v8 =	vld.idx.msk [tilespmem:v8+s16+$0x0], $0xffff  }
0xcc: {  	v5 =	vadd.f32 v5, v11;
	v9 =	vtrunc.f32 v9  }
0xcd: {  	v11 =	vmax.f32 v14, $0.0e+00;
	v14 =	vld [tilespmem:s8+$0x490];
	v9 =	vcvt.f32.s32 v9  }
0xce: {  	v13 =	vmax.f32 v13, $0.0e+00;
	v11 =	vmin.f32 v11, $9.999999400e-01;
	[tilespmem:s8+$0x8280] =	vst v5;
	v5 =	vld [tilespmem:s0+$0x200];
	v6 =	vmul.f32 v6, v12  }
0xcf: {  	v15 =	vmul.f32 $6.300000000e+01, v11;
	v12 =	vmin.f32 v13, $9.999999400e-01;
	v13 =	vld.idx.msk [tilespmem:v10+s17+$0x0], $0xffff  }
0xd0: {  	v16 =	vmul.f32 $6.300000000e+01, v12;
	v6 =	vadd.f32 v6, v8  }
0xd1: {  	v8 =	vld.idx.msk [tilespmem:v10+s16+$0x0], $0xffff;
	v10 =	vtrunc.f32 v15  }
0xd2: {  	v15 =	vtrunc.f32 v16;
	v10 =	vcvt.f32.s32 v10;
	v16 =	vld [tilespmem:s0+$0x290];
	[tilespmem:s8+$0x8390] =	vst v6;
	v6 =	vmax.f32 v14, $0.0e+00  }
0xd3: {  	v14 =	vcvt.f32.s32 v15;
	v5 =	vmax.f32 v5, $0.0e+00;
	v15 =	vld.idx.msk [tilespmem:v9+s17+$0x0], $0xffff;
	v6 =	vmin.f32 v6, $9.999999400e-01  }
0xd4: {  	v17 =	vld [tilespmem:s8+$0x400];
	v7 =	vmul.f32 v7, v13;
	v5 =	vmin.f32 v5, $9.999999400e-01;
	v13 =	vmul.f32 $6.300000000e+01, v6  }
0xd5: {  	v9 =	vld.idx.msk [tilespmem:v9+s16+$0x0], $0xffff;
	v18 =	vmul.f32 $6.300000000e+01, v5  }
0xd6: {  	v19 =	vld [tilespmem:s8+$0x480];
	v7 =	vadd.f32 v7, v8;
	v8 =	vtrunc.f32 v13  }
0xd7: {  	v13 =	vld [tilespmem:s0+$0x280];
	v18 =	vtrunc.f32 v18;
	v16 =	vmax.f32 v16, $0.0e+00;
	v8 =	vcvt.f32.s32 v8  }
0xd8: {  	[tilespmem:s8+$0x8300] =	vst v7;
	v7 =	vcvt.f32.s32 v18;
	v18 =	vld.idx.msk [tilespmem:v10+s17+$0x0], $0xffff;
	v16 =	vmin.f32 v16, $9.999999400e-01;
	v4 =	vmul.f32 v4, v15  }
0xd9: {  	v15 =	vld.idx.msk [tilespmem:v14+s17+$0x0], $0xffff;
	v20 =	vmul.f32 $6.300000000e+01, v16  }
0xda: {  	v17 =	vmax.f32 v17, $0.0e+00;
	v10 =	vld.idx.msk [tilespmem:v10+s16+$0x0], $0xffff;
	v4 =	vadd.f32 v4, v9  }
0xdb: {  	v21 =	vld [tilespmem:s0+$0x310];
	v9 =	vmin.f32 v17, $9.999999400e-01;
	v17 =	vtrunc.f32 v20  }
0xdc: {  	v14 =	vld.idx.msk [tilespmem:v14+s16+$0x0], $0xffff;
	v20 =	vmul.f32 $6.300000000e+01, v9;
	v17 =	vcvt.f32.s32 v17;
	[tilespmem:s8+$0x8410] =	vst v4  }
0xdd: {  	v4 =	vmax.f32 v13, $0.0e+00;
	v11 =	vmul.f32 v11, v18;
	v13 =	vld.idx.msk [tilespmem:v8+s17+$0x0], $0xffff  }
0xde: {  	v18 =	vtrunc.f32 v20;
	v4 =	vmin.f32 v4, $9.999999400e-01;
	v20 =	vld.idx.msk [tilespmem:v7+s17+$0x0], $0xffff;
	v12 =	vmul.f32 v12, v15  }
0xdf: {  	v8 =	vld.idx.msk [tilespmem:v8+s16+$0x0], $0xffff;
	v18 =	vcvt.f32.s32 v18;
	v22 =	vmul.f32 $6.300000000e+01, v4;
	v10 =	vadd.f32 v11, v10  }
0xe0: {  	v7 =	vld.idx.msk [tilespmem:v7+s16+$0x0], $0xffff  }
0xe1: {  	v11 =	vld [tilespmem:s0+$0x300];
	v12 =	vadd.f32 v12, v14;
	v15 =	vtrunc.f32 v22;
	[tilespmem:s0+$0x8210] =	vst v10;
	v10 =	vmax.f32 v21, $0.0e+00  }
0xe2: {  	v14 =	vld.idx.msk [tilespmem:v17+s17+$0x0], $0xffff;
	v10 =	vmin.f32 v10, $9.999999400e-01;
	v6 =	vmul.f32 v6, v13;
	v13 =	vcvt.f32.s32 v15  }
0xe3: {  	s3 =	sand.u32 $0x3, s3;
	v23 =	vld [tilespmem:s0+$0x490];
	v15 =	vmul.f32 $6.300000000e+01, v10;
	v5 =	vmul.f32 v5, v20  }
0xe4: {  	s3 =	sshll.u32 s3, $0x5;
	v17 =	vld.idx.msk [tilespmem:v17+s16+$0x0], $0xffff;
	[tilespmem:s8+$0x8380] =	vst v12;
	v6 =	vadd.f32 v6, v8  }
0xe5: {  	s3 =	sadd.s32 $0x0, s3;
	v8 =	vld.idx.msk [tilespmem:v18+s17+$0x0], $0xffff;
	v12 =	vtrunc.f32 v15;
	v5 =	vadd.f32 v5, v7  }
0xe6: {  	s14 =	sadd.s32 $0x10, s3;
	v7 =	vcvt.f32.s32 v12;
	v12 =	vld [tilespmem:s0+$0x390];
	[tilespmem:s8+$0x8490] =	vst v6  }
0xe7: {  	s22 =	simm.s32 $0x40;
	s13 =	simm.s32 $0x200;
	s11 =	sor.u32 $0x300, s14;
	v11 =	vmax.f32 v11, $0.0e+00;
	v15 =	vmax.f32 v19, $0.0e+00;
	v14 =	vmul.f32 v16, v14;
	[tilespmem:s0+$0x8200] =	vst v5;
	v5 =	vld.idx.msk [tilespmem:v18+s16+$0x0], $0xffff  }
0xe8: {  	s13 =	sand.u32 $0x3C00, s13;
	s4 =	sand.u32 $0x60, s22;
	v11 =	vmin.f32 v11, $9.999999400e-01;
	v6 =	vmin.f32 v15, $9.999999400e-01;
	v15 =	vld [tilespmem:s11+$0x200]  }
0xe9: {  	s4 =	sor.u32 s4, s13;
	v18 =	vmul.f32 $6.300000000e+01, v11;
	v16 =	vmul.f32 $6.300000000e+01, v6;
	v19 =	vld.idx.msk [tilespmem:v13+s17+$0x0], $0xffff;
	v14 =	vadd.f32 v14, v17  }
0xea: {  	v24 =	vld [tilespmem:s4+$0x200]  }
0xeb: {  	v18 =	vtrunc.f32 v18;
	v13 =	vld.idx.msk [tilespmem:v13+s16+$0x0], $0xffff;
	v16 =	vtrunc.f32 v16;
	[tilespmem:s0+$0x8290] =	vst v14;
	v12 =	vmax.f32 v12, $0.0e+00  }
0xec: {  	v8 =	vmul.f32 v9, v8;
	v16 =	vcvt.f32.s32 v16;
	v9 =	vld.idx.msk [tilespmem:v7+s17+$0x0], $0xffff;
	v12 =	vmin.f32 v12, $9.999999400e-01  }
0xed: {  	v26 =	vld [tilespmem:s4+$0x300];
	v18 =	vcvt.f32.s32 v18;
	v20 =	vmul.f32 $6.300000000e+01, v12  }
0xee: {  	v5 =	vadd.f32 v8, v5;
	v7 =	vld.idx.msk [tilespmem:v7+s16+$0x0], $0xffff;
	v14 =	vmax.f32 v15, $0.0e+00;
	v4 =	vmul.f32 v4, v19  }
0xef: {  	v17 =	vld [tilespmem:s0+$0x380];
	v14 =	vmin.f32 v14, $9.999999400e-01;
	v20 =	vtrunc.f32 v20  }
0xf0: {  	[tilespmem:s8+$0x8400] =	vst v5;
	v8 =	vmul.f32 $6.300000000e+01, v14;
	v4 =	vadd.f32 v4, v13;
	v5 =	vcvt.f32.s32 v20;
	v13 =	vld [tilespmem:s0+$0x410]  }
0xf1: {  	v15 =	vld [tilespmem:s0+$0x400];
	v9 =	vmul.f32 v10, v9  }
0xf2: {  	v8 =	vtrunc.f32 v8;
	v20 =	vld.idx.msk [tilespmem:v16+s17+$0x0], $0xffff  }
0xf3: {  	v10 =	vld.idx.msk [tilespmem:v16+s16+$0x0], $0xffff;
	v8 =	vcvt.f32.s32 v8;
	[tilespmem:s0+$0x8280] =	vst v4;
	v7 =	vadd.f32 v9, v7  }
0xf4: {  	v4 =	vld.idx.msk [tilespmem:v18+s17+$0x0], $0xffff  }
0xf5: {  	v9 =	vld [tilespmem:s4+$0x210];
	[tilespmem:s0+$0x8310] =	vst v7;
	v7 =	vmax.f32 v13, $0.0e+00  }
0xf6: {  	v13 =	vld.idx.msk [tilespmem:v5+s17+$0x0], $0xffff;
	v7 =	vmin.f32 v7, $9.999999400e-01  }
0xf7: {  	v16 =	vld.idx.msk [tilespmem:v18+s16+$0x0], $0xffff;
	v21 =	vmul.f32 $6.300000000e+01, v7  }
0xf8: {  	v17 =	vmax.f32 v17, $0.0e+00;
	v5 =	vld.idx.msk [tilespmem:v5+s16+$0x0], $0xffff  }
0xf9: {  	s1 =	simm.s32 $0x60;
	s22 =	simm.s32 $0x300;
	v17 =	vmin.f32 v17, $9.999999400e-01;
	v18 =	vld.idx.msk [tilespmem:v8+s17+$0x0], $0xffff;
	v21 =	vtrunc.f32 v21  }
0xfa: {  	s13 =	sand.u32 $0x60, s1;
	s22 =	sand.u32 $0x3C00, s22;
	v31 =	vld [tilespmem:s4+$0x490];
	v22 =	vmul.f32 $6.300000000e+01, v17;
	v9 =	vmax.f32 v9, $0.0e+00;
	v21 =	vcvt.f32.s32 v21  }
0xfb: {  	s26 =	sor.u32 s13, s22;
	v8 =	vld.idx.msk [tilespmem:v8+s16+$0x0], $0xffff;
	v25 =	vmin.f32 v9, $9.999999400e-01;
	v9 =	vmul.f32 v12, v13  }
0xfc: {  	v29 =	vld [tilespmem:s26+$0x200];
	v12 =	vtrunc.f32 v22;
	v22 =	vmul.f32 $6.300000000e+01, v25  }
0xfd: {  	v32 =	vld [tilespmem:s26+$0x280];
	v4 =	vmul.f32 v11, v4;
	v12 =	vcvt.f32.s32 v12;
	v5 =	vadd.f32 v9, v5  }
0xfe: {  	v19 =	vld [tilespmem:s0+$0x480];
	v15 =	vmax.f32 v15, $0.0e+00;
	v14 =	vmul.f32 v14, v18;
	v18 =	vtrunc.f32 v22  }
0xff: {  	v4 =	vadd.f32 v4, v16;
	v11 =	vcvt.f32.s32 v18;
	v18 =	vld [tilespmem:s4+$0x290];
	[tilespmem:s0+$0x8390] =	vst v5;
	v5 =	vmax.f32 v23, $0.0e+00  }
0x100: {  	v22 =	vmax.f32 v24, $0.0e+00;
	v14 =	vadd.f32 v14, v8;
	v23 =	vld.idx.msk [tilespmem:v21+s17+$0x0], $0xffff;
	v5 =	vmin.f32 v5, $9.999999400e-01  }
0x101: {  	v6 =	vmul.f32 v6, v20;
	v13 =	vld [tilespmem:s4+$0x280];
	[tilespmem:s0+$0x8300] =	vst v4;
	v16 =	vmin.f32 v22, $9.999999400e-01;
	v22 =	vmul.f32 $6.300000000e+01, v5  }
0x102: {  	v15 =	vmin.f32 v15, $9.999999400e-01;
	v24 =	vmul.f32 $6.300000000e+01, v16;
	[tilespmem:s11+$0x8200] =	vst v14;
	v14 =	vld.idx.msk [tilespmem:v21+s16+$0x0], $0xffff  }
0x103: {  	s30 =	sor.u32 $0x380, s14;
	v6 =	vadd.f32 v6, v10;
	v21 =	vmul.f32 $6.300000000e+01, v15;
	v27 =	vld.idx.msk [tilespmem:v12+s17+$0x0], $0xffff;
	v22 =	vtrunc.f32 v22  }
0x104: {  	v24 =	vtrunc.f32 v24;
	v4 =	vld [tilespmem:s30+$0x200];
	v18 =	vmax.f32 v18, $0.0e+00;
	v22 =	vcvt.f32.s32 v22  }
0x105: {  	v24 =	vcvt.f32.s32 v24;
	v28 =	vld.idx.msk [tilespmem:v11+s17+$0x0], $0xffff;
	v18 =	vmin.f32 v18, $9.999999400e-01;
	v7 =	vmul.f32 v7, v23  }
0x106: {  	v12 =	vld.idx.msk [tilespmem:v12+s16+$0x0], $0xffff;
	v21 =	vtrunc.f32 v21;
	v23 =	vmul.f32 $6.300000000e+01, v18  }
0x107: {  	s14 =	sor.u32 $0x300, s3;
	[tilespmem:s8+$0x8480] =	vst v6;
	v20 =	vld.idx.msk [tilespmem:v11+s16+$0x0], $0xffff;
	v11 =	vadd.f32 v7, v14;
	v14 =	vmax.f32 v19, $0.0e+00;
	v19 =	vcvt.f32.s32 v21  }
0x108: {  	v21 =	vtrunc.f32 v23;
	v17 =	vmul.f32 v17, v27;
	v27 =	vld [tilespmem:s14+$0x200]  }
0x109: {  	v10 =	vmax.f32 v13, $0.0e+00;
	v13 =	vcvt.f32.s32 v21;
	v21 =	vld [tilespmem:s4+$0x310];
	[tilespmem:s0+$0x8410] =	vst v11  }
0x10a: {  	v4 =	vmax.f32 v4, $0.0e+00;
	v23 =	vmul.f32 v25, v28;
	v25 =	vld.idx.msk [tilespmem:v22+s17+$0x0], $0xffff  }
0x10b: {  	v10 =	vmin.f32 v10, $9.999999400e-01;
	v4 =	vmin.f32 v4, $9.999999400e-01;
	v28 =	vld.idx.msk [tilespmem:v24+s17+$0x0], $0xffff  }
0x10c: {  	v11 =	vmin.f32 v14, $9.999999400e-01;
	v14 =	vmul.f32 $6.300000000e+01, v10;
	v22 =	vld.idx.msk [tilespmem:v22+s16+$0x0], $0xffff;
	v20 =	vadd.f32 v23, v20  }
0x10d: {  	v6 =	vmul.f32 $6.300000000e+01, v4;
	v24 =	vld.idx.msk [tilespmem:v24+s16+$0x0], $0xffff;
	v12 =	vadd.f32 v17, v12  }
0x10e: {  	s23 =	simm.s32 $0x1;
	v9 =	vld [tilespmem:s4+$0x380];
	v23 =	vmul.f32 $6.300000000e+01, v11;
	v14 =	vtrunc.f32 v14;
	[tilespmem:s4+$0x8210] =	vst v20;
	v17 =	vmax.f32 v21, $0.0e+00  }
0x10f: {  	s6 =	sand.u32 $0x3, s23;
	[tilespmem:s0+$0x8380] =	vst v12;
	v14 =	vcvt.f32.s32 v14;
	v20 =	vld.idx.msk [tilespmem:v13+s17+$0x0], $0xffff;
	v17 =	vmin.f32 v17, $9.999999400e-01;
	v5 =	vmul.f32 v5, v25  }
0x110: {  	s6 =	sshll.u32 s6, $0x5;
	v21 =	vld.idx.msk [tilespmem:v19+s17+$0x0], $0xffff;
	v16 =	vmul.f32 v16, v28;
	v12 =	vmul.f32 $6.300000000e+01, v17  }
0x111: {  	s8 =	sadd.s32 $0x100, s6;
	v13 =	vld.idx.msk [tilespmem:v13+s16+$0x0], $0xffff;
	v5 =	vadd.f32 v5, v22;
	v22 =	vtrunc.f32 v23;
	v23 =	vmax.f32 v27, $0.0e+00  }
0x112: {  	s6 =	sadd.s32 $0x10, s8;
	v19 =	vld.idx.msk [tilespmem:v19+s16+$0x0], $0xffff;
	v16 =	vadd.f32 v16, v24;
	v25 =	vtrunc.f32 v12;
	v12 =	vmin.f32 v23, $9.999999400e-01  }
0x113: {  	s25 =	sor.u32 $0x300, s6;
	v24 =	vld [tilespmem:s4+$0x390];
	v23 =	vcvt.f32.s32 v25;
	[tilespmem:s0+$0x8490] =	vst v5;
	v25 =	vmul.f32 $6.300000000e+01, v12  }
0x114: {  	v6 =	vtrunc.f32 v6;
	[tilespmem:s4+$0x8200] =	vst v16;
	v5 =	vmax.f32 v26, $0.0e+00;
	v18 =	vmul.f32 v18, v20;
	v20 =	vld [tilespmem:s25+$0x200]  }
0x115: {  	v6 =	vcvt.f32.s32 v6;
	v26 =	vmin.f32 v5, $9.999999400e-01;
	v16 =	vtrunc.f32 v25;
	v25 =	vld.idx.msk [tilespmem:v14+s17+$0x0], $0xffff  }
0x116: {  	v8 =	vld [tilespmem:s4+$0x400];
	v22 =	vcvt.f32.s32 v22;
	v13 =	vadd.f32 v18, v13;
	v18 =	vmul.f32 $6.300000000e+01, v26  }
0x117: {  	v15 =	vmul.f32 v15, v21;
	v14 =	vld.idx.msk [tilespmem:v14+s16+$0x0], $0xffff  }
0x118: {  	v7 =	vld [tilespmem:s4+$0x480];
	[tilespmem:s4+$0x8290] =	vst v13;
	v13 =	vmax.f32 v24, $0.0e+00;
	v18 =	vtrunc.f32 v18  }
0x119: {  	v15 =	vadd.f32 v15, v19;
	v19 =	vld.idx.msk [tilespmem:v23+s17+$0x0], $0xffff;
	v13 =	vmin.f32 v13, $9.999999400e-01;
	v18 =	vcvt.f32.s32 v18  }
0x11a: {  	v21 =	vld.idx.msk [tilespmem:v23+s16+$0x0], $0xffff;
	v20 =	vmax.f32 v20, $0.0e+00;
	v23 =	vmul.f32 $6.300000000e+01, v13;
	v10 =	vmul.f32 v10, v25  }
0x11b: {  	v5 =	vld.idx.msk [tilespmem:v6+s17+$0x0], $0xffff;
	[tilespmem:s0+$0x8400] =	vst v15;
	v15 =	vmin.f32 v20, $9.999999400e-01  }
0x11c: {  	v20 =	vld.idx.msk [tilespmem:v22+s17+$0x0], $0xffff;
	v24 =	vmul.f32 $6.300000000e+01, v15;
	v23 =	vtrunc.f32 v23;
	v10 =	vadd.f32 v10, v14  }
0x11d: {  	v16 =	vcvt.f32.s32 v16;
	v22 =	vld.idx.msk [tilespmem:v22+s16+$0x0], $0xffff;
	v14 =	vcvt.f32.s32 v23  }
0x11e: {  	v23 =	vtrunc.f32 v24;
	v17 =	vmul.f32 v17, v19;
	v19 =	vld [tilespmem:s4+$0x410];
	[tilespmem:s4+$0x8280] =	vst v10  }
0x11f: {  	v23 =	vcvt.f32.s32 v23;
	v25 =	vld.idx.msk [tilespmem:v18+s17+$0x0], $0xffff  }
0x120: {  	v10 =	vadd.f32 v17, v21;
	v17 =	vld.idx.msk [tilespmem:v18+s16+$0x0], $0xffff  }
0x121: {  	v18 =	vld [tilespmem:s26+$0x210]  }
0x122: {  	v6 =	vld.idx.msk [tilespmem:v6+s16+$0x0], $0xffff  }
0x123: {  	v24 =	vld.idx.msk [tilespmem:v16+s17+$0x0], $0xffff;
	[tilespmem:s4+$0x8310] =	vst v10;
	v19 =	vmax.f32 v19, $0.0e+00  }
0x124: {  	v11 =	vmul.f32 v11, v20;
	v10 =	vld.idx.msk [tilespmem:v14+s17+$0x0], $0xffff;
	v19 =	vmin.f32 v19, $9.999999400e-01  }
0x125: {  	v9 =	vmax.f32 v9, $0.0e+00;
	v21 =	vld.idx.msk [tilespmem:v23+s17+$0x0], $0xffff;
	v27 =	vmul.f32 $6.300000000e+01, v19  }
0x126: {  	v28 =	vmin.f32 v9, $9.999999400e-01;
	v11 =	vadd.f32 v11, v22;
	v14 =	vld.idx.msk [tilespmem:v14+s16+$0x0], $0xffff;
	v9 =	vmax.f32 v18, $0.0e+00  }
0x127: {  	v23 =	vld.idx.msk [tilespmem:v23+s16+$0x0], $0xffff;
	v30 =	vmin.f32 v9, $9.999999400e-01;
	v18 =	vtrunc.f32 v27;
	v27 =	vmul.f32 $6.300000000e+01, v28  }
0x128: {  	v16 =	vld.idx.msk [tilespmem:v16+s16+$0x0], $0xffff;
	v9 =	vmul.f32 $6.300000000e+01, v30;
	v18 =	vcvt.f32.s32 v18  }
0x129: {  	[tilespmem:s0+$0x8480] =	vst v11;
	v11 =	vld [tilespmem:s26+$0x480];
	v13 =	vmul.f32 v13, v10;
	v10 =	vtrunc.f32 v27  }
0x12a: {  	v27 =	vld [tilespmem:s26+$0x300];
	v33 =	vtrunc.f32 v9;
	v15 =	vmul.f32 v15, v21  }
0x12b: {  	v9 =	vld [tilespmem:s26+$0x400];
	v21 =	vcvt.f32.s32 v10;
	v13 =	vadd.f32 v13, v14;
	v14 =	vmul.f32 v26, v25  }
0x12c: {  	v25 =	vcvt.f32.s32 v33;
	v15 =	vadd.f32 v15, v23;
	v23 =	vld [tilespmem:s26+$0x290]  }
0x12d: {  	v10 =	vld [tilespmem:s26+$0x380];
	[tilespmem:s4+$0x8390] =	vst v13;
	v13 =	vmax.f32 v31, $0.0e+00;
	v14 =	vadd.f32 v14, v17;
	v17 =	vmax.f32 v29, $0.0e+00  }
0x12e: {  	s23 =	simm.s32 $0x2;
	v8 =	vmax.f32 v8, $0.0e+00;
	v13 =	vmin.f32 v13, $9.999999400e-01;
	v26 =	vld.idx.msk [tilespmem:v18+s17+$0x0], $0xffff;
	[tilespmem:s25+$0x8200] =	vst v15;
	v15 =	vmin.f32 v17, $9.999999400e-01  }
0x12f: {  	s13 =	sor.u32 $0x380, s6;
	s0 =	sand.u32 $0x3, s23;
	v29 =	vmin.f32 v8, $9.999999400e-01;
	v20 =	vmul.f32 $6.300000000e+01, v13;
	[tilespmem:s4+$0x8300] =	vst v14;
	v14 =	vld.idx.msk [tilespmem:v18+s16+$0x0], $0xffff;
	v8 =	vmul.f32 $6.300000000e+01, v15  }
0x130: {  	s0 =	sshll.u32 s0, $0x5;
	v18 =	vmul.f32 $6.300000000e+01, v29;
	v17 =	vld [tilespmem:s13+$0x200]  }
0x131: {  	s22 =	sadd.s32 $0x200, s0;
	v22 =	vld.idx.msk [tilespmem:v21+s17+$0x0], $0xffff;
	v20 =	vtrunc.f32 v20;
	v8 =	vtrunc.f32 v8;
	v23 =	vmax.f32 v23, $0.0e+00  }
0x132: {  	s0 =	simm.s32 $0x80;
	s25 =	sor.u32 $0x380, s3;
	s3 =	simm.s32 $0x400;
	v31 =	vld.idx.msk [tilespmem:v25+s17+$0x0], $0xffff;
	v20 =	vcvt.f32.s32 v20;
	v47 =	vcvt.f32.s32 v8;
	v23 =	vmin.f32 v23, $9.999999400e-01  }
0x133: {  	s23 =	sand.u32 $0x60, s0;
	s28 =	sand.u32 $0x3C00, s3;
	v8 =	vmul.f32 v19, v26;
	v19 =	vld.idx.msk [tilespmem:v25+s16+$0x0], $0xffff;
	v25 =	vmul.f32 $6.300000000e+01, v23  }
0x134: {  	v7 =	vmax.f32 v7, $0.0e+00;
	v21 =	vld.idx.msk [tilespmem:v21+s16+$0x0], $0xffff;
	v18 =	vtrunc.f32 v18;
	s28 =	sor.u32 s23, s28  }
0x135: {  	v35 =	vld [tilespmem:s28+$0x200];
	v8 =	vadd.f32 v8, v14;
	v14 =	vcvt.f32.s32 v18;
	v18 =	vtrunc.f32 v25  }
0x136: {  	s6 =	sor.u32 $0x300, s8;
	v12 =	vmul.f32 v12, v24;
	v24 =	vmax.f32 v32, $0.0e+00;
	v26 =	vld [tilespmem:s26+$0x310];
	v18 =	vcvt.f32.s32 v18  }
0x137: {  	v24 =	vmin.f32 v24, $9.999999400e-01;
	v25 =	vld [tilespmem:s6+$0x200];
	[tilespmem:s4+$0x8410] =	vst v8;
	v8 =	vmax.f32 v17, $0.0e+00;
	v17 =	vmul.f32 v30, v31  }
0x138: {  	v12 =	vadd.f32 v12, v16;
	v16 =	vmul.f32 $6.300000000e+01, v24;
	v30 =	vld.idx.msk [tilespmem:v20+s17+$0x0], $0xffff;
	v8 =	vmin.f32 v8, $9.999999400e-01  }
0x139: {  	v31 =	vld.idx.msk [tilespmem:v47+s17+$0x0], $0xffff;
	v48 =	vmul.f32 $6.300000000e+01, v8;
	v17 =	vadd.f32 v17, v19;
	v19 =	vmul.f32 v28, v22  }
0x13a: {  	v7 =	vmin.f32 v7, $9.999999400e-01;
	[tilespmem:s14+$0x8200] =	vst v12;
	v12 =	vtrunc.f32 v16;
	v20 =	vld.idx.msk [tilespmem:v20+s16+$0x0], $0xffff  }
0x13b: {  	v16 =	vld.idx.msk [tilespmem:v47+s16+$0x0], $0xffff;
	v28 =	vtrunc.f32 v48;
	[tilespmem:s26+$0x8210] =	vst v17;
	v17 =	vadd.f32 v19, v21;
	v21 =	vmax.f32 v26, $0.0e+00  }
0x13c: {  	v22 =	vmul.f32 $6.300000000e+01, v7;
	v26 =	vcvt.f32.s32 v28;
	v28 =	vld.idx.msk [tilespmem:v18+s17+$0x0], $0xffff;
	v21 =	vmin.f32 v21, $9.999999400e-01  }
0x13d: {  	v51 =	vld [tilespmem:s28+$0x400];
	v13 =	vmul.f32 v13, v30;
	[tilespmem:s4+$0x8380] =	vst v17;
	v17 =	vmul.f32 $6.300000000e+01, v21  }
0x13e: {  	v12 =	vcvt.f32.s32 v12;
	v18 =	vld.idx.msk [tilespmem:v18+s16+$0x0], $0xffff;
	v15 =	vmul.f32 v15, v31  }
0x13f: {  	v30 =	vld.idx.msk [tilespmem:v14+s17+$0x0], $0xffff;
	v13 =	vadd.f32 v13, v20;
	v20 =	vtrunc.f32 v22;
	v17 =	vtrunc.f32 v17  }
0x140: {  	s11 =	sadd.s32 $0x10, s22;
	v14 =	vld.idx.msk [tilespmem:v14+s16+$0x0], $0xffff;
	v22 =	vmax.f32 v25, $0.0e+00;
	v15 =	vadd.f32 v15, v16;
	v16 =	vcvt.f32.s32 v17  }
0x141: {  	s1 =	sor.u32 $0x300, s11;
	v25 =	vmin.f32 v22, $9.999999400e-01;
	v22 =	vld [tilespmem:s26+$0x390];
	[tilespmem:s4+$0x8490] =	vst v13;
	v23 =	vmul.f32 v23, v28  }
0x142: {  	v13 =	vmax.f32 v27, $0.0e+00;
	v27 =	vld [tilespmem:s1+$0x200]  }
0x143: {  	v17 =	vmul.f32 $6.300000000e+01, v25;
	[tilespmem:s26+$0x8200] =	vst v15;
	v28 =	vld.idx.msk [tilespmem:v26+s17+$0x0], $0xffff;
	v18 =	vadd.f32 v23, v18  }
0x144: {  	v13 =	vmin.f32 v13, $9.999999400e-01;
	v31 =	vld.idx.msk [tilespmem:v12+s17+$0x0], $0xffff;
	v23 =	vmul.f32 v29, v30  }
0x145: {  	v12 =	vld.idx.msk [tilespmem:v12+s16+$0x0], $0xffff;
	v15 =	vtrunc.f32 v17;
	v29 =	vmul.f32 $6.300000000e+01, v13;
	[tilespmem:s26+$0x8290] =	vst v18  }
0x146: {  	v15 =	vcvt.f32.s32 v15;
	v18 =	vmax.f32 v22, $0.0e+00;
	v14 =	vadd.f32 v23, v14;
	v23 =	vld.idx.msk [tilespmem:v16+s17+$0x0], $0xffff  }
0x147: {  	v17 =	vld.idx.msk [tilespmem:v26+s16+$0x0], $0xffff;
	v22 =	vtrunc.f32 v29;
	v18 =	vmin.f32 v18, $9.999999400e-01  }
0x148: {  	v22 =	vcvt.f32.s32 v22;
	v16 =	vld.idx.msk [tilespmem:v16+s16+$0x0], $0xffff;
	v26 =	vmax.f32 v27, $0.0e+00;
	v27 =	vmul.f32 $6.300000000e+01, v18  }
0x149: {  	v19 =	vld [tilespmem:s25+$0x200];
	[tilespmem:s4+$0x8400] =	vst v14;
	v24 =	vmul.f32 v24, v31;
	v14 =	vmin.f32 v26, $9.999999400e-01  }
0x14a: {  	v31 =	vld [tilespmem:s28+$0x210];
	v29 =	vmul.f32 $6.300000000e+01, v14;
	v27 =	vtrunc.f32 v27  }
0x14b: {  	v12 =	vadd.f32 v24, v12;
	v24 =	vcvt.f32.s32 v27;
	v21 =	vmul.f32 v21, v23;
	v23 =	vld [tilespmem:s26+$0x410]  }
0x14c: {  	v9 =	vmax.f32 v9, $0.0e+00;
	v10 =	vmax.f32 v10, $0.0e+00;
	v27 =	vtrunc.f32 v29;
	v29 =	vld.idx.msk [tilespmem:v15+s17+$0x0], $0xffff  }
0x14d: {  	v9 =	vmin.f32 v9, $9.999999400e-01;
	[tilespmem:s26+$0x8280] =	vst v12;
	v12 =	vld.idx.msk [tilespmem:v15+s16+$0x0], $0xffff;
	v27 =	vcvt.f32.s32 v27;
	v16 =	vadd.f32 v21, v16  }
0x14e: {  	v15 =	vld.idx.msk [tilespmem:v22+s17+$0x0], $0xffff;
	v21 =	vmin.f32 v10, $9.999999400e-01;
	v10 =	vmul.f32 v4, v5;
	v4 =	vmul.f32 $6.300000000e+01, v9  }
0x14f: {  	v11 =	vmax.f32 v11, $0.0e+00;
	v30 =	vld.idx.msk [tilespmem:v22+s16+$0x0], $0xffff;
	v22 =	vmul.f32 $6.300000000e+01, v21  }
0x150: {  	v53 =	vld [tilespmem:s28+$0x480];
	v20 =	vcvt.f32.s32 v20;
	[tilespmem:s26+$0x8310] =	vst v16;
	v4 =	vtrunc.f32 v4;
	v5 =	vmax.f32 v23, $0.0e+00  }
0x151: {  	v16 =	vld.idx.msk [tilespmem:v24+s17+$0x0], $0xffff;
	v22 =	vtrunc.f32 v22;
	v34 =	vcvt.f32.s32 v4;
	v4 =	vmax.f32 v31, $0.0e+00  }
0x152: {  	v49 =	vmin.f32 v5, $9.999999400e-01;
	v50 =	vcvt.f32.s32 v22;
	v5 =	vmin.f32 v11, $9.999999400e-01;
	v11 =	vld.idx.msk [tilespmem:v24+s16+$0x0], $0xffff  }
0x153: {  	v36 =	vmin.f32 v4, $9.999999400e-01;
	v23 =	vld.idx.msk [tilespmem:v27+s17+$0x0], $0xffff;
	v22 =	vmul.f32 $6.300000000e+01, v49;
	v24 =	vmul.f32 $6.300000000e+01, v5  }
0x154: {  	v59 =	vld [tilespmem:s28+$0x390];
	v4 =	vmax.f32 v19, $0.0e+00;
	v13 =	vmul.f32 v13, v15;
	v19 =	vmul.f32 $6.300000000e+01, v36  }
0x155: {  	v27 =	vld.idx.msk [tilespmem:v27+s16+$0x0], $0xffff;
	v22 =	vtrunc.f32 v22;
	v24 =	vtrunc.f32 v24  }
0x156: {  	v37 =	vcvt.f32.s32 v22;
	v16 =	vmul.f32 v18, v16;
	v18 =	vld [tilespmem:s26+$0x490]  }
0x157: {  	v26 =	vld.idx.msk [tilespmem:v20+s17+$0x0], $0xffff;
	v19 =	vtrunc.f32 v19;
	v22 =	vcvt.f32.s32 v24  }
0x158: {  	v20 =	vld.idx.msk [tilespmem:v20+s16+$0x0], $0xffff;
	v4 =	vmin.f32 v4, $9.999999400e-01;
	v19 =	vcvt.f32.s32 v19;
	v14 =	vmul.f32 v14, v23  }
0x159: {  	v31 =	vld [tilespmem:s28+$0x280];
	v11 =	vadd.f32 v16, v11;
	v16 =	vmax.f32 v35, $0.0e+00;
	v23 =	vmul.f32 v8, v28  }
0x15a: {  	v8 =	vmin.f32 v16, $9.999999400e-01;
	v16 =	vld [tilespmem:s28+$0x290];
	v14 =	vadd.f32 v14, v27;
	v27 =	vmul.f32 $6.300000000e+01, v4  }
0x15b: {  	v24 =	vld [tilespmem:s28+$0x300];
	[tilespmem:s26+$0x8390] =	vst v11;
	v11 =	vadd.f32 v13, v30;
	v13 =	vmul.f32 $6.300000000e+01, v8;
	v18 =	vmax.f32 v18, $0.0e+00  }
0x15c: {  	v7 =	vmul.f32 v7, v26;
	v28 =	vld.idx.msk [tilespmem:v37+s17+$0x0], $0xffff;
	[tilespmem:s1+$0x8200] =	vst v14;
	v14 =	vtrunc.f32 v27;
	v18 =	vmin.f32 v18, $9.999999400e-01  }
0x15d: {  	[tilespmem:s26+$0x8300] =	vst v11;
	v11 =	vtrunc.f32 v13;
	v13 =	vld.idx.msk [tilespmem:v37+s16+$0x0], $0xffff;
	v27 =	vmul.f32 $6.300000000e+01, v18  }
0x15e: {  	s11 =	sor.u32 $0x380, s11;
	v7 =	vadd.f32 v7, v20;
	v20 =	vmul.f32 v25, v29;
	v30 =	vld.idx.msk [tilespmem:v19+s17+$0x0], $0xffff;
	v25 =	vcvt.f32.s32 v11  }
0x15f: {  	v26 =	vld [tilespmem:s11+$0x200];
	v16 =	vmax.f32 v16, $0.0e+00;
	v27 =	vtrunc.f32 v27  }
0x160: {  	v29 =	vld.idx.msk [tilespmem:v50+s17+$0x0], $0xffff;
	v11 =	vmax.f32 v31, $0.0e+00;
	v52 =	vmin.f32 v16, $9.999999400e-01;
	v27 =	vcvt.f32.s32 v27  }
0x161: {  	v19 =	vld.idx.msk [tilespmem:v19+s16+$0x0], $0xffff;
	v31 =	vmin.f32 v11, $9.999999400e-01;
	v11 =	vmul.f32 $6.300000000e+01, v52;
	v28 =	vmul.f32 v49, v28  }
0x162: {  	v15 =	vld [tilespmem:s28+$0x380];
	[tilespmem:s4+$0x8480] =	vst v7;
	v12 =	vadd.f32 v20, v12;
	v24 =	vmax.f32 v24, $0.0e+00;
	v7 =	vmul.f32 $6.300000000e+01, v31  }
0x163: {  	v16 =	vld.idx.msk [tilespmem:v50+s16+$0x0], $0xffff;
	v30 =	vmul.f32 v36, v30;
	v54 =	vtrunc.f32 v11;
	v13 =	vadd.f32 v28, v13  }
0x164: {  	v26 =	vmax.f32 v26, $0.0e+00;
	v11 =	vmin.f32 v24, $9.999999400e-01;
	v24 =	vld.idx.msk [tilespmem:v25+s17+$0x0], $0xffff;
	v33 =	vcvt.f32.s32 v54  }
0x165: {  	v7 =	vtrunc.f32 v7;
	v20 =	vmul.f32 v21, v29;
	v26 =	vmin.f32 v26, $9.999999400e-01;
	[tilespmem:s26+$0x8410] =	vst v13;
	v13 =	vld [tilespmem:s28+$0x310]  }
0x166: {  	v19 =	vadd.f32 v30, v19;
	v30 =	vcvt.f32.s32 v14;
	v14 =	vld.idx.msk [tilespmem:v25+s16+$0x0], $0xffff;
	v38 =	vmul.f32 $6.300000000e+01, v26  }
0x167: {  	s31 =	sor.u32 $0x300, s22;
	[tilespmem:s6+$0x8200] =	vst v12;
	v12 =	vmax.f32 v15, $0.0e+00;
	v55 =	vmul.f32 $6.300000000e+01, v11;
	v25 =	vcvt.f32.s32 v7;
	v21 =	vld.idx.msk [tilespmem:v27+s17+$0x0], $0xffff  }
0x168: {  	v28 =	vld [tilespmem:s31+$0x200];
	v7 =	vmin.f32 v12, $9.999999400e-01;
	v12 =	vmax.f32 v51, $0.0e+00;
	v38 =	vtrunc.f32 v38  }
0x169: {  	v16 =	vadd.f32 v20, v16;
	v15 =	vtrunc.f32 v55;
	[tilespmem:s28+$0x8210] =	vst v19;
	v27 =	vld.idx.msk [tilespmem:v27+s16+$0x0], $0xffff;
	v29 =	vcvt.f32.s32 v38  }
0x16a: {  	s29 =	sor.u32 $0x380, s8;
	v15 =	vcvt.f32.s32 v15;
	v20 =	vmul.f32 v8, v24;
	v24 =	vld.idx.msk [tilespmem:v33+s17+$0x0], $0xffff;
	v8 =	vmax.f32 v13, $0.0e+00  }
0x16b: {  	s8 =	simm.s32 $0x3;
	v19 =	vld [tilespmem:s29+$0x200];
	[tilespmem:s26+$0x8380] =	vst v16;
	v16 =	vmax.f32 v53, $0.0e+00;
	v13 =	vmul.f32 $6.300000000e+01, v7;
	v56 =	vmin.f32 v8, $9.999999400e-01  }
0x16c: {  	s23 =	sand.u32 $0x3, s8;
	v58 =	vld.idx.msk [tilespmem:v34+s16+$0x0], $0xffff;
	v18 =	vmul.f32 v18, v21;
	v8 =	vmin.f32 v12, $9.999999400e-01;
	v12 =	vmul.f32 $6.300000000e+01, v56  }
0x16d: {  	s4 =	sshll.u32 s23, $0x5;
	v14 =	vadd.f32 v20, v14;
	v21 =	vld.idx.msk [tilespmem:v34+s17+$0x0], $0xffff;
	v20 =	vmul.f32 $6.300000000e+01, v8;
	v13 =	vtrunc.f32 v13  }
0x16e: {  	s1 =	sadd.s32 $0x300, s4;
	v33 =	vld.idx.msk [tilespmem:v33+s16+$0x0], $0xffff;
	v18 =	vadd.f32 v18, v27;
	v27 =	vmax.f32 v28, $0.0e+00;
	v28 =	vtrunc.f32 v12  }
0x16f: {  	s6 =	sadd.s32 $0x10, s1;
	v16 =	vmin.f32 v16, $9.999999400e-01;
	v57 =	vld.idx.msk [tilespmem:v29+s17+$0x0], $0xffff;
	v12 =	vcvt.f32.s32 v13;
	v24 =	vmul.f32 v52, v24  }
0x170: {  	s14 =	sor.u32 $0x300, s6;
	v29 =	vld.idx.msk [tilespmem:v29+s16+$0x0], $0xffff;
	v13 =	vmin.f32 v27, $9.999999400e-01;
	v27 =	vmul.f32 $6.300000000e+01, v16;
	v28 =	vcvt.f32.s32 v28;
	[tilespmem:s26+$0x8490] =	vst v18  }
0x171: {  	v60 =	vadd.f32 v10, v6;
	[tilespmem:s28+$0x8200] =	vst v14;
	v6 =	vtrunc.f32 v20;
	v18 =	vmul.f32 $6.300000000e+01, v13;
	v20 =	vld [tilespmem:s14+$0x200]  }
0x172: {  	v14 =	vmax.f32 v19, $0.0e+00;
	v61 =	vld.idx.msk [tilespmem:v25+s17+$0x0], $0xffff;
	v10 =	vcvt.f32.s32 v6;
	v19 =	vmul.f32 v9, v21  }
0x173: {  	v62 =	vld.idx.msk [tilespmem:v25+s16+$0x0], $0xffff;
	v6 =	vtrunc.f32 v27;
	v24 =	vadd.f32 v24, v33;
	v18 =	vtrunc.f32 v18  }
0x174: {  	v21 =	vcvt.f32.s32 v18;
	v18 =	vld.idx.msk [tilespmem:v30+s17+$0x0], $0xffff;
	v25 =	vadd.f32 v19, v58;
	v19 =	vmax.f32 v59, $0.0e+00  }
0x175: {  	v14 =	vmin.f32 v14, $9.999999400e-01;
	v9 =	vcvt.f32.s32 v6;
	[tilespmem:s28+$0x8290] =	vst v24;
	v24 =	vmin.f32 v19, $9.999999400e-01;
	v19 =	vld.idx.msk [tilespmem:v30+s16+$0x0], $0xffff  }
0x176: {  	v6 =	vmul.f32 $6.300000000e+01, v14;
	v26 =	vmul.f32 v26, v57;
	v63 =	vld.idx.msk [tilespmem:v28+s17+$0x0], $0xffff;
	v20 =	vmax.f32 v20, $0.0e+00  }
0x177: {  	v31 =	vmul.f32 v31, v61;
	[tilespmem:s26+$0x8400] =	vst v25;
	v27 =	vld.idx.msk [tilespmem:v28+s16+$0x0], $0xffff;
	v28 =	vmul.f32 $6.300000000e+01, v24;
	v20 =	vmin.f32 v20, $9.999999400e-01  }
0x178: {  	v17 =	vadd.f32 v23, v17;
	v6 =	vtrunc.f32 v6;
	v25 =	vld.idx.msk [tilespmem:v22+s17+$0x0], $0xffff;
	v30 =	vmul.f32 $6.300000000e+01, v20  }
0x179: {  	[tilespmem:s30+$0x8200] =	vst v60;
	v6 =	vcvt.f32.s32 v6;
	v29 =	vadd.f32 v26, v29;
	v23 =	vld.idx.msk [tilespmem:v22+s16+$0x0], $0xffff;
	v26 =	vtrunc.f32 v28  }
0x17a: {  	s4 =	sor.u32 $0x380, s22;
	[tilespmem:s13+$0x8200] =	vst v17;
	v28 =	vld [tilespmem:s28+$0x410];
	v26 =	vcvt.f32.s32 v26;
	v22 =	vtrunc.f32 v30;
	v30 =	vadd.f32 v31, v62  }
0x17b: {  	s13 =	simm.s32 $0x400;
	s22 =	sor.u32 $0x300, s1;
	s30 =	sor.u32 $0x380, s1;
	[tilespmem:s11+$0x8200] =	vst v29;
	v17 =	vld.idx.msk [tilespmem:v21+s17+$0x0], $0xffff;
	v29 =	vmul.f32 v56, v63;
	v22 =	vcvt.f32.s32 v22  }
.LBB2_3:
0x17c: {  	s0 =	sadd.s32 $0x20, s0;
	[tilespmem:s28+$0x8280] =	vst v30;
	s3 =	sadd.s32 $0x100, s3;
	v21 =	vld.idx.msk [tilespmem:v21+s16+$0x0], $0xffff;
	v18 =	vmul.f32 v4, v18;
	v4 =	vmov v14  }
0x17d: {  	s11 =	sand.u32 $0x60, s0;
	s23 =	sand.u32 $0x3C00, s3;
	p1 =	slt.u32 s0, $0x7E0;
	v14 =	vld.idx.msk [tilespmem:v15+s17+$0x0], $0xffff;
	v27 =	vadd.f32 v29, v27  }
0x17e: {  	v25 =	vmul.f32 v5, v25;
	v5 =	vmov v16;
	s11 =	sor.u32 s11, s23;
	v15 =	vld.idx.msk [tilespmem:v15+s16+$0x0], $0xffff;
	v18 =	vadd.f32 v18, v19  }
0x17f: {  	v16 =	vld [tilespmem:s11+$0x210];
	[tilespmem:s28+$0x8310] =	vst v27  }
0x180: {  	v23 =	vadd.f32 v25, v23;
	v13 =	vmul.f32 v13, v17;
	v19 =	vld.idx.msk [tilespmem:v26+s17+$0x0], $0xffff;
	v27 =	vmax.f32 v28, $0.0e+00;
	[tilespmem:s25+$0x8200] =	vst v18;
	s25 =	smov.u32 s29;
	s29 =	smov.u32 s4;
	s4 =	smov.u32 s30  }
0x181: {  	v18 =	vmin.f32 v27, $9.999999400e-01;
	v17 =	vld.idx.msk [tilespmem:v22+s17+$0x0], $0xffff  }
0x182: {  	v13 =	vadd.f32 v13, v21;
	v25 =	vld.idx.msk [tilespmem:v26+s16+$0x0], $0xffff;
	v26 =	vmul.f32 $6.300000000e+01, v18;
	[tilespmem:s26+$0x8480] =	vst v23;
	s26 =	smov.u32 s28;
	s28 =	smov.u32 s11  }
0x183: {  	v11 =	vmul.f32 v11, v14;
	v14 =	vld.idx.msk [tilespmem:v22+s16+$0x0], $0xffff  }
0x184: {  	v21 =	vld [tilespmem:s28+$0x200];
	v16 =	vmax.f32 v16, $0.0e+00;
	v22 =	vtrunc.f32 v26;
	[tilespmem:s31+$0x8200] =	vst v13;
	s31 =	smov.u32 s22  }
0x185: {  	v11 =	vadd.f32 v11, v15;
	v13 =	vld [tilespmem:s28+$0x280];
	v16 =	vmin.f32 v16, $9.999999400e-01;
	v15 =	vcvt.f32.s32 v22  }
0x186: {  	v19 =	vmul.f32 v24, v19;
	v22 =	vmul.f32 $6.300000000e+01, v16;
	v23 =	vld [tilespmem:s26+$0x490]  }
0x187: {  	v24 =	vld [tilespmem:s28+$0x300];
	[tilespmem:s26+$0x8300] =	vst v11;
	v11 =	vmul.f32 v20, v17  }
0x188: {  	v19 =	vadd.f32 v19, v25;
	v20 =	vld [tilespmem:s28+$0x380];
	v17 =	vtrunc.f32 v22  }
0x189: {  	v21 =	vmax.f32 v21, $0.0e+00;
	v22 =	vld [tilespmem:s28+$0x400];
	v25 =	vcvt.f32.s32 v17;
	v11 =	vadd.f32 v11, v14  }
0x18a: {  	v14 =	vmin.f32 v21, $9.999999400e-01;
	v13 =	vmax.f32 v13, $0.0e+00;
	v21 =	vld [tilespmem:s28+$0x290];
	[tilespmem:s26+$0x8390] =	vst v19  }
0x18b: {  	s23 =	sor.u32 $0x380, s6;
	v19 =	vmul.f32 $6.300000000e+01, v14;
	v17 =	vmin.f32 v13, $9.999999400e-01;
	v13 =	vld.idx.msk [tilespmem:v15+s17+$0x0], $0xffff;
	v23 =	vmax.f32 v23, $0.0e+00;
	[tilespmem:s14+$0x8200] =	vst v11  }
0x18c: {  	v26 =	vmul.f32 $6.300000000e+01, v17;
	v11 =	vmax.f32 v24, $0.0e+00;
	v23 =	vmin.f32 v23, $9.999999400e-01;
	v24 =	vld [tilespmem:s23+$0x200]  }
0x18d: {  	v19 =	vtrunc.f32 v19;
	v11 =	vmin.f32 v11, $9.999999400e-01;
	v15 =	vld.idx.msk [tilespmem:v15+s16+$0x0], $0xffff;
	v27 =	vmul.f32 $6.300000000e+01, v23  }
0x18e: {  	v20 =	vmax.f32 v20, $0.0e+00;
	v19 =	vcvt.f32.s32 v19;
	v26 =	vtrunc.f32 v26;
	v28 =	vld.idx.msk [tilespmem:v12+s17+$0x0], $0xffff  }
0x18f: {  	v26 =	vcvt.f32.s32 v26;
	v29 =	vld.idx.msk [tilespmem:v25+s17+$0x0], $0xffff;
	v21 =	vmax.f32 v21, $0.0e+00;
	v27 =	vtrunc.f32 v27  }
0x190: {  	v30 =	vmul.f32 $6.300000000e+01, v11;
	v21 =	vmin.f32 v21, $9.999999400e-01;
	v31 =	vld.idx.msk [tilespmem:v12+s16+$0x0], $0xffff;
	v12 =	vcvt.f32.s32 v27  }
0x191: {  	v13 =	vmul.f32 v18, v13;
	v25 =	vld.idx.msk [tilespmem:v25+s16+$0x0], $0xffff;
	v27 =	vmul.f32 $6.300000000e+01, v21;
	v18 =	vmax.f32 v24, $0.0e+00  }
0x192: {  	v20 =	vmin.f32 v20, $9.999999400e-01;
	v24 =	vtrunc.f32 v30;
	v30 =	vld [tilespmem:s28+$0x480];
	v18 =	vmin.f32 v18, $9.999999400e-01  }
0x193: {  	v13 =	vadd.f32 v13, v15;
	v27 =	vtrunc.f32 v27;
	v32 =	vld [tilespmem:s31+$0x200];
	v33 =	vmul.f32 $6.300000000e+01, v18  }
0x194: {  	v22 =	vmax.f32 v22, $0.0e+00;
	v15 =	vcvt.f32.s32 v24;
	v34 =	vld.idx.msk [tilespmem:v19+s17+$0x0], $0xffff;
	v24 =	vcvt.f32.s32 v27  }
0x195: {  	v22 =	vmin.f32 v22, $9.999999400e-01;
	v16 =	vmul.f32 v16, v29;
	v27 =	vld [tilespmem:s28+$0x310];
	[tilespmem:s26+$0x8410] =	vst v13;
	v13 =	vtrunc.f32 v33  }
0x196: {  	v29 =	vmul.f32 $6.300000000e+01, v20;
	v33 =	vld.idx.msk [tilespmem:v12+s17+$0x0], $0xffff;
	v35 =	vcvt.f32.s32 v13  }
0x197: {  	v13 =	vmul.f32 $6.300000000e+01, v22;
	v16 =	vadd.f32 v16, v25;
	v25 =	vmul.f32 v7, v28;
	v7 =	vmovc v20;
	v19 =	vld.idx.msk [tilespmem:v19+s16+$0x0], $0xffff  }
0x198: {  	v20 =	vtrunc.f32 v29;
	v28 =	vmax.f32 v30, $0.0e+00;
	v29 =	vld.idx.msk [tilespmem:v12+s16+$0x0], $0xffff;
	v30 =	vmax.f32 v32, $0.0e+00  }
0x199: {  	v12 =	vcvt.f32.s32 v20;
	v13 =	vtrunc.f32 v13;
	v20 =	vadd.f32 v25, v31;
	[tilespmem:s28+$0x8210] =	vst v16;
	v25 =	vld [tilespmem:s29+$0x200]  }
0x19a: {  	v14 =	vmul.f32 v14, v34;
	v31 =	vcvt.f32.s32 v13;
	v32 =	vld.idx.msk [tilespmem:v24+s17+$0x0], $0xffff;
	v13 =	vmax.f32 v27, $0.0e+00  }
0x19b: {  	s8 =	sadd.s32 $0x1, s8;
	v16 =	vmin.f32 v28, $9.999999400e-01;
	v24 =	vld.idx.msk [tilespmem:v24+s16+$0x0], $0xffff;
	v28 =	vmin.f32 v13, $9.999999400e-01;
	[tilespmem:s26+$0x8380] =	vst v20;
	v13 =	vmin.f32 v30, $9.999999400e-01  }
0x19c: {  	s6 =	sand.u32 $0x3, s8;
	v23 =	vmul.f32 v23, v33;
	v20 =	vmul.f32 $6.300000000e+01, v28;
	v27 =	vld.idx.msk [tilespmem:v35+s17+$0x0], $0xffff  }
0x19d: {  	s6 =	sshll.u32 s6, $0x5;
	v14 =	vadd.f32 v14, v19;
	v19 =	vmul.f32 $6.300000000e+01, v16;
	v33 =	vmul.f32 $6.300000000e+01, v13;
	v30 =	vld.idx.msk [tilespmem:v10+s17+$0x0], $0xffff  }
0x19e: {  	s6 =	sadd.s32 s6, s13;
	s13 =	smov.u32 s3;
	v23 =	vadd.f32 v23, v29;
	v20 =	vtrunc.f32 v20;
	v29 =	vld.idx.msk [tilespmem:v35+s16+$0x0], $0xffff;
	v25 =	vmax.f32 v25, $0.0e+00  }
0x19f: {  	s30 =	sor.u32 $0x380, s6;
	s22 =	sor.u32 $0x300, s6;
	s6 =	sadd.s32 $0x10, s6;
	v19 =	vtrunc.f32 v19;
	[tilespmem:s28+$0x8200] =	vst v14;
	v20 =	vcvt.f32.s32 v20;
	v34 =	vld.idx.msk [tilespmem:v10+s16+$0x0], $0xffff;
	v14 =	vmin.f32 v25, $9.999999400e-01;
	v10 =	vmovc v31  }
0x1a0: {  	s14 =	sor.u32 $0x300, s6;
	v31 =	vcvt.f32.s32 v19;
	v19 =	vmul.f32 v21, v32;
	v25 =	vld [tilespmem:s28+$0x390];
	[tilespmem:s26+$0x8490] =	vst v23  }
0x1a1: {  	v21 =	vtrunc.f32 v33;
	v32 =	vmul.f32 $6.300000000e+01, v14;
	v23 =	vld [tilespmem:s14+$0x200]  }
0x1a2: {  	v21 =	vcvt.f32.s32 v21;
	v19 =	vadd.f32 v19, v24;
	v18 =	vmul.f32 v18, v27;
	v33 =	vld.idx.msk [tilespmem:v26+s17+$0x0], $0xffff  }
0x1a3: {  	v24 =	vmul.f32 v8, v30;
	v27 =	vtrunc.f32 v32;
	v8 =	vmov v22;
	v26 =	vld.idx.msk [tilespmem:v26+s16+$0x0], $0xffff  }
0x1a4: {  	v22 =	vcvt.f32.s32 v27;
	[tilespmem:s28+$0x8290] =	vst v19;
	v19 =	vadd.f32 v18, v29;
	v18 =	vld.idx.msk [tilespmem:v6+s17+$0x0], $0xffff  }
0x1a5: {  	v30 =	vadd.f32 v24, v34;
	v29 =	vld.idx.msk [tilespmem:v20+s17+$0x0], $0xffff;
	v25 =	vmax.f32 v25, $0.0e+00  }
0x1a6: {  	v24 =	vmin.f32 v25, $9.999999400e-01;
	v23 =	vmax.f32 v23, $0.0e+00;
	[tilespmem:s23+$0x8200] =	vst v19;
	v19 =	vld.idx.msk [tilespmem:v6+s16+$0x0], $0xffff;
	v6 =	vmov v22  }
.Ltmp2:
0x1a7: {  	v27 =	vld.idx.msk [tilespmem:v20+s16+$0x0], $0xffff;
	v22 =	vmul.f32 $6.300000000e+01, v24;
	[tilespmem:s26+$0x8400] =	vst v30;
	v20 =	vmin.f32 v23, $9.999999400e-01;
	(pc) =	sbr.rel @p1 .LBB2_3-.Ltmp2, $4  }
0x1a8: {  	v17 =	vmul.f32 v17, v33;
	v25 =	vld.idx.msk [tilespmem:v9+s17+$0x0], $0xffff;
	v32 =	vmul.f32 $6.300000000e+01, v20  }
0x1a9: {  	v22 =	vtrunc.f32 v22;
	v23 =	vld.idx.msk [tilespmem:v9+s16+$0x0], $0xffff;
	v9 =	vmov v31  }
0x1aa: {  	v30 =	vadd.f32 v17, v26;
	v26 =	vcvt.f32.s32 v22;
	v22 =	vtrunc.f32 v32;
	v17 =	vld.idx.msk [tilespmem:v21+s17+$0x0], $0xffff  }
0x1ab: {  	v29 =	vmul.f32 v28, v29;
	v28 =	vld [tilespmem:s28+$0x410];
	v22 =	vcvt.f32.s32 v22  }
0x1ac: {  	_ =	sdelay $0x2  }
0x1ad: {  	[tilespmem:s28+$0x8280] =	vst v30  }
0x1ae: {  	v30 =	vld.idx.msk [tilespmem:v15+s17+$0x0], $0xffff;
	_ =	sdelay $0x1  }
0x1af: {  	v54 =	vld.idx.msk [tilespmem:v15+s16+$0x0], $0xffff;
	_ =	sdelay $0x2  }
0x1b0: {  	v11 =	vmul.f32 v11, v30  }
0x1b1: {  	v27 =	vadd.f32 v29, v27  }
0x1b2: {  	v11 =	vadd.f32 v11, v54  }
0x1b3: {  	[tilespmem:s28+$0x8310] =	vst v27;
	v55 =	vmax.f32 v28, $0.0e+00  }
0x1b4: {  	v56 =	vld.idx.msk [tilespmem:v26+s17+$0x0], $0xffff;
	v27 =	vmin.f32 v55, $9.999999400e-01;
	[tilespmem:s28+$0x8300] =	vst v11  }
0x1b5: {  	v57 =	vmul.f32 $6.300000000e+01, v27;
	v62 =	vld.idx.msk [tilespmem:v12+s17+$0x0], $0xffff  }
0x1b6: {  	v58 =	vld.idx.msk [tilespmem:v26+s16+$0x0], $0xffff  }
0x1b7: {  	v59 =	vtrunc.f32 v57;
	v63 =	vld.idx.msk [tilespmem:v12+s16+$0x0], $0xffff  }
0x1b8: {  	v60 =	vld [tilespmem:s28+$0x490];
	v15 =	vcvt.f32.s32 v59  }
0x1b9: {  	v61 =	vmul.f32 v24, v56  }
0x1ba: {  	v7 =	vmul.f32 v7, v62  }
0x1bb: {  	v11 =	vadd.f32 v61, v58  }
0x1bc: {  	v7 =	vadd.f32 v7, v63  }
0x1bd: {  	v28 =	vmax.f32 v60, $0.0e+00;
	[tilespmem:s28+$0x8390] =	vst v11  }
0x1be: {  	v11 =	vmin.f32 v28, $9.999999400e-01;
	v29 =	vld.idx.msk [tilespmem:v15+s17+$0x0], $0xffff;
	[tilespmem:s28+$0x8380] =	vst v7  }
0x1bf: {  	v30 =	vmul.f32 $6.300000000e+01, v11;
	v33 =	vld.idx.msk [tilespmem:v10+s17+$0x0], $0xffff  }
0x1c0: {  	v15 =	vld.idx.msk [tilespmem:v15+s16+$0x0], $0xffff  }
0x1c1: {  	v31 =	vtrunc.f32 v30;
	v34 =	vld.idx.msk [tilespmem:v10+s16+$0x0], $0xffff  }
0x1c2: {  	v12 =	vcvt.f32.s32 v31  }
0x1c3: {  	v32 =	vmul.f32 v27, v29  }
0x1c4: {  	v8 =	vmul.f32 v8, v33  }
0x1c5: {  	v7 =	vadd.f32 v32, v15  }
0x1c6: {  	v8 =	vadd.f32 v8, v34  }
0x1c7: {  	[tilespmem:s28+$0x8410] =	vst v7  }
0x1c8: {  	v7 =	vld.idx.msk [tilespmem:v12+s17+$0x0], $0xffff;
	[tilespmem:s28+$0x8400] =	vst v8  }
0x1c9: {  	v5 =	vmul.f32 v5, v25;
	v8 =	vld.idx.msk [tilespmem:v9+s17+$0x0], $0xffff  }
0x1ca: {  	v12 =	vld.idx.msk [tilespmem:v12+s16+$0x0], $0xffff  }
0x1cb: {  	v5 =	vadd.f32 v5, v23;
	v35 =	vld.idx.msk [tilespmem:v9+s16+$0x0], $0xffff  }
0x1cc: {  	s0 =	sadd.s32 $0x1, s8  }
0x1cd: {  	s0 =	sand.u32 $0x3, s0;
	[tilespmem:s26+$0x8480] =	vst v5;
	v7 =	vmul.f32 v11, v7  }
0x1ce: {  	s0 =	sshll.u32 s0, $0x5;
	v5 =	vld [tilespmem:s22+$0x200];
	v8 =	vmul.f32 v16, v8  }
0x1cf: {  	s23 =	sadd.s32 s0, s13;
	v7 =	vadd.f32 v7, v12  }
0x1d0: {  	s3 =	sadd.s32 $0x10, s23;
	v8 =	vadd.f32 v8, v35  }
0x1d1: {  	s11 =	sor.u32 $0x300, s3;
	[tilespmem:s28+$0x8490] =	vst v7  }
0x1d2: {  	s13 =	sor.u32 $0x300, s23;
	v7 =	vld [tilespmem:s11+$0x200];
	[tilespmem:s28+$0x8480] =	vst v8  }
0x1d3: {  	v5 =	vmax.f32 v5, $0.0e+00;
	v8 =	vld [tilespmem:s13+$0x200]  }
0x1d4: {  	v5 =	vmin.f32 v5, $9.999999400e-01  }
0x1d5: {  	v39 =	vmul.f32 $6.300000000e+01, v5;
	_ =	sdelay $0x1  }
0x1d6: {  	v12 =	vtrunc.f32 v39;
	v7 =	vmax.f32 v7, $0.0e+00  }
0x1d7: {  	v12 =	vcvt.f32.s32 v12;
	v7 =	vmin.f32 v7, $9.999999400e-01;
	v8 =	vmax.f32 v8, $0.0e+00  }
0x1d8: {  	v36 =	vmul.f32 $6.300000000e+01, v7;
	v8 =	vmin.f32 v8, $9.999999400e-01  }
0x1d9: {  	v40 =	vmul.f32 $6.300000000e+01, v8  }
0x1da: {  	v9 =	vtrunc.f32 v36  }
0x1db: {  	v9 =	vcvt.f32.s32 v9;
	v15 =	vtrunc.f32 v40  }
0x1dc: {  	v42 =	vld.idx.msk [tilespmem:v21+s16+$0x0], $0xffff;
	v15 =	vcvt.f32.s32 v15  }
0x1dd: {  	v43 =	vld.idx.msk [tilespmem:v12+s17+$0x0], $0xffff  }
0x1de: {  	v37 =	vld.idx.msk [tilespmem:v22+s17+$0x0], $0xffff  }
0x1df: {  	v12 =	vld.idx.msk [tilespmem:v12+s16+$0x0], $0xffff  }
0x1e0: {  	v38 =	vld.idx.msk [tilespmem:v22+s16+$0x0], $0xffff;
	v13 =	vmul.f32 v13, v17  }
0x1e1: {  	v41 =	vld.idx.msk [tilespmem:v9+s17+$0x0], $0xffff  }
0x1e2: {  	v13 =	vadd.f32 v13, v42;
	v5 =	vmul.f32 v5, v43;
	v44 =	vld.idx.msk [tilespmem:v15+s17+$0x0], $0xffff  }
0x1e3: {  	v9 =	vld.idx.msk [tilespmem:v9+s16+$0x0], $0xffff  }
0x1e4: {  	[tilespmem:s31+$0x8200] =	vst v13;
	v10 =	vmul.f32 v20, v37;
	v5 =	vadd.f32 v5, v12;
	v45 =	vld.idx.msk [tilespmem:v15+s16+$0x0], $0xffff  }
0x1e5: {  	v46 =	vld [tilespmem:s4+$0x200]  }
0x1e6: {  	v10 =	vadd.f32 v10, v38;
	[tilespmem:s22+$0x8200] =	vst v5;
	v7 =	vmul.f32 v7, v41  }
0x1e7: {  	v5 =	vld [tilespmem:s30+$0x200];
	v8 =	vmul.f32 v8, v44  }
0x1e8: {  	s26 =	sor.u32 $0x380, s6;
	[tilespmem:s14+$0x8200] =	vst v10;
	v7 =	vadd.f32 v7, v9  }
0x1e9: {  	v10 =	vld [tilespmem:s26+$0x200];
	v8 =	vadd.f32 v8, v45  }
0x1ea: {  	s3 =	sor.u32 $0x380, s3;
	v11 =	vmax.f32 v46, $0.0e+00;
	[tilespmem:s11+$0x8200] =	vst v7  }
0x1eb: {  	v11 =	vmin.f32 v11, $9.999999400e-01;
	s28 =	sor.u32 $0x380, s23;
	v7 =	vld [tilespmem:s3+$0x200];
	[tilespmem:s13+$0x8200] =	vst v8  }
0x1ec: {  	v51 =	vmul.f32 $6.300000000e+01, v11;
	v5 =	vmax.f32 v5, $0.0e+00;
	v49 =	vld [tilespmem:s28+$0x200]  }
0x1ed: {  	v5 =	vmin.f32 v5, $9.999999400e-01  }
0x1ee: {  	v10 =	vmax.f32 v10, $0.0e+00;
	v13 =	vtrunc.f32 v51;
	v52 =	vmul.f32 $6.300000000e+01, v5  }
0x1ef: {  	v10 =	vmin.f32 v10, $9.999999400e-01;
	v13 =	vcvt.f32.s32 v13  }
0x1f0: {  	v47 =	vmul.f32 $6.300000000e+01, v10;
	v15 =	vtrunc.f32 v52;
	v7 =	vmax.f32 v7, $0.0e+00  }
0x1f1: {  	v15 =	vcvt.f32.s32 v15;
	v7 =	vmin.f32 v7, $9.999999400e-01;
	v9 =	vmax.f32 v49, $0.0e+00  }
0x1f2: {  	v48 =	vtrunc.f32 v47;
	v50 =	vmul.f32 $6.300000000e+01, v7;
	v9 =	vmin.f32 v9, $9.999999400e-01  }
0x1f3: {  	v55 =	vld.idx.msk [tilespmem:v6+s17+$0x0], $0xffff;
	v8 =	vcvt.f32.s32 v48;
	v54 =	vmul.f32 $6.300000000e+01, v9  }
0x1f4: {  	v56 =	vld.idx.msk [tilespmem:v6+s16+$0x0], $0xffff;
	v12 =	vtrunc.f32 v50  }
0x1f5: {  	v58 =	vld.idx.msk [tilespmem:v13+s17+$0x0], $0xffff;
	v12 =	vcvt.f32.s32 v12;
	v17 =	vtrunc.f32 v54  }
0x1f6: {  	v13 =	vld.idx.msk [tilespmem:v13+s16+$0x0], $0xffff;
	v17 =	vcvt.f32.s32 v17  }
0x1f7: {  	v59 =	vld.idx.msk [tilespmem:v15+s17+$0x0], $0xffff  }
0x1f8: {  	v15 =	vld.idx.msk [tilespmem:v15+s16+$0x0], $0xffff  }
0x1f9: {  	v4 =	vmul.f32 v4, v18;
	v53 =	vld.idx.msk [tilespmem:v8+s17+$0x0], $0xffff  }
0x1fa: {  	v8 =	vld.idx.msk [tilespmem:v8+s16+$0x0], $0xffff  }
0x1fb: {  	v4 =	vadd.f32 v4, v19;
	v14 =	vmul.f32 v14, v55;
	v57 =	vld.idx.msk [tilespmem:v12+s17+$0x0], $0xffff  }
0x1fc: {  	v60 =	vld.idx.msk [tilespmem:v17+s17+$0x0], $0xffff  }
0x1fd: {  	[tilespmem:s25+$0x8200] =	vst v4;
	v4 =	vadd.f32 v14, v56;
	v62 =	vmul.f32 v11, v58;
	v12 =	vld.idx.msk [tilespmem:v12+s16+$0x0], $0xffff  }
0x1fe: {  	v5 =	vmul.f32 v5, v59;
	v61 =	vld.idx.msk [tilespmem:v17+s16+$0x0], $0xffff  }
0x1ff: {  	[tilespmem:s29+$0x8200] =	vst v4;
	v4 =	vadd.f32 v62, v13;
	v10 =	vmul.f32 v10, v53  }
0x200: {  	v5 =	vadd.f32 v5, v15;
	v7 =	vmul.f32 v7, v57  }
0x201: {  	p1 =	sne.s32 s24, $0x7;
	[tilespmem:s4+$0x8200] =	vst v4;
	v8 =	vadd.f32 v10, v8;
	v63 =	vmul.f32 v9, v60  }
.Ltmp3:
0x202: {  	[tilespmem:s30+$0x8200] =	vst v5;
	v7 =	vadd.f32 v7, v12;
	(pc) =	sbr.rel @p1 .LBB2_6-.Ltmp3, $4  }
0x203: {  	s31 =	sshll.u32 s24, $0xC;
	[tilespmem:s26+$0x8200] =	vst v8;
	v4 =	vadd.f32 v63, v61  }
0x204: {  	s25 =	sadd.s32 s5, s31;
	[tilespmem:s3+$0x8200] =	vst v7  }
0x205: {  	s0 =	sadd.s32 s7, s25;
	[tilespmem:s28+$0x8200] =	vst v4  }
0x206: {  	[hbm4b:s0+s2] =	stream.linear.scatter [tilespmem:s18], [sflag:$0x3], $0x4000, $0x38;
	[tilespmem:$0x10200] =	vst v63  }
.Ltmp4:
0x207: {  	(pc) =	sbr.rel .LBB2_7-.Ltmp4, $4  }
0x208: {  	_ = 	snop  }
0x209: {  	_ =	swait.ge [sflag:s19], $0x4000  }
0x20a: {  	[sflag:s19] =	ssyncset.done $0x0  }
0x20b: {  	[sflag:s19] =	ssyncadd.s32 $0xFFFFC000  }
.LBB2_6:
0x20c: {  	s0 =	rddreg [dreg:$0x6]  }
.Ltmp5:
0x20d: {  	s1 =	simm.s32 $0x200;
	s0 =	sadd.s32 s25, s0;
	(pc) =	sbr.rel @p0 .LBB2_8-.Ltmp5, $4  }
0x20e: {  	[tilespmem:s1], [sflag:$0x1] =	stream.linear.gather [hbm4b:s0+s2], $0x4000, $0x38;
	[tilespmem:$0x10200] =	vst v63  }
0x20f: {  	_ =	swait.ge [sflag:s19], $0x4000  }
0x210: {  	[sflag:s19] =	ssyncset.done $0x0  }
0x211: {  	[sflag:s19] =	ssyncadd.s32 $0xFFFFC000  }
.LBB2_7:
0x212: {  	_ =	swait.ge [sflag:s20], $0x4000  }
0x213: {  	[sflag:s20] =	ssyncset.done $0x0  }
0x214: {  	[sflag:s20] =	ssyncadd.s32 $0xFFFFC000  }
.LBB2_8:
0x215: {  	s3 =	simm.s32 $0x0;
	s0 =	simm.s32 $0x0  }
0x216: {  	s0 =	sand.u32 $0x60, s0;
	s4 =	sand.u32 $0x3C00, s3  }
0x217: {  	s4 =	sor.u32 s0, s4  }
0x218: {  	v4 =	vld [tilespmem:s4+$0x4210];
	_ =	sdelay $0x4  }
0x219: {  	v4 =	vmax.f32 v4, $0.0e+00  }
0x21a: {  	v4 =	vmin.f32 v4, $9.999999400e-01  }
0x21b: {  	v5 =	vmul.f32 $6.300000000e+01, v4;
	_ =	sdelay $0x1  }
0x21c: {  	v5 =	vtrunc.f32 v5  }
0x21d: {  	v6 =	vld [tilespmem:s4+$0x4290];
	v5 =	vcvt.f32.s32 v5;
	_ =	sdelay $0x4  }
0x21e: {  	v7 =	vld [tilespmem:s4+$0x4200];
	v6 =	vmax.f32 v6, $0.0e+00  }
0x21f: {  	v6 =	vmin.f32 v6, $9.999999400e-01;
	v8 =	vld.idx.msk [tilespmem:v5+s17+$0x0], $0xffff  }
0x220: {  	v9 =	vmul.f32 $6.300000000e+01, v6  }
0x221: {  	v5 =	vld.idx.msk [tilespmem:v5+s16+$0x0], $0xffff  }
0x222: {  	v9 =	vtrunc.f32 v9  }
0x223: {  	v10 =	vld [tilespmem:s4+$0x4310];
	v9 =	vcvt.f32.s32 v9  }
0x224: {  	v7 =	vmax.f32 v7, $0.0e+00;
	v4 =	vmul.f32 v4, v8  }
0x225: {  	v7 =	vmin.f32 v7, $9.999999400e-01  }
0x226: {  	v8 =	vmul.f32 $6.300000000e+01, v7;
	v4 =	vadd.f32 v4, v5;
	_ =	sdelay $0x1  }
0x227: {  	v5 =	vld [tilespmem:s4+$0x4280];
	v8 =	vtrunc.f32 v8;
	[tilespmem:s4+$0xC210] =	vst v4;
	v4 =	vmax.f32 v10, $0.0e+00  }
0x228: {  	v8 =	vcvt.f32.s32 v8;
	v10 =	vld.idx.msk [tilespmem:v9+s17+$0x0], $0xffff;
	v4 =	vmin.f32 v4, $9.999999400e-01  }
0x229: {  	v11 =	vmul.f32 $6.300000000e+01, v4  }
0x22a: {  	v9 =	vld.idx.msk [tilespmem:v9+s16+$0x0], $0xffff  }
0x22b: {  	v11 =	vtrunc.f32 v11  }
0x22c: {  	v12 =	vld [tilespmem:s4+$0x4390];
	v11 =	vcvt.f32.s32 v11  }
0x22d: {  	v5 =	vmax.f32 v5, $0.0e+00;
	v6 =	vmul.f32 v6, v10  }
0x22e: {  	v5 =	vmin.f32 v5, $9.999999400e-01;
	v10 =	vld.idx.msk [tilespmem:v8+s17+$0x0], $0xffff  }
0x22f: {  	v13 =	vmul.f32 $6.300000000e+01, v5;
	v6 =	vadd.f32 v6, v9  }
0x230: {  	v8 =	vld.idx.msk [tilespmem:v8+s16+$0x0], $0xffff  }
0x231: {  	v13 =	vtrunc.f32 v13;
	v9 =	vld [tilespmem:s4+$0x4300];
	[tilespmem:s4+$0xC290] =	vst v6;
	v6 =	vmax.f32 v12, $0.0e+00  }
0x232: {  	v12 =	vcvt.f32.s32 v13;
	v13 =	vld.idx.msk [tilespmem:v11+s17+$0x0], $0xffff;
	v6 =	vmin.f32 v6, $9.999999400e-01  }
0x233: {  	v7 =	vmul.f32 v7, v10;
	v10 =	vmul.f32 $6.300000000e+01, v6  }
0x234: {  	v11 =	vld.idx.msk [tilespmem:v11+s16+$0x0], $0xffff  }
0x235: {  	v7 =	vadd.f32 v7, v8;
	v8 =	vtrunc.f32 v10  }
0x236: {  	v10 =	vld [tilespmem:s4+$0x4410];
	v8 =	vcvt.f32.s32 v8  }
0x237: {  	v9 =	vmax.f32 v9, $0.0e+00;
	[tilespmem:s4+$0xC200] =	vst v7;
	v4 =	vmul.f32 v4, v13  }
0x238: {  	s22 =	simm.s32 $0x20;
	s6 =	simm.s32 $0x100;
	v7 =	vmin.f32 v9, $9.999999400e-01;
	v9 =	vld.idx.msk [tilespmem:v12+s17+$0x0], $0xffff  }
0x239: {  	s6 =	sand.u32 $0x3C00, s6;
	s0 =	sand.u32 $0x60, s22;
	v13 =	vld [tilespmem:s4+$0x4380];
	v14 =	vmul.f32 $6.300000000e+01, v7;
	v4 =	vadd.f32 v4, v11  }
0x23a: {  	s0 =	sor.u32 s0, s6;
	v11 =	vld.idx.msk [tilespmem:v12+s16+$0x0], $0xffff  }
0x23b: {  	v12 =	vtrunc.f32 v14;
	v14 =	vld [tilespmem:s0+$0x4210];
	[tilespmem:s4+$0xC310] =	vst v4;
	v4 =	vmax.f32 v10, $0.0e+00  }
0x23c: {  	v10 =	vcvt.f32.s32 v12;
	v12 =	vld.idx.msk [tilespmem:v8+s17+$0x0], $0xffff;
	v4 =	vmin.f32 v4, $9.999999400e-01  }
0x23d: {  	v5 =	vmul.f32 v5, v9;
	v9 =	vmul.f32 $6.300000000e+01, v4  }
0x23e: {  	v8 =	vld.idx.msk [tilespmem:v8+s16+$0x0], $0xffff  }
0x23f: {  	v5 =	vadd.f32 v5, v11;
	v9 =	vtrunc.f32 v9  }
0x240: {  	v11 =	vmax.f32 v14, $0.0e+00;
	v14 =	vld [tilespmem:s4+$0x4490];
	v9 =	vcvt.f32.s32 v9  }
0x241: {  	v13 =	vmax.f32 v13, $0.0e+00;
	v11 =	vmin.f32 v11, $9.999999400e-01;
	[tilespmem:s4+$0xC280] =	vst v5;
	v5 =	vld [tilespmem:s0+$0x4200];
	v6 =	vmul.f32 v6, v12  }
0x242: {  	v15 =	vmul.f32 $6.300000000e+01, v11;
	v12 =	vmin.f32 v13, $9.999999400e-01;
	v13 =	vld.idx.msk [tilespmem:v10+s17+$0x0], $0xffff  }
0x243: {  	v16 =	vmul.f32 $6.300000000e+01, v12;
	v6 =	vadd.f32 v6, v8  }
0x244: {  	v8 =	vld.idx.msk [tilespmem:v10+s16+$0x0], $0xffff;
	v10 =	vtrunc.f32 v15  }
0x245: {  	v15 =	vtrunc.f32 v16;
	v10 =	vcvt.f32.s32 v10;
	v16 =	vld [tilespmem:s0+$0x4290];
	[tilespmem:s4+$0xC390] =	vst v6;
	v6 =	vmax.f32 v14, $0.0e+00  }
0x246: {  	v14 =	vcvt.f32.s32 v15;
	v5 =	vmax.f32 v5, $0.0e+00;
	v15 =	vld.idx.msk [tilespmem:v9+s17+$0x0], $0xffff;
	v6 =	vmin.f32 v6, $9.999999400e-01  }
0x247: {  	v17 =	vld [tilespmem:s4+$0x4400];
	v7 =	vmul.f32 v7, v13;
	v5 =	vmin.f32 v5, $9.999999400e-01;
	v13 =	vmul.f32 $6.300000000e+01, v6  }
0x248: {  	v9 =	vld.idx.msk [tilespmem:v9+s16+$0x0], $0xffff;
	v18 =	vmul.f32 $6.300000000e+01, v5  }
0x249: {  	v19 =	vld [tilespmem:s4+$0x4480];
	v7 =	vadd.f32 v7, v8;
	v8 =	vtrunc.f32 v13  }
0x24a: {  	v13 =	vld [tilespmem:s0+$0x4280];
	v18 =	vtrunc.f32 v18;
	v16 =	vmax.f32 v16, $0.0e+00;
	v8 =	vcvt.f32.s32 v8  }
0x24b: {  	[tilespmem:s4+$0xC300] =	vst v7;
	v7 =	vcvt.f32.s32 v18;
	v18 =	vld.idx.msk [tilespmem:v10+s17+$0x0], $0xffff;
	v16 =	vmin.f32 v16, $9.999999400e-01;
	v4 =	vmul.f32 v4, v15  }
0x24c: {  	v15 =	vld.idx.msk [tilespmem:v14+s17+$0x0], $0xffff;
	v20 =	vmul.f32 $6.300000000e+01, v16  }
0x24d: {  	v17 =	vmax.f32 v17, $0.0e+00;
	v10 =	vld.idx.msk [tilespmem:v10+s16+$0x0], $0xffff;
	v4 =	vadd.f32 v4, v9  }
0x24e: {  	v21 =	vld [tilespmem:s0+$0x4310];
	v9 =	vmin.f32 v17, $9.999999400e-01;
	v17 =	vtrunc.f32 v20  }
0x24f: {  	v14 =	vld.idx.msk [tilespmem:v14+s16+$0x0], $0xffff;
	v20 =	vmul.f32 $6.300000000e+01, v9;
	v17 =	vcvt.f32.s32 v17;
	[tilespmem:s4+$0xC410] =	vst v4  }
0x250: {  	v4 =	vmax.f32 v13, $0.0e+00;
	v11 =	vmul.f32 v11, v18;
	v13 =	vld.idx.msk [tilespmem:v8+s17+$0x0], $0xffff  }
0x251: {  	v18 =	vtrunc.f32 v20;
	v4 =	vmin.f32 v4, $9.999999400e-01;
	v20 =	vld.idx.msk [tilespmem:v7+s17+$0x0], $0xffff;
	v12 =	vmul.f32 v12, v15  }
0x252: {  	v8 =	vld.idx.msk [tilespmem:v8+s16+$0x0], $0xffff;
	v18 =	vcvt.f32.s32 v18;
	v22 =	vmul.f32 $6.300000000e+01, v4;
	v10 =	vadd.f32 v11, v10  }
0x253: {  	s11 =	simm.s32 $0x40;
	s13 =	simm.s32 $0x200;
	v7 =	vld.idx.msk [tilespmem:v7+s16+$0x0], $0xffff  }
0x254: {  	s11 =	sand.u32 $0x60, s11;
	s13 =	sand.u32 $0x3C00, s13;
	v11 =	vld [tilespmem:s0+$0x4300];
	v12 =	vadd.f32 v12, v14;
	v15 =	vtrunc.f32 v22;
	[tilespmem:s0+$0xC210] =	vst v10;
	v10 =	vmax.f32 v21, $0.0e+00  }
0x255: {  	s30 =	sor.u32 s11, s13;
	v14 =	vld.idx.msk [tilespmem:v17+s17+$0x0], $0xffff;
	v10 =	vmin.f32 v10, $9.999999400e-01;
	v6 =	vmul.f32 v6, v13;
	v13 =	vcvt.f32.s32 v15  }
0x256: {  	s3 =	sand.u32 $0x3, s3;
	v24 =	vld [tilespmem:s30+$0x4200];
	v15 =	vmul.f32 $6.300000000e+01, v10;
	v5 =	vmul.f32 v5, v20  }
0x257: {  	s3 =	sshll.u32 s3, $0x5;
	v17 =	vld.idx.msk [tilespmem:v17+s16+$0x0], $0xffff;
	[tilespmem:s4+$0xC380] =	vst v12;
	v6 =	vadd.f32 v6, v8  }
0x258: {  	s3 =	sadd.s32 $0x0, s3;
	v8 =	vld.idx.msk [tilespmem:v18+s17+$0x0], $0xffff;
	v12 =	vtrunc.f32 v15;
	v5 =	vadd.f32 v5, v7  }
0x259: {  	s23 =	sadd.s32 $0x10, s3;
	v7 =	vcvt.f32.s32 v12;
	v12 =	vld [tilespmem:s0+$0x4390];
	[tilespmem:s4+$0xC490] =	vst v6  }
0x25a: {  	s8 =	sor.u32 $0x300, s23;
	v11 =	vmax.f32 v11, $0.0e+00;
	v15 =	vmax.f32 v19, $0.0e+00;
	v14 =	vmul.f32 v16, v14;
	[tilespmem:s0+$0xC200] =	vst v5;
	v5 =	vld.idx.msk [tilespmem:v18+s16+$0x0], $0xffff  }
0x25b: {  	v11 =	vmin.f32 v11, $9.999999400e-01;
	v6 =	vmin.f32 v15, $9.999999400e-01;
	v15 =	vld [tilespmem:s8+$0x4200]  }
0x25c: {  	v18 =	vmul.f32 $6.300000000e+01, v11;
	v16 =	vmul.f32 $6.300000000e+01, v6;
	v19 =	vld.idx.msk [tilespmem:v13+s17+$0x0], $0xffff;
	v14 =	vadd.f32 v14, v17  }
0x25d: {  	v26 =	vld [tilespmem:s30+$0x4300]  }
0x25e: {  	v18 =	vtrunc.f32 v18;
	v13 =	vld.idx.msk [tilespmem:v13+s16+$0x0], $0xffff;
	v16 =	vtrunc.f32 v16;
	[tilespmem:s0+$0xC290] =	vst v14;
	v12 =	vmax.f32 v12, $0.0e+00  }
0x25f: {  	v8 =	vmul.f32 v9, v8;
	v16 =	vcvt.f32.s32 v16;
	v9 =	vld.idx.msk [tilespmem:v7+s17+$0x0], $0xffff;
	v12 =	vmin.f32 v12, $9.999999400e-01  }
0x260: {  	v31 =	vld [tilespmem:s30+$0x4490];
	v18 =	vcvt.f32.s32 v18;
	v20 =	vmul.f32 $6.300000000e+01, v12  }
0x261: {  	v5 =	vadd.f32 v8, v5;
	v7 =	vld.idx.msk [tilespmem:v7+s16+$0x0], $0xffff;
	v14 =	vmax.f32 v15, $0.0e+00;
	v4 =	vmul.f32 v4, v19  }
0x262: {  	v17 =	vld [tilespmem:s0+$0x4380];
	v14 =	vmin.f32 v14, $9.999999400e-01;
	v20 =	vtrunc.f32 v20  }
0x263: {  	[tilespmem:s4+$0xC400] =	vst v5;
	v8 =	vmul.f32 $6.300000000e+01, v14;
	v4 =	vadd.f32 v4, v13;
	v5 =	vcvt.f32.s32 v20;
	v13 =	vld [tilespmem:s0+$0x4410]  }
0x264: {  	v15 =	vld [tilespmem:s0+$0x4400];
	v9 =	vmul.f32 v10, v9  }
0x265: {  	v8 =	vtrunc.f32 v8;
	v20 =	vld.idx.msk [tilespmem:v16+s17+$0x0], $0xffff  }
0x266: {  	v10 =	vld.idx.msk [tilespmem:v16+s16+$0x0], $0xffff;
	v8 =	vcvt.f32.s32 v8;
	[tilespmem:s0+$0xC280] =	vst v4;
	v7 =	vadd.f32 v9, v7  }
0x267: {  	v4 =	vld.idx.msk [tilespmem:v18+s17+$0x0], $0xffff  }
0x268: {  	v9 =	vld [tilespmem:s30+$0x4210];
	[tilespmem:s0+$0xC310] =	vst v7;
	v7 =	vmax.f32 v13, $0.0e+00  }
0x269: {  	v13 =	vld.idx.msk [tilespmem:v5+s17+$0x0], $0xffff;
	v7 =	vmin.f32 v7, $9.999999400e-01  }
0x26a: {  	v16 =	vld.idx.msk [tilespmem:v18+s16+$0x0], $0xffff;
	v21 =	vmul.f32 $6.300000000e+01, v7  }
0x26b: {  	v17 =	vmax.f32 v17, $0.0e+00;
	v5 =	vld.idx.msk [tilespmem:v5+s16+$0x0], $0xffff  }
0x26c: {  	s13 =	simm.s32 $0x60;
	s22 =	simm.s32 $0x300;
	v17 =	vmin.f32 v17, $9.999999400e-01;
	v18 =	vld.idx.msk [tilespmem:v8+s17+$0x0], $0xffff;
	v21 =	vtrunc.f32 v21  }
0x26d: {  	s11 =	sand.u32 $0x60, s13;
	s13 =	sand.u32 $0x3C00, s22;
	v23 =	vld [tilespmem:s0+$0x4490];
	v22 =	vmul.f32 $6.300000000e+01, v17;
	v9 =	vmax.f32 v9, $0.0e+00;
	v21 =	vcvt.f32.s32 v21  }
0x26e: {  	s28 =	sor.u32 s11, s13;
	v8 =	vld.idx.msk [tilespmem:v8+s16+$0x0], $0xffff;
	v25 =	vmin.f32 v9, $9.999999400e-01;
	v9 =	vmul.f32 v12, v13  }
0x26f: {  	v29 =	vld [tilespmem:s28+$0x4200];
	v12 =	vtrunc.f32 v22;
	v22 =	vmul.f32 $6.300000000e+01, v25  }
0x270: {  	v32 =	vld [tilespmem:s28+$0x4280];
	v4 =	vmul.f32 v11, v4;
	v12 =	vcvt.f32.s32 v12;
	v5 =	vadd.f32 v9, v5  }
0x271: {  	v19 =	vld [tilespmem:s0+$0x4480];
	v15 =	vmax.f32 v15, $0.0e+00;
	v14 =	vmul.f32 v14, v18;
	v18 =	vtrunc.f32 v22  }
0x272: {  	v4 =	vadd.f32 v4, v16;
	v11 =	vcvt.f32.s32 v18;
	v18 =	vld [tilespmem:s30+$0x4290];
	[tilespmem:s0+$0xC390] =	vst v5;
	v5 =	vmax.f32 v23, $0.0e+00  }
0x273: {  	v22 =	vmax.f32 v24, $0.0e+00;
	v14 =	vadd.f32 v14, v8;
	v23 =	vld.idx.msk [tilespmem:v21+s17+$0x0], $0xffff;
	v5 =	vmin.f32 v5, $9.999999400e-01  }
0x274: {  	v6 =	vmul.f32 v6, v20;
	v13 =	vld [tilespmem:s30+$0x4280];
	[tilespmem:s0+$0xC300] =	vst v4;
	v16 =	vmin.f32 v22, $9.999999400e-01;
	v22 =	vmul.f32 $6.300000000e+01, v5  }
0x275: {  	v15 =	vmin.f32 v15, $9.999999400e-01;
	v24 =	vmul.f32 $6.300000000e+01, v16;
	[tilespmem:s8+$0xC200] =	vst v14;
	v14 =	vld.idx.msk [tilespmem:v21+s16+$0x0], $0xffff  }
0x276: {  	s31 =	sor.u32 $0x380, s23;
	v6 =	vadd.f32 v6, v10;
	v21 =	vmul.f32 $6.300000000e+01, v15;
	v27 =	vld.idx.msk [tilespmem:v12+s17+$0x0], $0xffff;
	v22 =	vtrunc.f32 v22  }
0x277: {  	v24 =	vtrunc.f32 v24;
	v4 =	vld [tilespmem:s31+$0x4200];
	v18 =	vmax.f32 v18, $0.0e+00;
	v22 =	vcvt.f32.s32 v22  }
0x278: {  	v24 =	vcvt.f32.s32 v24;
	v28 =	vld.idx.msk [tilespmem:v11+s17+$0x0], $0xffff;
	v18 =	vmin.f32 v18, $9.999999400e-01;
	v7 =	vmul.f32 v7, v23  }
0x279: {  	v12 =	vld.idx.msk [tilespmem:v12+s16+$0x0], $0xffff;
	v21 =	vtrunc.f32 v21;
	v23 =	vmul.f32 $6.300000000e+01, v18  }
0x27a: {  	s14 =	sor.u32 $0x300, s3;
	[tilespmem:s4+$0xC480] =	vst v6;
	v20 =	vld.idx.msk [tilespmem:v11+s16+$0x0], $0xffff;
	v11 =	vadd.f32 v7, v14;
	v14 =	vmax.f32 v19, $0.0e+00;
	v19 =	vcvt.f32.s32 v21  }
0x27b: {  	v21 =	vtrunc.f32 v23;
	v17 =	vmul.f32 v17, v27;
	v27 =	vld [tilespmem:s14+$0x4200]  }
0x27c: {  	v10 =	vmax.f32 v13, $0.0e+00;
	v13 =	vcvt.f32.s32 v21;
	v21 =	vld [tilespmem:s30+$0x4310];
	[tilespmem:s0+$0xC410] =	vst v11  }
0x27d: {  	v4 =	vmax.f32 v4, $0.0e+00;
	v23 =	vmul.f32 v25, v28;
	v25 =	vld.idx.msk [tilespmem:v22+s17+$0x0], $0xffff  }
0x27e: {  	v10 =	vmin.f32 v10, $9.999999400e-01;
	v4 =	vmin.f32 v4, $9.999999400e-01;
	v28 =	vld.idx.msk [tilespmem:v24+s17+$0x0], $0xffff  }
0x27f: {  	v11 =	vmin.f32 v14, $9.999999400e-01;
	v14 =	vmul.f32 $6.300000000e+01, v10;
	v22 =	vld.idx.msk [tilespmem:v22+s16+$0x0], $0xffff;
	v20 =	vadd.f32 v23, v20  }
0x280: {  	v6 =	vmul.f32 $6.300000000e+01, v4;
	v24 =	vld.idx.msk [tilespmem:v24+s16+$0x0], $0xffff;
	v12 =	vadd.f32 v17, v12  }
0x281: {  	s26 =	simm.s32 $0x1;
	v9 =	vld [tilespmem:s30+$0x4380];
	v23 =	vmul.f32 $6.300000000e+01, v11;
	v14 =	vtrunc.f32 v14;
	[tilespmem:s30+$0xC210] =	vst v20;
	v17 =	vmax.f32 v21, $0.0e+00  }
0x282: {  	s4 =	sand.u32 $0x3, s26;
	[tilespmem:s0+$0xC380] =	vst v12;
	v14 =	vcvt.f32.s32 v14;
	v20 =	vld.idx.msk [tilespmem:v13+s17+$0x0], $0xffff;
	v17 =	vmin.f32 v17, $9.999999400e-01;
	v5 =	vmul.f32 v5, v25  }
0x283: {  	s4 =	sshll.u32 s4, $0x5;
	v21 =	vld.idx.msk [tilespmem:v19+s17+$0x0], $0xffff;
	v16 =	vmul.f32 v16, v28;
	v12 =	vmul.f32 $6.300000000e+01, v17  }
0x284: {  	s8 =	sadd.s32 $0x100, s4;
	v13 =	vld.idx.msk [tilespmem:v13+s16+$0x0], $0xffff;
	v5 =	vadd.f32 v5, v22;
	v22 =	vtrunc.f32 v23;
	v23 =	vmax.f32 v27, $0.0e+00  }
0x285: {  	s4 =	sadd.s32 $0x10, s8;
	v19 =	vld.idx.msk [tilespmem:v19+s16+$0x0], $0xffff;
	v16 =	vadd.f32 v16, v24;
	v25 =	vtrunc.f32 v12;
	v12 =	vmin.f32 v23, $9.999999400e-01  }
0x286: {  	s1 =	sor.u32 $0x300, s4;
	v24 =	vld [tilespmem:s30+$0x4390];
	v23 =	vcvt.f32.s32 v25;
	[tilespmem:s0+$0xC490] =	vst v5;
	v25 =	vmul.f32 $6.300000000e+01, v12  }
0x287: {  	v6 =	vtrunc.f32 v6;
	[tilespmem:s30+$0xC200] =	vst v16;
	v5 =	vmax.f32 v26, $0.0e+00;
	v18 =	vmul.f32 v18, v20;
	v20 =	vld [tilespmem:s1+$0x4200]  }
0x288: {  	v6 =	vcvt.f32.s32 v6;
	v26 =	vmin.f32 v5, $9.999999400e-01;
	v16 =	vtrunc.f32 v25;
	v25 =	vld.idx.msk [tilespmem:v14+s17+$0x0], $0xffff  }
0x289: {  	v8 =	vld [tilespmem:s30+$0x4400];
	v22 =	vcvt.f32.s32 v22;
	v13 =	vadd.f32 v18, v13;
	v18 =	vmul.f32 $6.300000000e+01, v26  }
0x28a: {  	v15 =	vmul.f32 v15, v21;
	v14 =	vld.idx.msk [tilespmem:v14+s16+$0x0], $0xffff  }
0x28b: {  	v7 =	vld [tilespmem:s30+$0x4480];
	[tilespmem:s30+$0xC290] =	vst v13;
	v13 =	vmax.f32 v24, $0.0e+00;
	v18 =	vtrunc.f32 v18  }
0x28c: {  	v15 =	vadd.f32 v15, v19;
	v19 =	vld.idx.msk [tilespmem:v23+s17+$0x0], $0xffff;
	v13 =	vmin.f32 v13, $9.999999400e-01;
	v18 =	vcvt.f32.s32 v18  }
0x28d: {  	v21 =	vld.idx.msk [tilespmem:v23+s16+$0x0], $0xffff;
	v20 =	vmax.f32 v20, $0.0e+00;
	v23 =	vmul.f32 $6.300000000e+01, v13;
	v10 =	vmul.f32 v10, v25  }
0x28e: {  	v5 =	vld.idx.msk [tilespmem:v6+s17+$0x0], $0xffff;
	[tilespmem:s0+$0xC400] =	vst v15;
	v15 =	vmin.f32 v20, $9.999999400e-01  }
0x28f: {  	v20 =	vld.idx.msk [tilespmem:v22+s17+$0x0], $0xffff;
	v24 =	vmul.f32 $6.300000000e+01, v15;
	v23 =	vtrunc.f32 v23;
	v10 =	vadd.f32 v10, v14  }
0x290: {  	v16 =	vcvt.f32.s32 v16;
	v22 =	vld.idx.msk [tilespmem:v22+s16+$0x0], $0xffff;
	v14 =	vcvt.f32.s32 v23  }
0x291: {  	v23 =	vtrunc.f32 v24;
	v17 =	vmul.f32 v17, v19;
	v19 =	vld [tilespmem:s30+$0x4410];
	[tilespmem:s30+$0xC280] =	vst v10  }
0x292: {  	v23 =	vcvt.f32.s32 v23;
	v25 =	vld.idx.msk [tilespmem:v18+s17+$0x0], $0xffff  }
0x293: {  	v10 =	vadd.f32 v17, v21;
	v17 =	vld.idx.msk [tilespmem:v18+s16+$0x0], $0xffff  }
0x294: {  	v18 =	vld [tilespmem:s28+$0x4210]  }
0x295: {  	v6 =	vld.idx.msk [tilespmem:v6+s16+$0x0], $0xffff  }
0x296: {  	v24 =	vld.idx.msk [tilespmem:v16+s17+$0x0], $0xffff;
	[tilespmem:s30+$0xC310] =	vst v10;
	v19 =	vmax.f32 v19, $0.0e+00  }
0x297: {  	v11 =	vmul.f32 v11, v20;
	v10 =	vld.idx.msk [tilespmem:v14+s17+$0x0], $0xffff;
	v19 =	vmin.f32 v19, $9.999999400e-01  }
0x298: {  	v9 =	vmax.f32 v9, $0.0e+00;
	v21 =	vld.idx.msk [tilespmem:v23+s17+$0x0], $0xffff;
	v27 =	vmul.f32 $6.300000000e+01, v19  }
0x299: {  	v28 =	vmin.f32 v9, $9.999999400e-01;
	v11 =	vadd.f32 v11, v22;
	v14 =	vld.idx.msk [tilespmem:v14+s16+$0x0], $0xffff;
	v9 =	vmax.f32 v18, $0.0e+00  }
0x29a: {  	v23 =	vld.idx.msk [tilespmem:v23+s16+$0x0], $0xffff;
	v30 =	vmin.f32 v9, $9.999999400e-01;
	v18 =	vtrunc.f32 v27;
	v27 =	vmul.f32 $6.300000000e+01, v28  }
0x29b: {  	v16 =	vld.idx.msk [tilespmem:v16+s16+$0x0], $0xffff;
	v9 =	vmul.f32 $6.300000000e+01, v30;
	v18 =	vcvt.f32.s32 v18  }
0x29c: {  	[tilespmem:s0+$0xC480] =	vst v11;
	v11 =	vld [tilespmem:s28+$0x4480];
	v13 =	vmul.f32 v13, v10;
	v10 =	vtrunc.f32 v27  }
0x29d: {  	v27 =	vld [tilespmem:s28+$0x4300];
	v33 =	vtrunc.f32 v9;
	v15 =	vmul.f32 v15, v21  }
0x29e: {  	v9 =	vld [tilespmem:s28+$0x4400];
	v21 =	vcvt.f32.s32 v10;
	v13 =	vadd.f32 v13, v14;
	v14 =	vmul.f32 v26, v25  }
0x29f: {  	v25 =	vcvt.f32.s32 v33;
	v15 =	vadd.f32 v15, v23;
	v23 =	vld [tilespmem:s28+$0x4290]  }
0x2a0: {  	v10 =	vld [tilespmem:s28+$0x4380];
	[tilespmem:s30+$0xC390] =	vst v13;
	v13 =	vmax.f32 v31, $0.0e+00;
	v14 =	vadd.f32 v14, v17;
	v17 =	vmax.f32 v29, $0.0e+00  }
0x2a1: {  	v8 =	vmax.f32 v8, $0.0e+00;
	v13 =	vmin.f32 v13, $9.999999400e-01;
	v26 =	vld.idx.msk [tilespmem:v18+s17+$0x0], $0xffff;
	[tilespmem:s1+$0xC200] =	vst v15;
	v15 =	vmin.f32 v17, $9.999999400e-01  }
0x2a2: {  	s13 =	sor.u32 $0x380, s4;
	v29 =	vmin.f32 v8, $9.999999400e-01;
	v20 =	vmul.f32 $6.300000000e+01, v13;
	[tilespmem:s30+$0xC300] =	vst v14;
	v14 =	vld.idx.msk [tilespmem:v18+s16+$0x0], $0xffff;
	v8 =	vmul.f32 $6.300000000e+01, v15  }
0x2a3: {  	v18 =	vmul.f32 $6.300000000e+01, v29;
	v17 =	vld [tilespmem:s13+$0x4200]  }
0x2a4: {  	s23 =	simm.s32 $0x2;
	v22 =	vld.idx.msk [tilespmem:v21+s17+$0x0], $0xffff;
	v20 =	vtrunc.f32 v20;
	v8 =	vtrunc.f32 v8;
	v23 =	vmax.f32 v23, $0.0e+00  }
0x2a5: {  	s26 =	sor.u32 $0x380, s3;
	s3 =	simm.s32 $0x80;
	s4 =	simm.s32 $0x400;
	v31 =	vld.idx.msk [tilespmem:v25+s17+$0x0], $0xffff;
	v20 =	vcvt.f32.s32 v20;
	v47 =	vcvt.f32.s32 v8;
	v23 =	vmin.f32 v23, $9.999999400e-01  }
0x2a6: {  	s0 =	sand.u32 $0x3, s23;
	s23 =	sand.u32 $0x3C00, s4;
	s1 =	sand.u32 $0x60, s3;
	v8 =	vmul.f32 v19, v26;
	v19 =	vld.idx.msk [tilespmem:v25+s16+$0x0], $0xffff;
	v25 =	vmul.f32 $6.300000000e+01, v23  }
0x2a7: {  	v7 =	vmax.f32 v7, $0.0e+00;
	s29 =	sor.u32 s1, s23;
	v21 =	vld.idx.msk [tilespmem:v21+s16+$0x0], $0xffff;
	v18 =	vtrunc.f32 v18  }
0x2a8: {  	v35 =	vld [tilespmem:s29+$0x4200];
	v8 =	vadd.f32 v8, v14;
	v14 =	vcvt.f32.s32 v18;
	v18 =	vtrunc.f32 v25  }
0x2a9: {  	s6 =	sor.u32 $0x300, s8;
	v12 =	vmul.f32 v12, v24;
	v24 =	vmax.f32 v32, $0.0e+00;
	v26 =	vld [tilespmem:s28+$0x4310];
	v18 =	vcvt.f32.s32 v18  }
0x2aa: {  	v24 =	vmin.f32 v24, $9.999999400e-01;
	v25 =	vld [tilespmem:s6+$0x4200];
	[tilespmem:s30+$0xC410] =	vst v8;
	v8 =	vmax.f32 v17, $0.0e+00;
	v17 =	vmul.f32 v30, v31  }
0x2ab: {  	v12 =	vadd.f32 v12, v16;
	v16 =	vmul.f32 $6.300000000e+01, v24;
	v30 =	vld.idx.msk [tilespmem:v20+s17+$0x0], $0xffff;
	v8 =	vmin.f32 v8, $9.999999400e-01  }
0x2ac: {  	v31 =	vld.idx.msk [tilespmem:v47+s17+$0x0], $0xffff;
	v48 =	vmul.f32 $6.300000000e+01, v8;
	v17 =	vadd.f32 v17, v19;
	v19 =	vmul.f32 v28, v22  }
0x2ad: {  	v7 =	vmin.f32 v7, $9.999999400e-01;
	[tilespmem:s14+$0xC200] =	vst v12;
	v12 =	vtrunc.f32 v16;
	v20 =	vld.idx.msk [tilespmem:v20+s16+$0x0], $0xffff  }
0x2ae: {  	v16 =	vld.idx.msk [tilespmem:v47+s16+$0x0], $0xffff;
	v28 =	vtrunc.f32 v48;
	[tilespmem:s28+$0xC210] =	vst v17;
	v17 =	vadd.f32 v19, v21;
	v21 =	vmax.f32 v26, $0.0e+00  }
0x2af: {  	v22 =	vmul.f32 $6.300000000e+01, v7;
	v26 =	vcvt.f32.s32 v28;
	v28 =	vld.idx.msk [tilespmem:v18+s17+$0x0], $0xffff;
	v21 =	vmin.f32 v21, $9.999999400e-01  }
0x2b0: {  	v51 =	vld [tilespmem:s29+$0x4400];
	v13 =	vmul.f32 v13, v30;
	[tilespmem:s30+$0xC380] =	vst v17;
	v17 =	vmul.f32 $6.300000000e+01, v21  }
0x2b1: {  	s0 =	sshll.u32 s0, $0x5;
	v12 =	vcvt.f32.s32 v12;
	v18 =	vld.idx.msk [tilespmem:v18+s16+$0x0], $0xffff;
	v15 =	vmul.f32 v15, v31  }
0x2b2: {  	s22 =	sadd.s32 $0x200, s0;
	v30 =	vld.idx.msk [tilespmem:v14+s17+$0x0], $0xffff;
	v13 =	vadd.f32 v13, v20;
	v20 =	vtrunc.f32 v22;
	v17 =	vtrunc.f32 v17  }
0x2b3: {  	s0 =	sadd.s32 $0x10, s22;
	v14 =	vld.idx.msk [tilespmem:v14+s16+$0x0], $0xffff;
	v22 =	vmax.f32 v25, $0.0e+00;
	v15 =	vadd.f32 v15, v16;
	v16 =	vcvt.f32.s32 v17  }
0x2b4: {  	s11 =	sor.u32 $0x300, s0;
	v25 =	vmin.f32 v22, $9.999999400e-01;
	v22 =	vld [tilespmem:s28+$0x4390];
	[tilespmem:s30+$0xC490] =	vst v13;
	v23 =	vmul.f32 v23, v28  }
0x2b5: {  	v13 =	vmax.f32 v27, $0.0e+00;
	v27 =	vld [tilespmem:s11+$0x4200]  }
0x2b6: {  	v17 =	vmul.f32 $6.300000000e+01, v25;
	[tilespmem:s28+$0xC200] =	vst v15;
	v28 =	vld.idx.msk [tilespmem:v26+s17+$0x0], $0xffff;
	v18 =	vadd.f32 v23, v18  }
0x2b7: {  	v13 =	vmin.f32 v13, $9.999999400e-01;
	v31 =	vld.idx.msk [tilespmem:v12+s17+$0x0], $0xffff;
	v23 =	vmul.f32 v29, v30  }
0x2b8: {  	v12 =	vld.idx.msk [tilespmem:v12+s16+$0x0], $0xffff;
	v15 =	vtrunc.f32 v17;
	v29 =	vmul.f32 $6.300000000e+01, v13;
	[tilespmem:s28+$0xC290] =	vst v18  }
0x2b9: {  	v15 =	vcvt.f32.s32 v15;
	v18 =	vmax.f32 v22, $0.0e+00;
	v14 =	vadd.f32 v23, v14;
	v23 =	vld.idx.msk [tilespmem:v16+s17+$0x0], $0xffff  }
0x2ba: {  	v17 =	vld.idx.msk [tilespmem:v26+s16+$0x0], $0xffff;
	v22 =	vtrunc.f32 v29;
	v18 =	vmin.f32 v18, $9.999999400e-01  }
0x2bb: {  	v22 =	vcvt.f32.s32 v22;
	v16 =	vld.idx.msk [tilespmem:v16+s16+$0x0], $0xffff;
	v26 =	vmax.f32 v27, $0.0e+00;
	v27 =	vmul.f32 $6.300000000e+01, v18  }
0x2bc: {  	v19 =	vld [tilespmem:s26+$0x4200];
	[tilespmem:s30+$0xC400] =	vst v14;
	v24 =	vmul.f32 v24, v31;
	v14 =	vmin.f32 v26, $9.999999400e-01  }
0x2bd: {  	v31 =	vld [tilespmem:s29+$0x4210];
	v29 =	vmul.f32 $6.300000000e+01, v14;
	v27 =	vtrunc.f32 v27  }
0x2be: {  	v12 =	vadd.f32 v24, v12;
	v24 =	vcvt.f32.s32 v27;
	v21 =	vmul.f32 v21, v23;
	v23 =	vld [tilespmem:s28+$0x4410]  }
0x2bf: {  	v9 =	vmax.f32 v9, $0.0e+00;
	v10 =	vmax.f32 v10, $0.0e+00;
	v27 =	vtrunc.f32 v29;
	v29 =	vld.idx.msk [tilespmem:v15+s17+$0x0], $0xffff  }
0x2c0: {  	v9 =	vmin.f32 v9, $9.999999400e-01;
	[tilespmem:s28+$0xC280] =	vst v12;
	v12 =	vld.idx.msk [tilespmem:v15+s16+$0x0], $0xffff;
	v27 =	vcvt.f32.s32 v27;
	v16 =	vadd.f32 v21, v16  }
0x2c1: {  	v15 =	vld.idx.msk [tilespmem:v22+s17+$0x0], $0xffff;
	v21 =	vmin.f32 v10, $9.999999400e-01;
	v10 =	vmul.f32 v4, v5;
	v4 =	vmul.f32 $6.300000000e+01, v9  }
0x2c2: {  	v11 =	vmax.f32 v11, $0.0e+00;
	v30 =	vld.idx.msk [tilespmem:v22+s16+$0x0], $0xffff;
	v22 =	vmul.f32 $6.300000000e+01, v21  }
0x2c3: {  	v53 =	vld [tilespmem:s29+$0x4480];
	v20 =	vcvt.f32.s32 v20;
	[tilespmem:s28+$0xC310] =	vst v16;
	v4 =	vtrunc.f32 v4;
	v5 =	vmax.f32 v23, $0.0e+00  }
0x2c4: {  	v16 =	vld.idx.msk [tilespmem:v24+s17+$0x0], $0xffff;
	v22 =	vtrunc.f32 v22;
	v34 =	vcvt.f32.s32 v4;
	v4 =	vmax.f32 v31, $0.0e+00  }
0x2c5: {  	v49 =	vmin.f32 v5, $9.999999400e-01;
	v50 =	vcvt.f32.s32 v22;
	v5 =	vmin.f32 v11, $9.999999400e-01;
	v11 =	vld.idx.msk [tilespmem:v24+s16+$0x0], $0xffff  }
0x2c6: {  	v36 =	vmin.f32 v4, $9.999999400e-01;
	v23 =	vld.idx.msk [tilespmem:v27+s17+$0x0], $0xffff;
	v22 =	vmul.f32 $6.300000000e+01, v49;
	v24 =	vmul.f32 $6.300000000e+01, v5  }
0x2c7: {  	v59 =	vld [tilespmem:s29+$0x4390];
	v4 =	vmax.f32 v19, $0.0e+00;
	v13 =	vmul.f32 v13, v15;
	v19 =	vmul.f32 $6.300000000e+01, v36  }
0x2c8: {  	v27 =	vld.idx.msk [tilespmem:v27+s16+$0x0], $0xffff;
	v22 =	vtrunc.f32 v22;
	v24 =	vtrunc.f32 v24  }
0x2c9: {  	v37 =	vcvt.f32.s32 v22;
	v16 =	vmul.f32 v18, v16;
	v18 =	vld [tilespmem:s28+$0x4490]  }
0x2ca: {  	v26 =	vld.idx.msk [tilespmem:v20+s17+$0x0], $0xffff;
	v19 =	vtrunc.f32 v19;
	v22 =	vcvt.f32.s32 v24  }
0x2cb: {  	v20 =	vld.idx.msk [tilespmem:v20+s16+$0x0], $0xffff;
	v4 =	vmin.f32 v4, $9.999999400e-01;
	v19 =	vcvt.f32.s32 v19;
	v14 =	vmul.f32 v14, v23  }
0x2cc: {  	v31 =	vld [tilespmem:s29+$0x4280];
	v11 =	vadd.f32 v16, v11;
	v16 =	vmax.f32 v35, $0.0e+00;
	v23 =	vmul.f32 v8, v28  }
0x2cd: {  	v8 =	vmin.f32 v16, $9.999999400e-01;
	v16 =	vld [tilespmem:s29+$0x4290];
	v14 =	vadd.f32 v14, v27;
	v27 =	vmul.f32 $6.300000000e+01, v4  }
0x2ce: {  	v24 =	vld [tilespmem:s29+$0x4300];
	[tilespmem:s28+$0xC390] =	vst v11;
	v11 =	vadd.f32 v13, v30;
	v13 =	vmul.f32 $6.300000000e+01, v8;
	v18 =	vmax.f32 v18, $0.0e+00  }
0x2cf: {  	v7 =	vmul.f32 v7, v26;
	v28 =	vld.idx.msk [tilespmem:v37+s17+$0x0], $0xffff;
	[tilespmem:s11+$0xC200] =	vst v14;
	v14 =	vtrunc.f32 v27;
	v18 =	vmin.f32 v18, $9.999999400e-01  }
0x2d0: {  	[tilespmem:s28+$0xC300] =	vst v11;
	v11 =	vtrunc.f32 v13;
	v13 =	vld.idx.msk [tilespmem:v37+s16+$0x0], $0xffff;
	v27 =	vmul.f32 $6.300000000e+01, v18  }
0x2d1: {  	v7 =	vadd.f32 v7, v20;
	v20 =	vmul.f32 v25, v29;
	s11 =	sor.u32 $0x380, s0;
	v30 =	vld.idx.msk [tilespmem:v19+s17+$0x0], $0xffff;
	v25 =	vcvt.f32.s32 v11  }
0x2d2: {  	v26 =	vld [tilespmem:s11+$0x4200];
	v16 =	vmax.f32 v16, $0.0e+00;
	v27 =	vtrunc.f32 v27  }
0x2d3: {  	v29 =	vld.idx.msk [tilespmem:v50+s17+$0x0], $0xffff;
	v11 =	vmax.f32 v31, $0.0e+00;
	v52 =	vmin.f32 v16, $9.999999400e-01;
	v27 =	vcvt.f32.s32 v27  }
0x2d4: {  	v19 =	vld.idx.msk [tilespmem:v19+s16+$0x0], $0xffff;
	v31 =	vmin.f32 v11, $9.999999400e-01;
	v11 =	vmul.f32 $6.300000000e+01, v52;
	v28 =	vmul.f32 v49, v28  }
0x2d5: {  	v15 =	vld [tilespmem:s29+$0x4380];
	[tilespmem:s30+$0xC480] =	vst v7;
	v12 =	vadd.f32 v20, v12;
	v24 =	vmax.f32 v24, $0.0e+00;
	v7 =	vmul.f32 $6.300000000e+01, v31  }
0x2d6: {  	v16 =	vld.idx.msk [tilespmem:v50+s16+$0x0], $0xffff;
	v30 =	vmul.f32 v36, v30;
	v54 =	vtrunc.f32 v11;
	v13 =	vadd.f32 v28, v13  }
0x2d7: {  	v26 =	vmax.f32 v26, $0.0e+00;
	v11 =	vmin.f32 v24, $9.999999400e-01;
	v24 =	vld.idx.msk [tilespmem:v25+s17+$0x0], $0xffff;
	v33 =	vcvt.f32.s32 v54  }
0x2d8: {  	v7 =	vtrunc.f32 v7;
	v20 =	vmul.f32 v21, v29;
	v26 =	vmin.f32 v26, $9.999999400e-01;
	[tilespmem:s28+$0xC410] =	vst v13;
	v13 =	vld [tilespmem:s29+$0x4310]  }
0x2d9: {  	v19 =	vadd.f32 v30, v19;
	v30 =	vcvt.f32.s32 v14;
	v14 =	vld.idx.msk [tilespmem:v25+s16+$0x0], $0xffff;
	v38 =	vmul.f32 $6.300000000e+01, v26  }
0x2da: {  	[tilespmem:s6+$0xC200] =	vst v12;
	v12 =	vmax.f32 v15, $0.0e+00;
	s0 =	sor.u32 $0x300, s22;
	v55 =	vmul.f32 $6.300000000e+01, v11;
	v25 =	vcvt.f32.s32 v7;
	v21 =	vld.idx.msk [tilespmem:v27+s17+$0x0], $0xffff  }
0x2db: {  	v28 =	vld [tilespmem:s0+$0x4200];
	v7 =	vmin.f32 v12, $9.999999400e-01;
	v12 =	vmax.f32 v51, $0.0e+00;
	v38 =	vtrunc.f32 v38  }
0x2dc: {  	v16 =	vadd.f32 v20, v16;
	v15 =	vtrunc.f32 v55;
	[tilespmem:s29+$0xC210] =	vst v19;
	v27 =	vld.idx.msk [tilespmem:v27+s16+$0x0], $0xffff;
	v29 =	vcvt.f32.s32 v38  }
0x2dd: {  	s30 =	sor.u32 $0x380, s8;
	v15 =	vcvt.f32.s32 v15;
	v20 =	vmul.f32 v8, v24;
	v24 =	vld.idx.msk [tilespmem:v33+s17+$0x0], $0xffff;
	v8 =	vmax.f32 v13, $0.0e+00  }
0x2de: {  	s8 =	simm.s32 $0x3;
	v19 =	vld [tilespmem:s30+$0x4200];
	[tilespmem:s28+$0xC380] =	vst v16;
	v16 =	vmax.f32 v53, $0.0e+00;
	v13 =	vmul.f32 $6.300000000e+01, v7;
	v56 =	vmin.f32 v8, $9.999999400e-01  }
0x2df: {  	s23 =	sand.u32 $0x3, s8;
	v58 =	vld.idx.msk [tilespmem:v34+s16+$0x0], $0xffff;
	v18 =	vmul.f32 v18, v21;
	v8 =	vmin.f32 v12, $9.999999400e-01;
	v12 =	vmul.f32 $6.300000000e+01, v56  }
0x2e0: {  	s6 =	sshll.u32 s23, $0x5;
	v14 =	vadd.f32 v20, v14;
	v21 =	vld.idx.msk [tilespmem:v34+s17+$0x0], $0xffff;
	v20 =	vmul.f32 $6.300000000e+01, v8;
	v13 =	vtrunc.f32 v13  }
0x2e1: {  	s1 =	sadd.s32 $0x300, s6;
	v33 =	vld.idx.msk [tilespmem:v33+s16+$0x0], $0xffff;
	v18 =	vadd.f32 v18, v27;
	v27 =	vmax.f32 v28, $0.0e+00;
	v28 =	vtrunc.f32 v12  }
0x2e2: {  	s6 =	sadd.s32 $0x10, s1;
	v16 =	vmin.f32 v16, $9.999999400e-01;
	v57 =	vld.idx.msk [tilespmem:v29+s17+$0x0], $0xffff;
	v12 =	vcvt.f32.s32 v13;
	v24 =	vmul.f32 v52, v24  }
0x2e3: {  	s14 =	sor.u32 $0x300, s6;
	v29 =	vld.idx.msk [tilespmem:v29+s16+$0x0], $0xffff;
	v13 =	vmin.f32 v27, $9.999999400e-01;
	v27 =	vmul.f32 $6.300000000e+01, v16;
	v28 =	vcvt.f32.s32 v28;
	[tilespmem:s28+$0xC490] =	vst v18  }
0x2e4: {  	v60 =	vadd.f32 v10, v6;
	[tilespmem:s29+$0xC200] =	vst v14;
	v6 =	vtrunc.f32 v20;
	v18 =	vmul.f32 $6.300000000e+01, v13;
	v20 =	vld [tilespmem:s14+$0x4200]  }
0x2e5: {  	v14 =	vmax.f32 v19, $0.0e+00;
	v61 =	vld.idx.msk [tilespmem:v25+s17+$0x0], $0xffff;
	v10 =	vcvt.f32.s32 v6;
	v19 =	vmul.f32 v9, v21  }
0x2e6: {  	v62 =	vld.idx.msk [tilespmem:v25+s16+$0x0], $0xffff;
	v6 =	vtrunc.f32 v27;
	v24 =	vadd.f32 v24, v33;
	v18 =	vtrunc.f32 v18  }
0x2e7: {  	v21 =	vcvt.f32.s32 v18;
	v18 =	vld.idx.msk [tilespmem:v30+s17+$0x0], $0xffff;
	v25 =	vadd.f32 v19, v58;
	v19 =	vmax.f32 v59, $0.0e+00  }
0x2e8: {  	v14 =	vmin.f32 v14, $9.999999400e-01;
	v9 =	vcvt.f32.s32 v6;
	[tilespmem:s29+$0xC290] =	vst v24;
	v24 =	vmin.f32 v19, $9.999999400e-01;
	v19 =	vld.idx.msk [tilespmem:v30+s16+$0x0], $0xffff  }
0x2e9: {  	v6 =	vmul.f32 $6.300000000e+01, v14;
	v26 =	vmul.f32 v26, v57;
	v63 =	vld.idx.msk [tilespmem:v28+s17+$0x0], $0xffff;
	v20 =	vmax.f32 v20, $0.0e+00  }
0x2ea: {  	v31 =	vmul.f32 v31, v61;
	[tilespmem:s28+$0xC400] =	vst v25;
	v27 =	vld.idx.msk [tilespmem:v28+s16+$0x0], $0xffff;
	v28 =	vmul.f32 $6.300000000e+01, v24;
	v20 =	vmin.f32 v20, $9.999999400e-01  }
0x2eb: {  	v17 =	vadd.f32 v23, v17;
	v6 =	vtrunc.f32 v6;
	v25 =	vld.idx.msk [tilespmem:v22+s17+$0x0], $0xffff;
	v30 =	vmul.f32 $6.300000000e+01, v20  }
0x2ec: {  	[tilespmem:s31+$0xC200] =	vst v60;
	v6 =	vcvt.f32.s32 v6;
	v29 =	vadd.f32 v26, v29;
	v23 =	vld.idx.msk [tilespmem:v22+s16+$0x0], $0xffff;
	v26 =	vtrunc.f32 v28  }
0x2ed: {  	s31 =	sor.u32 $0x380, s22;
	[tilespmem:s13+$0xC200] =	vst v17;
	v28 =	vld [tilespmem:s29+$0x4410];
	v26 =	vcvt.f32.s32 v26;
	v22 =	vtrunc.f32 v30;
	v30 =	vadd.f32 v31, v62  }
0x2ee: {  	s23 =	sor.u32 $0x300, s1;
	s22 =	sor.u32 $0x380, s1;
	s13 =	simm.s32 $0x400;
	[tilespmem:s11+$0xC200] =	vst v29;
	v17 =	vld.idx.msk [tilespmem:v21+s17+$0x0], $0xffff;
	v29 =	vmul.f32 v56, v63;
	v22 =	vcvt.f32.s32 v22  }
.LBB2_9:
0x2ef: {  	s3 =	sadd.s32 $0x20, s3;
	[tilespmem:s29+$0xC280] =	vst v30;
	s4 =	sadd.s32 $0x100, s4;
	v21 =	vld.idx.msk [tilespmem:v21+s16+$0x0], $0xffff;
	v18 =	vmul.f32 v4, v18;
	v4 =	vmov v14  }
0x2f0: {  	s1 =	sand.u32 $0x60, s3;
	s11 =	sand.u32 $0x3C00, s4;
	p0 =	slt.u32 s3, $0x7E0;
	v14 =	vld.idx.msk [tilespmem:v15+s17+$0x0], $0xffff;
	v27 =	vadd.f32 v29, v27  }
0x2f1: {  	v25 =	vmul.f32 v5, v25;
	v5 =	vmov v16;
	s1 =	sor.u32 s1, s11;
	v15 =	vld.idx.msk [tilespmem:v15+s16+$0x0], $0xffff;
	v18 =	vadd.f32 v18, v19  }
0x2f2: {  	v16 =	vld [tilespmem:s1+$0x4210];
	[tilespmem:s29+$0xC310] =	vst v27  }
0x2f3: {  	v23 =	vadd.f32 v25, v23;
	v13 =	vmul.f32 v13, v17;
	v19 =	vld.idx.msk [tilespmem:v26+s17+$0x0], $0xffff;
	v27 =	vmax.f32 v28, $0.0e+00;
	[tilespmem:s26+$0xC200] =	vst v18;
	s26 =	smov.u32 s30;
	s30 =	smov.u32 s31;
	s31 =	smov.u32 s22  }
0x2f4: {  	v18 =	vmin.f32 v27, $9.999999400e-01;
	v17 =	vld.idx.msk [tilespmem:v22+s17+$0x0], $0xffff  }
0x2f5: {  	v13 =	vadd.f32 v13, v21;
	v25 =	vld.idx.msk [tilespmem:v26+s16+$0x0], $0xffff;
	v26 =	vmul.f32 $6.300000000e+01, v18;
	[tilespmem:s28+$0xC480] =	vst v23;
	s28 =	smov.u32 s29;
	s29 =	smov.u32 s1  }
0x2f6: {  	v11 =	vmul.f32 v11, v14;
	v14 =	vld.idx.msk [tilespmem:v22+s16+$0x0], $0xffff  }
0x2f7: {  	v21 =	vld [tilespmem:s29+$0x4200];
	v16 =	vmax.f32 v16, $0.0e+00;
	v22 =	vtrunc.f32 v26;
	[tilespmem:s0+$0xC200] =	vst v13;
	s0 =	smov.u32 s23  }
0x2f8: {  	v11 =	vadd.f32 v11, v15;
	v13 =	vld [tilespmem:s29+$0x4280];
	v16 =	vmin.f32 v16, $9.999999400e-01;
	v15 =	vcvt.f32.s32 v22  }
0x2f9: {  	v19 =	vmul.f32 v24, v19;
	v22 =	vmul.f32 $6.300000000e+01, v16;
	v23 =	vld [tilespmem:s28+$0x4490]  }
0x2fa: {  	v24 =	vld [tilespmem:s29+$0x4300];
	[tilespmem:s28+$0xC300] =	vst v11;
	v11 =	vmul.f32 v20, v17  }
0x2fb: {  	v19 =	vadd.f32 v19, v25;
	v20 =	vld [tilespmem:s29+$0x4380];
	v17 =	vtrunc.f32 v22  }
0x2fc: {  	v21 =	vmax.f32 v21, $0.0e+00;
	v22 =	vld [tilespmem:s29+$0x4400];
	v25 =	vcvt.f32.s32 v17;
	v11 =	vadd.f32 v11, v14  }
0x2fd: {  	v14 =	vmin.f32 v21, $9.999999400e-01;
	v13 =	vmax.f32 v13, $0.0e+00;
	v21 =	vld [tilespmem:s29+$0x4290];
	[tilespmem:s28+$0xC390] =	vst v19  }
0x2fe: {  	s11 =	sor.u32 $0x380, s6;
	v19 =	vmul.f32 $6.300000000e+01, v14;
	v17 =	vmin.f32 v13, $9.999999400e-01;
	v13 =	vld.idx.msk [tilespmem:v15+s17+$0x0], $0xffff;
	v23 =	vmax.f32 v23, $0.0e+00;
	[tilespmem:s14+$0xC200] =	vst v11  }
0x2ff: {  	v26 =	vmul.f32 $6.300000000e+01, v17;
	v11 =	vmax.f32 v24, $0.0e+00;
	v23 =	vmin.f32 v23, $9.999999400e-01;
	v24 =	vld [tilespmem:s11+$0x4200]  }
0x300: {  	v19 =	vtrunc.f32 v19;
	v11 =	vmin.f32 v11, $9.999999400e-01;
	v15 =	vld.idx.msk [tilespmem:v15+s16+$0x0], $0xffff;
	v27 =	vmul.f32 $6.300000000e+01, v23  }
0x301: {  	v20 =	vmax.f32 v20, $0.0e+00;
	v19 =	vcvt.f32.s32 v19;
	v26 =	vtrunc.f32 v26;
	v28 =	vld.idx.msk [tilespmem:v12+s17+$0x0], $0xffff  }
0x302: {  	v26 =	vcvt.f32.s32 v26;
	v29 =	vld.idx.msk [tilespmem:v25+s17+$0x0], $0xffff;
	v21 =	vmax.f32 v21, $0.0e+00;
	v27 =	vtrunc.f32 v27  }
0x303: {  	v30 =	vmul.f32 $6.300000000e+01, v11;
	v21 =	vmin.f32 v21, $9.999999400e-01;
	v31 =	vld.idx.msk [tilespmem:v12+s16+$0x0], $0xffff;
	v12 =	vcvt.f32.s32 v27  }
0x304: {  	v13 =	vmul.f32 v18, v13;
	v25 =	vld.idx.msk [tilespmem:v25+s16+$0x0], $0xffff;
	v27 =	vmul.f32 $6.300000000e+01, v21;
	v18 =	vmax.f32 v24, $0.0e+00  }
0x305: {  	v20 =	vmin.f32 v20, $9.999999400e-01;
	v24 =	vtrunc.f32 v30;
	v30 =	vld [tilespmem:s29+$0x4480];
	v18 =	vmin.f32 v18, $9.999999400e-01  }
0x306: {  	v13 =	vadd.f32 v13, v15;
	v27 =	vtrunc.f32 v27;
	v32 =	vld [tilespmem:s0+$0x4200];
	v33 =	vmul.f32 $6.300000000e+01, v18  }
0x307: {  	v22 =	vmax.f32 v22, $0.0e+00;
	v15 =	vcvt.f32.s32 v24;
	v34 =	vld.idx.msk [tilespmem:v19+s17+$0x0], $0xffff;
	v24 =	vcvt.f32.s32 v27  }
0x308: {  	v22 =	vmin.f32 v22, $9.999999400e-01;
	v16 =	vmul.f32 v16, v29;
	v27 =	vld [tilespmem:s29+$0x4310];
	[tilespmem:s28+$0xC410] =	vst v13;
	v13 =	vtrunc.f32 v33  }
0x309: {  	v29 =	vmul.f32 $6.300000000e+01, v20;
	v33 =	vld.idx.msk [tilespmem:v12+s17+$0x0], $0xffff;
	v35 =	vcvt.f32.s32 v13  }
0x30a: {  	v13 =	vmul.f32 $6.300000000e+01, v22;
	v16 =	vadd.f32 v16, v25;
	v25 =	vmul.f32 v7, v28;
	v7 =	vmovc v20;
	v19 =	vld.idx.msk [tilespmem:v19+s16+$0x0], $0xffff  }
0x30b: {  	v20 =	vtrunc.f32 v29;
	v28 =	vmax.f32 v30, $0.0e+00;
	v29 =	vld.idx.msk [tilespmem:v12+s16+$0x0], $0xffff;
	v30 =	vmax.f32 v32, $0.0e+00  }
0x30c: {  	v12 =	vcvt.f32.s32 v20;
	v13 =	vtrunc.f32 v13;
	v20 =	vadd.f32 v25, v31;
	[tilespmem:s29+$0xC210] =	vst v16;
	v25 =	vld [tilespmem:s30+$0x4200]  }
0x30d: {  	v14 =	vmul.f32 v14, v34;
	v31 =	vcvt.f32.s32 v13;
	v32 =	vld.idx.msk [tilespmem:v24+s17+$0x0], $0xffff;
	v13 =	vmax.f32 v27, $0.0e+00  }
0x30e: {  	s8 =	sadd.s32 $0x1, s8;
	v16 =	vmin.f32 v28, $9.999999400e-01;
	v24 =	vld.idx.msk [tilespmem:v24+s16+$0x0], $0xffff;
	v28 =	vmin.f32 v13, $9.999999400e-01;
	[tilespmem:s28+$0xC380] =	vst v20;
	v13 =	vmin.f32 v30, $9.999999400e-01  }
0x30f: {  	s1 =	sand.u32 $0x3, s8;
	v23 =	vmul.f32 v23, v33;
	v20 =	vmul.f32 $6.300000000e+01, v28;
	v27 =	vld.idx.msk [tilespmem:v35+s17+$0x0], $0xffff  }
0x310: {  	s1 =	sshll.u32 s1, $0x5;
	v14 =	vadd.f32 v14, v19;
	v19 =	vmul.f32 $6.300000000e+01, v16;
	v33 =	vmul.f32 $6.300000000e+01, v13;
	v30 =	vld.idx.msk [tilespmem:v10+s17+$0x0], $0xffff  }
0x311: {  	s1 =	sadd.s32 s1, s13;
	s13 =	smov.u32 s4;
	v23 =	vadd.f32 v23, v29;
	v20 =	vtrunc.f32 v20;
	v29 =	vld.idx.msk [tilespmem:v35+s16+$0x0], $0xffff;
	v25 =	vmax.f32 v25, $0.0e+00  }
0x312: {  	s23 =	sor.u32 $0x300, s1;
	s22 =	sor.u32 $0x380, s1;
	s6 =	sadd.s32 $0x10, s1;
	v19 =	vtrunc.f32 v19;
	[tilespmem:s29+$0xC200] =	vst v14;
	v20 =	vcvt.f32.s32 v20;
	v34 =	vld.idx.msk [tilespmem:v10+s16+$0x0], $0xffff;
	v14 =	vmin.f32 v25, $9.999999400e-01;
	v10 =	vmovc v31  }
0x313: {  	s14 =	sor.u32 $0x300, s6;
	v31 =	vcvt.f32.s32 v19;
	v19 =	vmul.f32 v21, v32;
	v25 =	vld [tilespmem:s29+$0x4390];
	[tilespmem:s28+$0xC490] =	vst v23  }
0x314: {  	v21 =	vtrunc.f32 v33;
	v32 =	vmul.f32 $6.300000000e+01, v14;
	v23 =	vld [tilespmem:s14+$0x4200]  }
0x315: {  	v21 =	vcvt.f32.s32 v21;
	v19 =	vadd.f32 v19, v24;
	v18 =	vmul.f32 v18, v27;
	v33 =	vld.idx.msk [tilespmem:v26+s17+$0x0], $0xffff  }
0x316: {  	v24 =	vmul.f32 v8, v30;
	v27 =	vtrunc.f32 v32;
	v8 =	vmov v22;
	v26 =	vld.idx.msk [tilespmem:v26+s16+$0x0], $0xffff  }
0x317: {  	v22 =	vcvt.f32.s32 v27;
	[tilespmem:s29+$0xC290] =	vst v19;
	v19 =	vadd.f32 v18, v29;
	v18 =	vld.idx.msk [tilespmem:v6+s17+$0x0], $0xffff  }
0x318: {  	v30 =	vadd.f32 v24, v34;
	v29 =	vld.idx.msk [tilespmem:v20+s17+$0x0], $0xffff;
	v25 =	vmax.f32 v25, $0.0e+00  }
0x319: {  	v24 =	vmin.f32 v25, $9.999999400e-01;
	v23 =	vmax.f32 v23, $0.0e+00;
	[tilespmem:s11+$0xC200] =	vst v19;
	v19 =	vld.idx.msk [tilespmem:v6+s16+$0x0], $0xffff;
	v6 =	vmov v22  }
.Ltmp6:
0x31a: {  	v27 =	vld.idx.msk [tilespmem:v20+s16+$0x0], $0xffff;
	v22 =	vmul.f32 $6.300000000e+01, v24;
	[tilespmem:s28+$0xC400] =	vst v30;
	v20 =	vmin.f32 v23, $9.999999400e-01;
	(pc) =	sbr.rel @p0 .LBB2_9-.Ltmp6, $4  }
0x31b: {  	v17 =	vmul.f32 v17, v33;
	v25 =	vld.idx.msk [tilespmem:v9+s17+$0x0], $0xffff;
	v32 =	vmul.f32 $6.300000000e+01, v20  }
0x31c: {  	v22 =	vtrunc.f32 v22;
	v23 =	vld.idx.msk [tilespmem:v9+s16+$0x0], $0xffff;
	v9 =	vmov v31  }
0x31d: {  	v30 =	vadd.f32 v17, v26;
	v26 =	vcvt.f32.s32 v22;
	v22 =	vtrunc.f32 v32;
	v17 =	vld.idx.msk [tilespmem:v21+s17+$0x0], $0xffff  }
0x31e: {  	v29 =	vmul.f32 v28, v29;
	v28 =	vld [tilespmem:s29+$0x4410];
	v22 =	vcvt.f32.s32 v22  }
0x31f: {  	_ =	sdelay $0x2  }
0x320: {  	[tilespmem:s29+$0xC280] =	vst v30  }
0x321: {  	v30 =	vld.idx.msk [tilespmem:v15+s17+$0x0], $0xffff;
	_ =	sdelay $0x1  }
0x322: {  	v54 =	vld.idx.msk [tilespmem:v15+s16+$0x0], $0xffff;
	_ =	sdelay $0x2  }
0x323: {  	v11 =	vmul.f32 v11, v30  }
0x324: {  	v27 =	vadd.f32 v29, v27  }
0x325: {  	v11 =	vadd.f32 v11, v54  }
0x326: {  	[tilespmem:s29+$0xC310] =	vst v27;
	v55 =	vmax.f32 v28, $0.0e+00  }
0x327: {  	v56 =	vld.idx.msk [tilespmem:v26+s17+$0x0], $0xffff;
	v27 =	vmin.f32 v55, $9.999999400e-01;
	[tilespmem:s29+$0xC300] =	vst v11  }
0x328: {  	v57 =	vmul.f32 $6.300000000e+01, v27;
	v62 =	vld.idx.msk [tilespmem:v12+s17+$0x0], $0xffff  }
0x329: {  	v58 =	vld.idx.msk [tilespmem:v26+s16+$0x0], $0xffff  }
0x32a: {  	v59 =	vtrunc.f32 v57;
	v63 =	vld.idx.msk [tilespmem:v12+s16+$0x0], $0xffff  }
0x32b: {  	v60 =	vld [tilespmem:s29+$0x4490];
	v15 =	vcvt.f32.s32 v59  }
0x32c: {  	v61 =	vmul.f32 v24, v56  }
0x32d: {  	v7 =	vmul.f32 v7, v62  }
0x32e: {  	v11 =	vadd.f32 v61, v58  }
0x32f: {  	v7 =	vadd.f32 v7, v63  }
0x330: {  	v28 =	vmax.f32 v60, $0.0e+00;
	[tilespmem:s29+$0xC390] =	vst v11  }
0x331: {  	v11 =	vmin.f32 v28, $9.999999400e-01;
	v29 =	vld.idx.msk [tilespmem:v15+s17+$0x0], $0xffff;
	[tilespmem:s29+$0xC380] =	vst v7  }
0x332: {  	v30 =	vmul.f32 $6.300000000e+01, v11;
	v33 =	vld.idx.msk [tilespmem:v10+s17+$0x0], $0xffff  }
0x333: {  	v15 =	vld.idx.msk [tilespmem:v15+s16+$0x0], $0xffff  }
0x334: {  	v31 =	vtrunc.f32 v30;
	v34 =	vld.idx.msk [tilespmem:v10+s16+$0x0], $0xffff  }
0x335: {  	v12 =	vcvt.f32.s32 v31  }
0x336: {  	v32 =	vmul.f32 v27, v29  }
0x337: {  	v8 =	vmul.f32 v8, v33  }
0x338: {  	v7 =	vadd.f32 v32, v15  }
0x339: {  	v8 =	vadd.f32 v8, v34  }
0x33a: {  	[tilespmem:s29+$0xC410] =	vst v7  }
0x33b: {  	v7 =	vld.idx.msk [tilespmem:v12+s17+$0x0], $0xffff;
	[tilespmem:s29+$0xC400] =	vst v8  }
0x33c: {  	v5 =	vmul.f32 v5, v25;
	v8 =	vld.idx.msk [tilespmem:v9+s17+$0x0], $0xffff  }
0x33d: {  	v12 =	vld.idx.msk [tilespmem:v12+s16+$0x0], $0xffff  }
0x33e: {  	v5 =	vadd.f32 v5, v23;
	v35 =	vld.idx.msk [tilespmem:v9+s16+$0x0], $0xffff  }
0x33f: {  	s1 =	sadd.s32 $0x1, s8  }
0x340: {  	s1 =	sand.u32 $0x3, s1;
	[tilespmem:s28+$0xC480] =	vst v5;
	v7 =	vmul.f32 v11, v7  }
0x341: {  	s1 =	sshll.u32 s1, $0x5;
	v5 =	vld [tilespmem:s23+$0x4200];
	v8 =	vmul.f32 v16, v8  }
0x342: {  	s1 =	sadd.s32 s1, s13;
	v7 =	vadd.f32 v7, v12  }
0x343: {  	s4 =	sadd.s32 $0x10, s1;
	v8 =	vadd.f32 v8, v35  }
0x344: {  	s13 =	sor.u32 $0x300, s4;
	[tilespmem:s29+$0xC490] =	vst v7  }
0x345: {  	s11 =	sor.u32 $0x300, s1;
	v7 =	vld [tilespmem:s13+$0x4200];
	[tilespmem:s29+$0xC480] =	vst v8  }
0x346: {  	v5 =	vmax.f32 v5, $0.0e+00;
	v8 =	vld [tilespmem:s11+$0x4200]  }
0x347: {  	v5 =	vmin.f32 v5, $9.999999400e-01  }
0x348: {  	v39 =	vmul.f32 $6.300000000e+01, v5;
	_ =	sdelay $0x1  }
0x349: {  	v12 =	vtrunc.f32 v39;
	v7 =	vmax.f32 v7, $0.0e+00  }
0x34a: {  	v12 =	vcvt.f32.s32 v12;
	v7 =	vmin.f32 v7, $9.999999400e-01;
	v8 =	vmax.f32 v8, $0.0e+00  }
0x34b: {  	v36 =	vmul.f32 $6.300000000e+01, v7;
	v8 =	vmin.f32 v8, $9.999999400e-01  }
0x34c: {  	v40 =	vmul.f32 $6.300000000e+01, v8  }
0x34d: {  	v9 =	vtrunc.f32 v36  }
0x34e: {  	v9 =	vcvt.f32.s32 v9;
	v15 =	vtrunc.f32 v40  }
0x34f: {  	v42 =	vld.idx.msk [tilespmem:v21+s16+$0x0], $0xffff;
	v15 =	vcvt.f32.s32 v15  }
0x350: {  	v43 =	vld.idx.msk [tilespmem:v12+s17+$0x0], $0xffff  }
0x351: {  	v37 =	vld.idx.msk [tilespmem:v22+s17+$0x0], $0xffff  }
0x352: {  	v12 =	vld.idx.msk [tilespmem:v12+s16+$0x0], $0xffff  }
0x353: {  	v38 =	vld.idx.msk [tilespmem:v22+s16+$0x0], $0xffff;
	v13 =	vmul.f32 v13, v17  }
0x354: {  	v41 =	vld.idx.msk [tilespmem:v9+s17+$0x0], $0xffff  }
0x355: {  	v13 =	vadd.f32 v13, v42;
	v5 =	vmul.f32 v5, v43;
	v44 =	vld.idx.msk [tilespmem:v15+s17+$0x0], $0xffff  }
0x356: {  	v9 =	vld.idx.msk [tilespmem:v9+s16+$0x0], $0xffff  }
0x357: {  	[tilespmem:s0+$0xC200] =	vst v13;
	v10 =	vmul.f32 v20, v37;
	v5 =	vadd.f32 v5, v12;
	v45 =	vld.idx.msk [tilespmem:v15+s16+$0x0], $0xffff  }
0x358: {  	v46 =	vld [tilespmem:s31+$0x4200]  }
0x359: {  	v10 =	vadd.f32 v10, v38;
	[tilespmem:s23+$0xC200] =	vst v5;
	v7 =	vmul.f32 v7, v41  }
0x35a: {  	v5 =	vld [tilespmem:s22+$0x4200];
	v8 =	vmul.f32 v8, v44  }
0x35b: {  	s3 =	sor.u32 $0x380, s6;
	[tilespmem:s14+$0xC200] =	vst v10;
	v7 =	vadd.f32 v7, v9  }
0x35c: {  	v10 =	vld [tilespmem:s3+$0x4200];
	v8 =	vadd.f32 v8, v45  }
0x35d: {  	s4 =	sor.u32 $0x380, s4;
	v11 =	vmax.f32 v46, $0.0e+00;
	[tilespmem:s13+$0xC200] =	vst v7  }
0x35e: {  	v11 =	vmin.f32 v11, $9.999999400e-01;
	s29 =	sor.u32 $0x380, s1;
	v7 =	vld [tilespmem:s4+$0x4200];
	[tilespmem:s11+$0xC200] =	vst v8  }
0x35f: {  	v51 =	vmul.f32 $6.300000000e+01, v11;
	v5 =	vmax.f32 v5, $0.0e+00;
	v49 =	vld [tilespmem:s29+$0x4200]  }
0x360: {  	v5 =	vmin.f32 v5, $9.999999400e-01  }
0x361: {  	v10 =	vmax.f32 v10, $0.0e+00;
	v13 =	vtrunc.f32 v51;
	v52 =	vmul.f32 $6.300000000e+01, v5  }
0x362: {  	v10 =	vmin.f32 v10, $9.999999400e-01;
	v13 =	vcvt.f32.s32 v13  }
0x363: {  	v47 =	vmul.f32 $6.300000000e+01, v10;
	v15 =	vtrunc.f32 v52;
	v7 =	vmax.f32 v7, $0.0e+00  }
0x364: {  	v15 =	vcvt.f32.s32 v15;
	v7 =	vmin.f32 v7, $9.999999400e-01;
	v9 =	vmax.f32 v49, $0.0e+00  }
0x365: {  	v48 =	vtrunc.f32 v47;
	v50 =	vmul.f32 $6.300000000e+01, v7;
	v9 =	vmin.f32 v9, $9.999999400e-01  }
0x366: {  	v55 =	vld.idx.msk [tilespmem:v6+s17+$0x0], $0xffff;
	v8 =	vcvt.f32.s32 v48;
	v54 =	vmul.f32 $6.300000000e+01, v9  }
0x367: {  	v56 =	vld.idx.msk [tilespmem:v6+s16+$0x0], $0xffff;
	v12 =	vtrunc.f32 v50  }
0x368: {  	v58 =	vld.idx.msk [tilespmem:v13+s17+$0x0], $0xffff;
	v12 =	vcvt.f32.s32 v12;
	v17 =	vtrunc.f32 v54  }
0x369: {  	v13 =	vld.idx.msk [tilespmem:v13+s16+$0x0], $0xffff;
	v17 =	vcvt.f32.s32 v17  }
0x36a: {  	v59 =	vld.idx.msk [tilespmem:v15+s17+$0x0], $0xffff  }
0x36b: {  	v15 =	vld.idx.msk [tilespmem:v15+s16+$0x0], $0xffff  }
0x36c: {  	v4 =	vmul.f32 v4, v18;
	v53 =	vld.idx.msk [tilespmem:v8+s17+$0x0], $0xffff  }
0x36d: {  	v8 =	vld.idx.msk [tilespmem:v8+s16+$0x0], $0xffff  }
0x36e: {  	v4 =	vadd.f32 v4, v19;
	v14 =	vmul.f32 v14, v55;
	v57 =	vld.idx.msk [tilespmem:v12+s17+$0x0], $0xffff  }
0x36f: {  	v60 =	vld.idx.msk [tilespmem:v17+s17+$0x0], $0xffff  }
0x370: {  	[tilespmem:s26+$0xC200] =	vst v4;
	v4 =	vadd.f32 v14, v56;
	v62 =	vmul.f32 v11, v58;
	v12 =	vld.idx.msk [tilespmem:v12+s16+$0x0], $0xffff  }
0x371: {  	v5 =	vmul.f32 v5, v59;
	v61 =	vld.idx.msk [tilespmem:v17+s16+$0x0], $0xffff  }
0x372: {  	[tilespmem:s30+$0xC200] =	vst v4;
	v4 =	vadd.f32 v62, v13;
	v10 =	vmul.f32 v10, v53  }
0x373: {  	v5 =	vadd.f32 v5, v15;
	v7 =	vmul.f32 v7, v57  }
0x374: {  	p0 =	seq.s32 s24, $0x7;
	[tilespmem:s31+$0xC200] =	vst v4;
	v8 =	vadd.f32 v10, v8;
	v63 =	vmul.f32 v9, v60  }
.Ltmp7:
0x375: {  	[tilespmem:s22+$0xC200] =	vst v5;
	v7 =	vadd.f32 v7, v12;
	(pc) =	sbr.rel @p0 .LBB2_12-.Ltmp7, $4  }
0x376: {  	[tilespmem:s3+$0xC200] =	vst v8;
	v4 =	vadd.f32 v63, v61  }
0x377: {  	[tilespmem:s4+$0xC200] =	vst v7  }
0x378: {  	s31 =	sadd.s32 s25, s9;
	[tilespmem:s29+$0xC200] =	vst v4  }
0x379: {  	[hbm4b:s31+s2] =	stream.linear.scatter [tilespmem:s21], [sflag:$0x4], $0x4000, $0x38;
	[tilespmem:$0x10200] =	vst v63  }
.Ltmp8:
0x37a: {  	(pc) =	sbr.rel .LBB2_2-.Ltmp8, $3  }
0x37b: {  	_ =	sdelay $0x1  }
0x37c: {  	s0 =	sadd.s32 s25, s10;
	s24 =	sadd.s32 $0x1, s24  }
0x37d: {  	[tilespmem:s12], [sflag:$0x2] =	stream.linear.gather [hbm4b:s0+s2], $0x4000, $0x38;
	[tilespmem:$0x10200] =	vst v63  }
.LBB2_13:
0x37e: {  	_ =	sfence.sel $0x180000  }
0x37f: {  	[bflag:$0x0] =	sbarrier.arrive $0xFFFF  }
0x380: {  	_ =	strace $0x90000047  }
0x381: {  	s0 =	stileid.u32;
	[bflag:$0x2] =	sbarrier.arrive $0xFFFF  }
0x382: {  	p0 =	sne.s32 s0, $0x0;
	s0 =	rddreg [dreg:$0x3]  }
0x383: {  	s0 =	sadd.s32 @!p0 $0x100000, s0  }
0x384: {  	[sflag:s0] =	ssyncadd.tile.s32 @!p0 $0x1;
	_ =	shalt  }
.Lfunc_end2:
_tile_overlayer_lowered:
.L_overlay_start_2:
0x385: {  	(tag) =	ssettag $0x2  }
0x386: {  	s0 =	rddreg [dreg:$0x0];
	s2 =	stileid.u32  }
0x387: {  	s1 =	rddreg [dreg:$0x1];
	p0 =	sne.s32 s2, $0x0  }
0x388: {  	s3 =	rddreg [dreg:$0x2];
	[bflag:$0x3] =	sbarrier.arrive $0xFFFF;
	s2 =	simm.s32 @!p0 $0x1C05  }
0x389: {  	[timem:s3], [sflag:s2] =	dma.local @!p0 [hbm:s0], s1  }
0x38a: {  	s0 =	simm.s32 @!p0 $0x5  }
0x38b: {  	_ =	swait.ge @!p0 [sflag:s0], s1  }
0x38c: {  	s1 =	ssub.s32 @!p0 $0x0, s1;
	[sflag:s0] =	ssyncset.done @!p0 $0x0  }
0x38d: {  	[sflag:s0] =	ssyncadd.s32 @!p0 s1  }
0x38e: {  	[bflag:$0x3] =	sbarrier.arrive $0xFFFF  }
0x38f: {  	_ =	shalt  }

</sc_bundles>
